<compile_context>
chip_gen: v7x
topology: tpu7x:2x2x1
jax: 0.10.2.dev20260603
libtpu: 0.0.44.dev20260713+nightly
codegen_flags: <defaults>
</compile_context>

<pallas_src>
import functools
import math

import jax
import jax.numpy as jnp
from jax import lax
from jax.experimental import pallas as pl
from jax.experimental.pallas import tpu as pltpu
from jax.experimental.pallas import tpu_sc as plsc

_NC = 2
_NS = 16


def _pick_block(n, target):
    if n % target == 0:
        return target
    return math.gcd(n, target)


def _proj_body(nf, wl, bl, wr, br, xl, xr):
    x = nf[...]
    xl[...] = jnp.dot(x, wl[...], preferred_element_type=jnp.float32) + bl[...]
    xr[...] = jnp.dot(x, wr[...], preferred_element_type=jnp.float32) + br[...]


def _project(nf, W_l, b_l, W_r, b_r):
    n, d = nf.shape
    hd = W_l.shape[1]
    rb = _pick_block(n, 2000)
    return pl.pallas_call(
        _proj_body,
        grid=(n // rb,),
        in_specs=[
            pl.BlockSpec((rb, d), lambda i: (i, 0)),
            pl.BlockSpec((d, hd), lambda i: (0, 0)),
            pl.BlockSpec((1, hd), lambda i: (0, 0)),
            pl.BlockSpec((d, hd), lambda i: (0, 0)),
            pl.BlockSpec((1, hd), lambda i: (0, 0)),
        ],
        out_specs=[pl.BlockSpec((rb, hd), lambda i: (i, 0))] * 2,
        out_shape=[jax.ShapeDtypeStruct((n, hd), jnp.float32)] * 2,
    )(nf, W_l, b_l.reshape(1, hd), W_r, b_r.reshape(1, hd))


def _edge_proj_body(ea, we, ew, esum):
    i = pl.program_id(0)
    e = jnp.dot(ea[...], we[...], preferred_element_type=jnp.float32)
    ew[...] = e
    s = jnp.broadcast_to(jnp.sum(e, axis=0, keepdims=True), esum.shape)

    @pl.when(i == 0)
    def _():
        esum[...] = s

    @pl.when(i != 0)
    def _():
        esum[...] += s


def _edge_project(edge_attr, W_e):
    e_total, de = edge_attr.shape
    hd = W_e.shape[1]
    eb = _pick_block(e_total, 8000)
    return pl.pallas_call(
        _edge_proj_body,
        grid=(e_total // eb,),
        in_specs=[
            pl.BlockSpec((eb, de), lambda i: (i, 0)),
            pl.BlockSpec((de, hd), lambda i: (0, 0)),
        ],
        out_specs=[
            pl.BlockSpec((eb, hd), lambda i: (i, 0)),
            pl.BlockSpec((8, hd), lambda i: (0, 0)),
        ],
        out_shape=[
            jax.ShapeDtypeStruct((e_total, hd), jnp.float32),
            jax.ShapeDtypeStruct((8, hd), jnp.float32),
        ],
    )(edge_attr, W_e)


def _build_edge_pass(n, e_total, hd, h, ch):
    epw = e_total // (_NC * _NS)
    chk = _pick_block(epw, 40)
    n_chunks = epw // chk
    rz = _pick_block(n, 40)
    n_rchunks = n // rz
    rc_per_tile = -(-n_rchunks // _NS)

    mesh = plsc.VectorSubcoreMesh(
        core_axis_name="c", subcore_axis_name="s",
        num_cores=_NC, num_subcores=_NS)

    @functools.partial(
        pl.kernel,
        out_type=(
            jax.ShapeDtypeStruct((e_total, hd), jnp.float32),
            jax.ShapeDtypeStruct((e_total, 16), jnp.float32),
        ),
        mesh=mesh,
        compiler_params=pltpu.CompilerParams(needs_layout_passes=False),
        scratch_types=(
            pltpu.VMEM((1, chk), jnp.int32),
            pltpu.VMEM((1, chk), jnp.int32),
            pltpu.VMEM((chk, hd), jnp.float32),
            pltpu.VMEM((chk, hd), jnp.float32),
            pltpu.VMEM((chk, hd), jnp.float32),
            pltpu.VMEM((chk, 16), jnp.float32),
            pltpu.VMEM((hd,), jnp.float32),
            pltpu.SemaphoreType.DMA,
            pltpu.SemaphoreType.DMA,
            pltpu.SemaphoreType.DMA,
        ),
    )
    def edge_pass(xl_hbm, xr_hbm, ew_hbm, src_hbm, dst_hbm, att_hbm,
                  msg_out, wrow_out,
                  sidx, didx, xl_v, xr_v, em_v,
                  wrow_v, att_v, sem0, sem1, sem2):
        cid = lax.axis_index("c")
        sid = lax.axis_index("s")
        wid = cid * _NS + sid

        zero16 = jnp.zeros((16,), jnp.float32)

        @pl.loop(0, chk)
        def _(r):
            for g in range(hd // 16):
                em_v[r, pl.ds(16 * g, 16)] = zero16
            wrow_v[r, :] = zero16

        pltpu.sync_copy(att_hbm, att_v)

        lane = lax.iota(jnp.int32, 16)
        att_g = [att_v[pl.ds(16 * g, 16)] for g in range(hd // 16)]
        base0 = wid * epw

        @pl.loop(0, n_chunks)
        def _(cnk):
            base = base0 + cnk * chk
            rowc = wid * n_chunks + cnk
            pltpu.sync_copy(src_hbm.at[pl.ds(rowc, 1)], sidx)
            pltpu.sync_copy(dst_hbm.at[pl.ds(rowc, 1)], didx)
            c1 = pltpu.async_copy(xl_hbm.at[sidx.at[0]], xl_v, sem0)
            c2 = pltpu.async_copy(xr_hbm.at[didx.at[0]], xr_v, sem1)
            c3 = pltpu.async_copy(ew_hbm.at[pl.ds(base, chk)], em_v, sem2)
            c1.wait()
            c2.wait()
            c3.wait()

            @pl.loop(0, chk, unroll=2)
            def _(ei):
                xls = []
                acc = [None] * h
                for g in range(hd // 16):
                    xg = xl_v[ei, pl.ds(16 * g, 16)]
                    xls.append(xg)
                    z = (xg + xr_v[ei, pl.ds(16 * g, 16)]
                         + em_v[ei, pl.ds(16 * g, 16)])
                    z = jnp.maximum(z, 0.2 * z)
                    p = z * att_g[g]
                    hh = (16 * g) // ch
                    acc[hh] = p if acc[hh] is None else acc[hh] + p
                ws = [jnp.exp(jnp.full((16,), jnp.sum(a), jnp.float32))
                      for a in acc]
                wv = ws[0]
                for hh in range(1, h):
                    wv = jnp.where(lane == hh, ws[hh], wv)
                wrow_v[ei, :] = wv
                for g in range(hd // 16):
                    em_v[ei, pl.ds(16 * g, 16)] = xls[g] * ws[(16 * g) // ch]

            pltpu.sync_copy(em_v, msg_out.at[pl.ds(base, chk)])
            pltpu.sync_copy(wrow_v, wrow_out.at[pl.ds(base, chk)])

    return edge_pass


def _erf(x):
    ax = jnp.abs(x)
    t = 1.0 / (1.0 + 0.3275911 * ax)
    poly = t * (0.254829592 + t * (-0.284496736 + t * (1.421413741
               + t * (-1.453152027 + t * 1.061405429))))
    y = 1.0 - poly * jnp.exp(-ax * ax)
    return jnp.sign(x) * y


def _epilogue_body(nf, xl, xr, agg_in, asum_in, esum, attf, bias, g1, b1, g2, b2,
                   w1, w2, out, *, e_total, h, ch):
    x = nf[...]
    xlv = xl[...]
    xrv = xr[...]
    rb = x.shape[0]
    es = esum[0:1, :] * (1.0 / e_total)
    z = xlv + xrv + es
    z = jnp.maximum(z, 0.2 * z)
    p = z * attf[...]
    ws = []
    for hh in range(h):
        lg = jnp.sum(p[:, ch * hh:ch * (hh + 1)], axis=1, keepdims=True)
        ws.append(jnp.exp(lg))
    w128 = jnp.concatenate(
        [jnp.broadcast_to(ws[hh], (rb, ch)) for hh in range(h)], axis=1)
    agg = agg_in[...] + xlv * w128
    asum = asum_in[...]
    inv = jnp.concatenate(
        [jnp.broadcast_to(1.0 / (asum[:, hh:hh + 1] + ws[hh] + 1e-16), (rb, ch))
         for hh in range(h)], axis=1)
    o = agg * inv + bias[...] + x
    mu = jnp.mean(o, axis=1, keepdims=True)
    var = jnp.mean((o - mu) ** 2, axis=1, keepdims=True)
    hh1 = (o - mu) * lax.rsqrt(var + 1e-5) * g1[...] + b1[...]
    m = jnp.dot(hh1, w1[...], preferred_element_type=jnp.float32)
    m = 0.5 * m * (1.0 + _erf(m * 0.7071067811865476))
    m = jnp.dot(m, w2[...], preferred_element_type=jnp.float32)
    hh2 = m + hh1
    mu2 = jnp.mean(hh2, axis=1, keepdims=True)
    var2 = jnp.mean((hh2 - mu2) ** 2, axis=1, keepdims=True)
    out[...] = (hh2 - mu2) * lax.rsqrt(var2 + 1e-5) * g2[...] + b2[...]


def _epilogue(nf, xl, xr, agg1, asum1, esum, attf, bias, g1, b1, g2, b2,
              w1, w2, e_total, h, ch):
    n, d = nf.shape
    hd = h * ch
    dm = w1.shape[1]
    rb = _pick_block(n, 2000)
    body = functools.partial(_epilogue_body, e_total=e_total, h=h, ch=ch)
    return pl.pallas_call(
        body,
        grid=(n // rb,),
        in_specs=[
            pl.BlockSpec((rb, d), lambda i: (i, 0)),
            pl.BlockSpec((rb, hd), lambda i: (i, 0)),
            pl.BlockSpec((rb, hd), lambda i: (i, 0)),
            pl.BlockSpec((rb, hd), lambda i: (i, 0)),
            pl.BlockSpec((rb, 16), lambda i: (i, 0)),
            pl.BlockSpec((8, hd), lambda i: (0, 0)),
            pl.BlockSpec((1, hd), lambda i: (0, 0)),
            pl.BlockSpec((1, hd), lambda i: (0, 0)),
            pl.BlockSpec((1, d), lambda i: (0, 0)),
            pl.BlockSpec((1, d), lambda i: (0, 0)),
            pl.BlockSpec((1, d), lambda i: (0, 0)),
            pl.BlockSpec((1, d), lambda i: (0, 0)),
            pl.BlockSpec((d, dm), lambda i: (0, 0)),
            pl.BlockSpec((dm, d), lambda i: (0, 0)),
        ],
        out_specs=pl.BlockSpec((rb, d), lambda i: (i, 0)),
        out_shape=jax.ShapeDtypeStruct((n, d), jnp.float32),
    )(nf, xl, xr, agg1, asum1, esum, attf, bias, g1, b1, g2, b2, w1, w2)


def kernel(node_feats, edge_index, edge_attr, W_l, b_l, W_r, b_r, W_e, att,
           bias, gamma1, beta1, gamma2, beta2, W_mlp1, W_mlp2):
    n, d = node_feats.shape
    e_total = edge_index.shape[1]
    h, ch = att.shape
    hd = h * ch

    xl, xr = _project(node_feats, W_l, b_l, W_r, b_r)
    ew, esum = _edge_project(edge_attr, W_e)

    chk = _pick_block(e_total // (_NC * _NS), 40)
    src = edge_index[0].reshape(e_total // chk, chk)
    dst = edge_index[1].reshape(e_total // chk, chk)
    edge_pass = _build_edge_pass(n, e_total, hd, h, ch)
    msg, wrow = edge_pass(xl, xr, ew, src, dst, att.reshape(hd))
    dstf = edge_index[1]
    agg1 = jax.ops.segment_sum(msg, dstf, num_segments=n)
    asum1 = jax.ops.segment_sum(wrow, dstf, num_segments=n)

    return _epilogue(node_feats, xl, xr, agg1, asum1, esum,
                     att.reshape(1, hd), bias.reshape(1, hd),
                     gamma1.reshape(1, d), beta1.reshape(1, d),
                     gamma2.reshape(1, d), beta2.reshape(1, d),
                     W_mlp1, W_mlp2, e_total, h, ch)

# --- scband reference (transcript-rebuilt; emitter-appended) ---
"""Pipeline reference for scband-gatv2-conv-module-28252294873712 (READ-ONLY COPY).

The authoritative reference and input builder live on the scoring server;
editing this copy changes nothing except your own understanding.
"""

import jax, jax.numpy as jnp
import numpy as np

N = 10000
E = 320000
D = 128
DE = 16
H = 4
CH = 32

def setup_inputs(seed: int = 0):
    key = jax.random.key(seed)
    ks = jax.random.split(key, 12)
    inp = {}
    inp["node_feats"] = jax.random.normal(ks[0], (N, D), dtype=jnp.float32)
    inp["edge_index"] = jax.random.randint(ks[1], (2, E), 0, N, dtype=jnp.int32)
    inp["edge_attr"] = jax.random.normal(ks[2], (E, DE), dtype=jnp.float32)
    inp["W_l"] = jax.random.normal(ks[3], (D, H * CH), dtype=jnp.float32) * 0.05
    inp["b_l"] = jnp.zeros((H * CH,), dtype=jnp.float32)
    inp["W_r"] = jax.random.normal(ks[4], (D, H * CH), dtype=jnp.float32) * 0.05
    inp["b_r"] = jnp.zeros((H * CH,), dtype=jnp.float32)
    inp["W_e"] = jax.random.normal(ks[5], (DE, H * CH), dtype=jnp.float32) * 0.05
    inp["att"] = jax.random.normal(ks[6], (H, CH), dtype=jnp.float32) * 0.05
    inp["bias"] = jnp.zeros((H * CH,), dtype=jnp.float32)
    inp["gamma1"] = jnp.ones((D,), dtype=jnp.float32)
    inp["beta1"] = jnp.zeros((D,), dtype=jnp.float32)
    inp["gamma2"] = jnp.ones((D,), dtype=jnp.float32)
    inp["beta2"] = jnp.zeros((D,), dtype=jnp.float32)
    inp["W_mlp1"] = jax.random.normal(ks[7], (D, 2 * D), dtype=jnp.float32) * 0.05
    inp["W_mlp2"] = jax.random.normal(ks[8], (2 * D, D), dtype=jnp.float32) * 0.05
    return inp

def _layer_norm(x, g, b):
    mu = jnp.mean(x, axis=-1, keepdims=True)
    var = jnp.var(x, axis=-1, keepdims=True)
    return (x - mu) / jnp.sqrt(var + 1e-5) * g + b

def reference(node_feats, edge_index, edge_attr, W_l, b_l, W_r, b_r, W_e, att, bias, gamma1, beta1, gamma2, beta2, W_mlp1, W_mlp2):
    n = node_feats.shape[0]
    # GATv2Conv (concat=True, heads=H, out=CH, edge_dim=DE, add_self_loops)
    x_l = (node_feats @ W_l + b_l).reshape(n, H, CH)
    x_r = (node_feats @ W_r + b_r).reshape(n, H, CH)
    loop = jnp.arange(n, dtype=edge_index.dtype)
    src = jnp.concatenate([edge_index[0], loop])
    dst = jnp.concatenate([edge_index[1], loop])
    ea_mean = jnp.mean(edge_attr, axis=0, keepdims=True)  # fill_value='mean' for self-loop edge_attr
    ea = jnp.concatenate([edge_attr, jnp.broadcast_to(ea_mean, (n, DE))], axis=0)
    e = (ea @ W_e).reshape(-1, H, CH)
    z = x_l[src] + x_r[dst] + e
    z = jax.nn.leaky_relu(z, negative_slope=0.2)
    alpha = jnp.sum(z * att[None, :, :], axis=-1)  # [E+N, H]
    amax = jax.lax.stop_gradient(jax.ops.segment_max(alpha, dst, num_segments=n))
    alpha = jnp.exp(alpha - amax[dst])
    asum = jax.ops.segment_sum(alpha, dst, num_segments=n)
    alpha = alpha / (asum[dst] + 1e-16)
    msg = x_l[src] * alpha[:, :, None]
    agg = jax.ops.segment_sum(msg, dst, num_segments=n)
    out = agg.reshape(n, H * CH) + bias
    # wrapper: dropout is identity in eval; residual + norms + MLP
    h = out + node_feats
    h = _layer_norm(h, gamma1, beta1)
    res = h
    m = h @ W_mlp1
    m = jax.nn.gelu(m, approximate=False)
    m = m @ W_mlp2
    h = m + res
    h = _layer_norm(h, gamma2, beta2)
    return h

if __name__ == "__main__":
    import jax
    _d = setup_inputs()
    print(jax.jit(kernel)(*tuple(_d.values())))

</pallas_src>

<mosaic_0001>
#map = affine_map<(d0, d1) -> (0, 0)>
#map1 = affine_map<(d0, d1) -> (0)>
module attributes {stable_mosaic.version = 14 : i64} {
  func.func @edge_pass(%arg0: i32, %arg1: i32, %arg2: memref<10000x128xf32, #tpu.memory_space<hbm>>, %arg3: memref<10000x128xf32, #tpu.memory_space<hbm>>, %arg4: memref<320000x128xf32, #tpu.memory_space<hbm>>, %arg5: memref<8000x40xi32, #tpu.memory_space<hbm>>, %arg6: memref<8000x40xi32, #tpu.memory_space<hbm>>, %arg7: memref<128xf32, #tpu.memory_space<hbm>>, %arg8: memref<320000x128xf32, #tpu.memory_space<hbm>>, %arg9: memref<320000x16xf32, #tpu.memory_space<hbm>>, %arg10: memref<1x40xi32, #tpu.memory_space<vmem>>, %arg11: memref<1x40xi32, #tpu.memory_space<vmem>>, %arg12: memref<40x128xf32, #tpu.memory_space<vmem>>, %arg13: memref<40x128xf32, #tpu.memory_space<vmem>>, %arg14: memref<40x128xf32, #tpu.memory_space<vmem>>, %arg15: memref<40x16xf32, #tpu.memory_space<vmem>>, %arg16: memref<128xf32, #tpu.memory_space<vmem>>, %arg17: memref<!tpu.dma_semaphore, #tpu.memory_space<semaphore_mem>>, %arg18: memref<!tpu.dma_semaphore, #tpu.memory_space<semaphore_mem>>, %arg19: memref<!tpu.dma_semaphore, #tpu.memory_space<semaphore_mem>>) attributes {dimension_semantics = [#tpu.dimension_semantics<core_parallel>, #tpu.dimension_semantics<subcore_parallel>], iteration_bounds = array<i64: 2, 16>, scalar_prefetch = 0 : i64, scratch_operands = 10 : i64, tpu.core_type = #tpu.core_type<sc_vector_subcore>, window_params = [{transform_indices = #map}, {transform_indices = #map}, {transform_indices = #map}, {transform_indices = #map}, {transform_indices = #map}, {transform_indices = #map1}, {transform_indices = #map}, {transform_indices = #map}]} {
    %mul3A = arith.constant 16 : i32
    %mul3A_0 = arith.muli %arg0, %mul3A : i32
    %add3A = arith.addi %mul3A_0, %arg1 : i32
    %broadcast_in_dim3A = arith.constant 0.000000e+00 : f32
    %broadcast_in_dim3A_1 = vector.broadcast %broadcast_in_dim3A : f32 to vector<16xf32>
    %scan3A = arith.constant 0 : i32
    %scan3A_2 = arith.constant 40 : i32
    %scan3A_3 = arith.addi %scan3A, %scan3A_2 : i32
    %scan3A_4 = arith.constant 1 : i32
    scf.for %scan3A_28 = %scan3A to %scan3A_3 step %scan3A_4  : i32 {
      %mul3A_29 = arith.constant 1 : i32
      %mul3A_30 = arith.muli %scan3A_28, %mul3A_29 : i32
      %add3A_31 = arith.constant 0 : i32
      %add3A_32 = arith.addi %add3A_31, %mul3A_30 : i32
      %swap3A = arith.index_cast %add3A_32 : i32 to index
      %swap3A_33 = arith.constant 0 : index
      %swap3A_34 = tpu.vector_load %arg14[%swap3A, %swap3A_33] {strides = array<i32>} : memref<40x128xf32, #tpu.memory_space<vmem>>, vector<16xf32>,
      tpu.vector_store %arg14[%swap3A, %swap3A_33], %broadcast_in_dim3A_1 {strides = array<i32>} : memref<40x128xf32, #tpu.memory_space<vmem>>, vector<16xf32>,
      %swap3A_35 = arith.index_cast %add3A_32 : i32 to index
      %swap3A_36 = arith.constant 16 : index
      %swap3A_37 = tpu.vector_load %arg14[%swap3A_35, %swap3A_36] {strides = array<i32>} : memref<40x128xf32, #tpu.memory_space<vmem>>, vector<16xf32>,
      tpu.vector_store %arg14[%swap3A_35, %swap3A_36], %broadcast_in_dim3A_1 {strides = array<i32>} : memref<40x128xf32, #tpu.memory_space<vmem>>, vector<16xf32>,
      %swap3A_38 = arith.index_cast %add3A_32 : i32 to index
      %swap3A_39 = arith.constant 32 : index
      %swap3A_40 = tpu.vector_load %arg14[%swap3A_38, %swap3A_39] {strides = array<i32>} : memref<40x128xf32, #tpu.memory_space<vmem>>, vector<16xf32>,
      tpu.vector_store %arg14[%swap3A_38, %swap3A_39], %broadcast_in_dim3A_1 {strides = array<i32>} : memref<40x128xf32, #tpu.memory_space<vmem>>, vector<16xf32>,
      %swap3A_41 = arith.index_cast %add3A_32 : i32 to index
      %swap3A_42 = arith.constant 48 : index
      %swap3A_43 = tpu.vector_load %arg14[%swap3A_41, %swap3A_42] {strides = array<i32>} : memref<40x128xf32, #tpu.memory_space<vmem>>, vector<16xf32>,
      tpu.vector_store %arg14[%swap3A_41, %swap3A_42], %broadcast_in_dim3A_1 {strides = array<i32>} : memref<40x128xf32, #tpu.memory_space<vmem>>, vector<16xf32>,
      %swap3A_44 = arith.index_cast %add3A_32 : i32 to index
      %swap3A_45 = arith.constant 64 : index
      %swap3A_46 = tpu.vector_load %arg14[%swap3A_44, %swap3A_45] {strides = array<i32>} : memref<40x128xf32, #tpu.memory_space<vmem>>, vector<16xf32>,
      tpu.vector_store %arg14[%swap3A_44, %swap3A_45], %broadcast_in_dim3A_1 {strides = array<i32>} : memref<40x128xf32, #tpu.memory_space<vmem>>, vector<16xf32>,
      %swap3A_47 = arith.index_cast %add3A_32 : i32 to index
      %swap3A_48 = arith.constant 80 : index
      %swap3A_49 = tpu.vector_load %arg14[%swap3A_47, %swap3A_48] {strides = array<i32>} : memref<40x128xf32, #tpu.memory_space<vmem>>, vector<16xf32>,
      tpu.vector_store %arg14[%swap3A_47, %swap3A_48], %broadcast_in_dim3A_1 {strides = array<i32>} : memref<40x128xf32, #tpu.memory_space<vmem>>, vector<16xf32>,
      %swap3A_50 = arith.index_cast %add3A_32 : i32 to index
      %swap3A_51 = arith.constant 96 : index
      %swap3A_52 = tpu.vector_load %arg14[%swap3A_50, %swap3A_51] {strides = array<i32>} : memref<40x128xf32, #tpu.memory_space<vmem>>, vector<16xf32>,
      tpu.vector_store %arg14[%swap3A_50, %swap3A_51], %broadcast_in_dim3A_1 {strides = array<i32>} : memref<40x128xf32, #tpu.memory_space<vmem>>, vector<16xf32>,
      %swap3A_53 = arith.index_cast %add3A_32 : i32 to index
      %swap3A_54 = arith.constant 112 : index
      %swap3A_55 = tpu.vector_load %arg14[%swap3A_53, %swap3A_54] {strides = array<i32>} : memref<40x128xf32, #tpu.memory_space<vmem>>, vector<16xf32>,
      tpu.vector_store %arg14[%swap3A_53, %swap3A_54], %broadcast_in_dim3A_1 {strides = array<i32>} : memref<40x128xf32, #tpu.memory_space<vmem>>, vector<16xf32>,
      %swap3A_56 = arith.index_cast %add3A_32 : i32 to index
      %swap3A_57 = arith.constant 0 : index
      %swap3A_58 = tpu.vector_load %arg15[%swap3A_56, %swap3A_57] {strides = array<i32>} : memref<40x16xf32, #tpu.memory_space<vmem>>, vector<16xf32>,
      tpu.vector_store %arg15[%swap3A_56, %swap3A_57], %broadcast_in_dim3A_1 {strides = array<i32>} : memref<40x16xf32, #tpu.memory_space<vmem>>, vector<16xf32>,
    }
    %scan3A_5 = arith.constant 40 : i32
    "tpu.region"() ({
      %run_scoped3A = tpu.sem_alloc : memref<!tpu.dma_semaphore, #tpu.memory_space<semaphore_mem>>
      tpu.enqueue_dma source(%arg7 : memref<128xf32, #tpu.memory_space<hbm>>) target(%arg16 : memref<128xf32, #tpu.memory_space<vmem>>) target_semaphore(%run_scoped3A : memref<!tpu.dma_semaphore, #tpu.memory_space<semaphore_mem>>)
      tpu.wait_dma2 semaphore(%run_scoped3A : memref<!tpu.dma_semaphore, #tpu.memory_space<semaphore_mem>>) src(%arg7 : memref<128xf32, #tpu.memory_space<hbm>>) dst(%arg16 : memref<128xf32, #tpu.memory_space<vmem>>)
      tpu.yield
    }) : () -> ()
    %iota3A = tpu.iota {dimensions = array<i32: 0>} : vector<16xi32>
    %get3A = arith.constant 0 : index
    %get3A_6 = tpu.vector_load %arg16[%get3A] {strides = array<i32>} : memref<128xf32, #tpu.memory_space<vmem>>, vector<16xf32>,
    %get3A_7 = arith.constant 16 : index
    %get3A_8 = tpu.vector_load %arg16[%get3A_7] {strides = array<i32>} : memref<128xf32, #tpu.memory_space<vmem>>, vector<16xf32>,
    %get3A_9 = arith.constant 32 : index
    %get3A_10 = tpu.vector_load %arg16[%get3A_9] {strides = array<i32>} : memref<128xf32, #tpu.memory_space<vmem>>, vector<16xf32>,
    %get3A_11 = arith.constant 48 : index
    %get3A_12 = tpu.vector_load %arg16[%get3A_11] {strides = array<i32>} : memref<128xf32, #tpu.memory_space<vmem>>, vector<16xf32>,
    %get3A_13 = arith.constant 64 : index
    %get3A_14 = tpu.vector_load %arg16[%get3A_13] {strides = array<i32>} : memref<128xf32, #tpu.memory_space<vmem>>, vector<16xf32>,
    %get3A_15 = arith.constant 80 : index
    %get3A_16 = tpu.vector_load %arg16[%get3A_15] {strides = array<i32>} : memref<128xf32, #tpu.memory_space<vmem>>, vector<16xf32>,
    %get3A_17 = arith.constant 96 : index
    %get3A_18 = tpu.vector_load %arg16[%get3A_17] {strides = array<i32>} : memref<128xf32, #tpu.memory_space<vmem>>, vector<16xf32>,
    %get3A_19 = arith.constant 112 : index
    %get3A_20 = tpu.vector_load %arg16[%get3A_19] {strides = array<i32>} : memref<128xf32, #tpu.memory_space<vmem>>, vector<16xf32>,
    %mul3A_21 = arith.constant 10000 : i32
    %mul3A_22 = arith.muli %add3A, %mul3A_21 : i32
    %scan3A_23 = arith.constant 0 : i32
    %scan3A_24 = arith.constant 250 : i32
    %scan3A_25 = arith.addi %scan3A_23, %scan3A_24 : i32
    %scan3A_26 = arith.constant 1 : i32
    scf.for %scan3A_28 = %scan3A_23 to %scan3A_25 step %scan3A_26  : i32 {
      %mul3A_29 = arith.constant 1 : i32
      %mul3A_30 = arith.muli %scan3A_28, %mul3A_29 : i32
      %add3A_31 = arith.constant 0 : i32
      %add3A_32 = arith.addi %add3A_31, %mul3A_30 : i32
      %mul3A_33 = arith.constant 40 : i32
      %mul3A_34 = arith.muli %add3A_32, %mul3A_33 : i32
      %add3A_35 = arith.addi %mul3A_22, %mul3A_34 : i32
      %mul3A_36 = arith.constant 250 : i32
      %mul3A_37 = arith.muli %add3A, %mul3A_36 : i32
      %add3A_38 = arith.addi %mul3A_37, %add3A_32 : i32
      "tpu.region"() ({
        %run_scoped3A = tpu.sem_alloc : memref<!tpu.dma_semaphore, #tpu.memory_space<semaphore_mem>>
        %dma_start3A_78 = arith.constant 0 : i32
        %dma_start3A_79 = tpu.memref_slice %arg5[%add3A_38, %dma_start3A_78] : memref<8000x40xi32, #tpu.memory_space<hbm>> -> memref<1x40xi32, #tpu.memory_space<hbm>>
        %dma_start3A_80 = arith.constant 0 : i32
        %dma_start3A_81 = tpu.memref_slice %arg5[%add3A_38, %dma_start3A_80] : memref<8000x40xi32, #tpu.memory_space<hbm>> -> memref<1x40xi32, #tpu.memory_space<hbm>>
        tpu.enqueue_dma source(%dma_start3A_81 : memref<1x40xi32, #tpu.memory_space<hbm>>) target(%arg10 : memref<1x40xi32, #tpu.memory_space<vmem>>) target_semaphore(%run_scoped3A : memref<!tpu.dma_semaphore, #tpu.memory_space<semaphore_mem>>)
        %dma_wait3A_82 = arith.constant 0 : i32
        %dma_wait3A_83 = tpu.memref_slice %arg5[%add3A_38, %dma_wait3A_82] : memref<8000x40xi32, #tpu.memory_space<hbm>> -> memref<1x40xi32, #tpu.memory_space<hbm>>
        %dma_wait3A_84 = arith.constant 0 : i32
        %dma_wait3A_85 = tpu.memref_slice %arg5[%add3A_38, %dma_wait3A_84] : memref<8000x40xi32, #tpu.memory_space<hbm>> -> memref<1x40xi32, #tpu.memory_space<hbm>>
        tpu.wait_dma2 semaphore(%run_scoped3A : memref<!tpu.dma_semaphore, #tpu.memory_space<semaphore_mem>>) src(%dma_wait3A_85 : memref<1x40xi32, #tpu.memory_space<hbm>>) dst(%arg10 : memref<1x40xi32, #tpu.memory_space<vmem>>)
        tpu.yield
      }) : () -> ()
      "tpu.region"() ({
        %run_scoped3A = tpu.sem_alloc : memref<!tpu.dma_semaphore, #tpu.memory_space<semaphore_mem>>
        %dma_start3A_78 = arith.constant 0 : i32
        %dma_start3A_79 = tpu.memref_slice %arg6[%add3A_38, %dma_start3A_78] : memref<8000x40xi32, #tpu.memory_space<hbm>> -> memref<1x40xi32, #tpu.memory_space<hbm>>
        %dma_start3A_80 = arith.constant 0 : i32
        %dma_start3A_81 = tpu.memref_slice %arg6[%add3A_38, %dma_start3A_80] : memref<8000x40xi32, #tpu.memory_space<hbm>> -> memref<1x40xi32, #tpu.memory_space<hbm>>
        tpu.enqueue_dma source(%dma_start3A_81 : memref<1x40xi32, #tpu.memory_space<hbm>>) target(%arg11 : memref<1x40xi32, #tpu.memory_space<vmem>>) target_semaphore(%run_scoped3A : memref<!tpu.dma_semaphore, #tpu.memory_space<semaphore_mem>>)
        %dma_wait3A_82 = arith.constant 0 : i32
        %dma_wait3A_83 = tpu.memref_slice %arg6[%add3A_38, %dma_wait3A_82] : memref<8000x40xi32, #tpu.memory_space<hbm>> -> memref<1x40xi32, #tpu.memory_space<hbm>>
        %dma_wait3A_84 = arith.constant 0 : i32
        %dma_wait3A_85 = tpu.memref_slice %arg6[%add3A_38, %dma_wait3A_84] : memref<8000x40xi32, #tpu.memory_space<hbm>> -> memref<1x40xi32, #tpu.memory_space<hbm>>
        tpu.wait_dma2 semaphore(%run_scoped3A : memref<!tpu.dma_semaphore, #tpu.memory_space<semaphore_mem>>) src(%dma_wait3A_85 : memref<1x40xi32, #tpu.memory_space<hbm>>) dst(%arg11 : memref<1x40xi32, #tpu.memory_space<vmem>>)
        tpu.yield
      }) : () -> ()
      %dma_start3A = arith.constant 0 : i32
      %dma_start3A_39 = arith.constant 0 : i32
      %dma_start3A_40 = tpu.memref_slice %arg10[%dma_start3A, %dma_start3A_39] : memref<1x40xi32, #tpu.memory_space<vmem>> -> memref<1x40xi32, #tpu.memory_space<vmem>>
      %dma_start3A_41 = tpu.memref_squeeze %dma_start3A_40 : memref<1x40xi32, #tpu.memory_space<vmem>> -> memref<40xi32, #tpu.memory_space<vmem>>
      %dma_start3A_42 = arith.constant 0 : i32
      %dma_start3A_43 = arith.constant 0 : i32
      %dma_start3A_44 = tpu.memref_slice %arg2[%dma_start3A_42, %dma_start3A_43] : memref<10000x128xf32, #tpu.memory_space<hbm>> -> memref<10000x128xf32, #tpu.memory_space<hbm>>
      tpu.enqueue_indirect_dma source(%dma_start3A_44 : memref<10000x128xf32, #tpu.memory_space<hbm>>) target(%arg12 : memref<40x128xf32, #tpu.memory_space<vmem>>) offsets(%dma_start3A_41 : memref<40xi32, #tpu.memory_space<vmem>>) semaphore(%arg17 : memref<!tpu.dma_semaphore, #tpu.memory_space<semaphore_mem>>)
      %dma_start3A_45 = arith.constant 0 : i32
      %dma_start3A_46 = arith.constant 0 : i32
      %dma_start3A_47 = tpu.memref_slice %arg11[%dma_start3A_45, %dma_start3A_46] : memref<1x40xi32, #tpu.memory_space<vmem>> -> memref<1x40xi32, #tpu.memory_space<vmem>>
      %dma_start3A_48 = tpu.memref_squeeze %dma_start3A_47 : memref<1x40xi32, #tpu.memory_space<vmem>> -> memref<40xi32, #tpu.memory_space<vmem>>
      %dma_start3A_49 = arith.constant 0 : i32
      %dma_start3A_50 = arith.constant 0 : i32
      %dma_start3A_51 = tpu.memref_slice %arg3[%dma_start3A_49, %dma_start3A_50] : memref<10000x128xf32, #tpu.memory_space<hbm>> -> memref<10000x128xf32, #tpu.memory_space<hbm>>
      tpu.enqueue_indirect_dma source(%dma_start3A_51 : memref<10000x128xf32, #tpu.memory_space<hbm>>) target(%arg13 : memref<40x128xf32, #tpu.memory_space<vmem>>) offsets(%dma_start3A_48 : memref<40xi32, #tpu.memory_space<vmem>>) semaphore(%arg18 : memref<!tpu.dma_semaphore, #tpu.memory_space<semaphore_mem>>)
      %dma_start3A_52 = arith.constant 0 : i32
      %dma_start3A_53 = tpu.memref_slice %arg4[%add3A_35, %dma_start3A_52] : memref<320000x128xf32, #tpu.memory_space<hbm>> -> memref<40x128xf32, #tpu.memory_space<hbm>>
      %dma_start3A_54 = arith.constant 0 : i32
      %dma_start3A_55 = tpu.memref_slice %arg4[%add3A_35, %dma_start3A_54] : memref<320000x128xf32, #tpu.memory_space<hbm>> -> memref<40x128xf32, #tpu.memory_space<hbm>>
      tpu.enqueue_dma source(%dma_start3A_55 : memref<40x128xf32, #tpu.memory_space<hbm>>) target(%arg14 : memref<40x128xf32, #tpu.memory_space<vmem>>) target_semaphore(%arg19 : memref<!tpu.dma_semaphore, #tpu.memory_space<semaphore_mem>>)
      %dma_wait3A = arith.constant 0 : i32
      %dma_wait3A_56 = arith.constant 0 : i32
      %dma_wait3A_57 = tpu.memref_slice %arg10[%dma_wait3A, %dma_wait3A_56] : memref<1x40xi32, #tpu.memory_space<vmem>> -> memref<1x40xi32, #tpu.memory_space<vmem>>
      %dma_wait3A_58 = tpu.memref_squeeze %dma_wait3A_57 : memref<1x40xi32, #tpu.memory_space<vmem>> -> memref<40xi32, #tpu.memory_space<vmem>>
      %dma_wait3A_59 = arith.constant 0 : i32
      %dma_wait3A_60 = arith.constant 0 : i32
      %dma_wait3A_61 = tpu.memref_slice %arg2[%dma_wait3A_59, %dma_wait3A_60] : memref<10000x128xf32, #tpu.memory_space<hbm>> -> memref<10000x128xf32, #tpu.memory_space<hbm>>
      tpu.wait_indirect_dma semaphore(%arg17 : memref<!tpu.dma_semaphore, #tpu.memory_space<semaphore_mem>>) src(%dma_wait3A_61 : memref<10000x128xf32, #tpu.memory_space<hbm>>) dst(%arg12 : memref<40x128xf32, #tpu.memory_space<vmem>>)
      %dma_wait3A_62 = arith.constant 0 : i32
      %dma_wait3A_63 = arith.constant 0 : i32
      %dma_wait3A_64 = tpu.memref_slice %arg11[%dma_wait3A_62, %dma_wait3A_63] : memref<1x40xi32, #tpu.memory_space<vmem>> -> memref<1x40xi32, #tpu.memory_space<vmem>>
      %dma_wait3A_65 = tpu.memref_squeeze %dma_wait3A_64 : memref<1x40xi32, #tpu.memory_space<vmem>> -> memref<40xi32, #tpu.memory_space<vmem>>
      %dma_wait3A_66 = arith.constant 0 : i32
      %dma_wait3A_67 = arith.constant 0 : i32
      %dma_wait3A_68 = tpu.memref_slice %arg3[%dma_wait3A_66, %dma_wait3A_67] : memref<10000x128xf32, #tpu.memory_space<hbm>> -> memref<10000x128xf32, #tpu.memory_space<hbm>>
      tpu.wait_indirect_dma semaphore(%arg18 : memref<!tpu.dma_semaphore, #tpu.memory_space<semaphore_mem>>) src(%dma_wait3A_68 : memref<10000x128xf32, #tpu.memory_space<hbm>>) dst(%arg13 : memref<40x128xf32, #tpu.memory_space<vmem>>)
      %dma_wait3A_69 = arith.constant 0 : i32
      %dma_wait3A_70 = tpu.memref_slice %arg4[%add3A_35, %dma_wait3A_69] : memref<320000x128xf32, #tpu.memory_space<hbm>> -> memref<40x128xf32, #tpu.memory_space<hbm>>
      %dma_wait3A_71 = arith.constant 0 : i32
      %dma_wait3A_72 = tpu.memref_slice %arg4[%add3A_35, %dma_wait3A_71] : memref<320000x128xf32, #tpu.memory_space<hbm>> -> memref<40x128xf32, #tpu.memory_space<hbm>>
      tpu.wait_dma2 semaphore(%arg19 : memref<!tpu.dma_semaphore, #tpu.memory_space<semaphore_mem>>) src(%dma_wait3A_72 : memref<40x128xf32, #tpu.memory_space<hbm>>) dst(%arg14 : memref<40x128xf32, #tpu.memory_space<vmem>>)
      %scan3A_73 = arith.constant 0 : i32
      %scan3A_74 = arith.constant 40 : i32
      %scan3A_75 = arith.addi %scan3A_73, %scan3A_74 : i32
      %scan3A_76 = arith.constant 2 : i32
      scf.for %scan3A_78 = %scan3A_73 to %scan3A_75 step %scan3A_76  : i32 {
        %mul3A_79 = arith.constant 1 : i32
        %mul3A_80 = arith.muli %scan3A_78, %mul3A_79 : i32
        %add3A_81 = arith.constant 0 : i32
        %add3A_82 = arith.addi %add3A_81, %mul3A_80 : i32
        %get3A_83 = arith.index_cast %add3A_82 : i32 to index
        %get3A_84 = arith.constant 0 : index
        %get3A_85 = tpu.vector_load %arg12[%get3A_83, %get3A_84] {strides = array<i32>} : memref<40x128xf32, #tpu.memory_space<vmem>>, vector<16xf32>,
        %get3A_86 = arith.index_cast %add3A_82 : i32 to index
        %get3A_87 = arith.constant 0 : index
        %get3A_88 = tpu.vector_load %arg13[%get3A_86, %get3A_87] {strides = array<i32>} : memref<40x128xf32, #tpu.memory_space<vmem>>, vector<16xf32>,
        %add3A_89 = arith.addf %get3A_85, %get3A_88 : vector<16xf32>
        %get3A_90 = arith.index_cast %add3A_82 : i32 to index
        %get3A_91 = arith.constant 0 : index
        %get3A_92 = tpu.vector_load %arg14[%get3A_90, %get3A_91] {strides = array<i32>} : memref<40x128xf32, #tpu.memory_space<vmem>>, vector<16xf32>,
        %add3A_93 = arith.addf %add3A_89, %get3A_92 : vector<16xf32>
        %mul3A_94 = arith.constant 2.000000e-01 : f32
        %mul3A_95 = vector.broadcast %mul3A_94 : f32 to vector<16xf32>
        %mul3A_96 = arith.mulf %mul3A_95, %add3A_93 : vector<16xf32>
        %max3A = arith.maximumf %add3A_93, %mul3A_96 : vector<16xf32>
        %mul3A_97 = arith.mulf %max3A, %get3A_6 : vector<16xf32>
        %get3A_98 = arith.index_cast %add3A_82 : i32 to index
        %get3A_99 = arith.constant 16 : index
        %get3A_100 = tpu.vector_load %arg12[%get3A_98, %get3A_99] {strides = array<i32>} : memref<40x128xf32, #tpu.memory_space<vmem>>, vector<16xf32>,
        %get3A_101 = arith.index_cast %add3A_82 : i32 to index
        %get3A_102 = arith.constant 16 : index
        %get3A_103 = tpu.vector_load %arg13[%get3A_101, %get3A_102] {strides = array<i32>} : memref<40x128xf32, #tpu.memory_space<vmem>>, vector<16xf32>,
        %add3A_104 = arith.addf %get3A_100, %get3A_103 : vector<16xf32>
        %get3A_105 = arith.index_cast %add3A_82 : i32 to index
        %get3A_106 = arith.constant 16 : index
        %get3A_107 = tpu.vector_load %arg14[%get3A_105, %get3A_106] {strides = array<i32>} : memref<40x128xf32, #tpu.memory_space<vmem>>, vector<16xf32>,
        %add3A_108 = arith.addf %add3A_104, %get3A_107 : vector<16xf32>
        %mul3A_109 = arith.constant 2.000000e-01 : f32
        %mul3A_110 = vector.broadcast %mul3A_109 : f32 to vector<16xf32>
        %mul3A_111 = arith.mulf %mul3A_110, %add3A_108 : vector<16xf32>
        %max3A_112 = arith.maximumf %add3A_108, %mul3A_111 : vector<16xf32>
        %mul3A_113 = arith.mulf %max3A_112, %get3A_8 : vector<16xf32>
        %add3A_114 = arith.addf %mul3A_97, %mul3A_113 : vector<16xf32>
        %get3A_115 = arith.index_cast %add3A_82 : i32 to index
        %get3A_116 = arith.constant 32 : index
        %get3A_117 = tpu.vector_load %arg12[%get3A_115, %get3A_116] {strides = array<i32>} : memref<40x128xf32, #tpu.memory_space<vmem>>, vector<16xf32>,
        %get3A_118 = arith.index_cast %add3A_82 : i32 to index
        %get3A_119 = arith.constant 32 : index
        %get3A_120 = tpu.vector_load %arg13[%get3A_118, %get3A_119] {strides = array<i32>} : memref<40x128xf32, #tpu.memory_space<vmem>>, vector<16xf32>,
        %add3A_121 = arith.addf %get3A_117, %get3A_120 : vector<16xf32>
        %get3A_122 = arith.index_cast %add3A_82 : i32 to index
        %get3A_123 = arith.constant 32 : index
        %get3A_124 = tpu.vector_load %arg14[%get3A_122, %get3A_123] {strides = array<i32>} : memref<40x128xf32, #tpu.memory_space<vmem>>, vector<16xf32>,
        %add3A_125 = arith.addf %add3A_121, %get3A_124 : vector<16xf32>
        %mul3A_126 = arith.constant 2.000000e-01 : f32
        %mul3A_127 = vector.broadcast %mul3A_126 : f32 to vector<16xf32>
        %mul3A_128 = arith.mulf %mul3A_127, %add3A_125 : vector<16xf32>
        %max3A_129 = arith.maximumf %add3A_125, %mul3A_128 : vector<16xf32>
        %mul3A_130 = arith.mulf %max3A_129, %get3A_10 : vector<16xf32>
        %get3A_131 = arith.index_cast %add3A_82 : i32 to index
        %get3A_132 = arith.constant 48 : index
        %get3A_133 = tpu.vector_load %arg12[%get3A_131, %get3A_132] {strides = array<i32>} : memref<40x128xf32, #tpu.memory_space<vmem>>, vector<16xf32>,
        %get3A_134 = arith.index_cast %add3A_82 : i32 to index
        %get3A_135 = arith.constant 48 : index
        %get3A_136 = tpu.vector_load %arg13[%get3A_134, %get3A_135] {strides = array<i32>} : memref<40x128xf32, #tpu.memory_space<vmem>>, vector<16xf32>,
        %add3A_137 = arith.addf %get3A_133, %get3A_136 : vector<16xf32>
        %get3A_138 = arith.index_cast %add3A_82 : i32 to index
        %get3A_139 = arith.constant 48 : index
        %get3A_140 = tpu.vector_load %arg14[%get3A_138, %get3A_139] {strides = array<i32>} : memref<40x128xf32, #tpu.memory_space<vmem>>, vector<16xf32>,
        %add3A_141 = arith.addf %add3A_137, %get3A_140 : vector<16xf32>
        %mul3A_142 = arith.constant 2.000000e-01 : f32
        %mul3A_143 = vector.broadcast %mul3A_142 : f32 to vector<16xf32>
        %mul3A_144 = arith.mulf %mul3A_143, %add3A_141 : vector<16xf32>
        %max3A_145 = arith.maximumf %add3A_141, %mul3A_144 : vector<16xf32>
        %mul3A_146 = arith.mulf %max3A_145, %get3A_12 : vector<16xf32>
        %add3A_147 = arith.addf %mul3A_130, %mul3A_146 : vector<16xf32>
        %get3A_148 = arith.index_cast %add3A_82 : i32 to index
        %get3A_149 = arith.constant 64 : index
        %get3A_150 = tpu.vector_load %arg12[%get3A_148, %get3A_149] {strides = array<i32>} : memref<40x128xf32, #tpu.memory_space<vmem>>, vector<16xf32>,
        %get3A_151 = arith.index_cast %add3A_82 : i32 to index
        %get3A_152 = arith.constant 64 : index
        %get3A_153 = tpu.vector_load %arg13[%get3A_151, %get3A_152] {strides = array<i32>} : memref<40x128xf32, #tpu.memory_space<vmem>>, vector<16xf32>,
        %add3A_154 = arith.addf %get3A_150, %get3A_153 : vector<16xf32>
        %get3A_155 = arith.index_cast %add3A_82 : i32 to index
        %get3A_156 = arith.constant 64 : index
        %get3A_157 = tpu.vector_load %arg14[%get3A_155, %get3A_156] {strides = array<i32>} : memref<40x128xf32, #tpu.memory_space<vmem>>, vector<16xf32>,
        %add3A_158 = arith.addf %add3A_154, %get3A_157 : vector<16xf32>
        %mul3A_159 = arith.constant 2.000000e-01 : f32
        %mul3A_160 = vector.broadcast %mul3A_159 : f32 to vector<16xf32>
        %mul3A_161 = arith.mulf %mul3A_160, %add3A_158 : vector<16xf32>
        %max3A_162 = arith.maximumf %add3A_158, %mul3A_161 : vector<16xf32>
        %mul3A_163 = arith.mulf %max3A_162, %get3A_14 : vector<16xf32>
        %get3A_164 = arith.index_cast %add3A_82 : i32 to index
        %get3A_165 = arith.constant 80 : index
        %get3A_166 = tpu.vector_load %arg12[%get3A_164, %get3A_165] {strides = array<i32>} : memref<40x128xf32, #tpu.memory_space<vmem>>, vector<16xf32>,
        %get3A_167 = arith.index_cast %add3A_82 : i32 to index
        %get3A_168 = arith.constant 80 : index
        %get3A_169 = tpu.vector_load %arg13[%get3A_167, %get3A_168] {strides = array<i32>} : memref<40x128xf32, #tpu.memory_space<vmem>>, vector<16xf32>,
        %add3A_170 = arith.addf %get3A_166, %get3A_169 : vector<16xf32>
        %get3A_171 = arith.index_cast %add3A_82 : i32 to index
        %get3A_172 = arith.constant 80 : index
        %get3A_173 = tpu.vector_load %arg14[%get3A_171, %get3A_172] {strides = array<i32>} : memref<40x128xf32, #tpu.memory_space<vmem>>, vector<16xf32>,
        %add3A_174 = arith.addf %add3A_170, %get3A_173 : vector<16xf32>
        %mul3A_175 = arith.constant 2.000000e-01 : f32
        %mul3A_176 = vector.broadcast %mul3A_175 : f32 to vector<16xf32>
        %mul3A_177 = arith.mulf %mul3A_176, %add3A_174 : vector<16xf32>
        %max3A_178 = arith.maximumf %add3A_174, %mul3A_177 : vector<16xf32>
        %mul3A_179 = arith.mulf %max3A_178, %get3A_16 : vector<16xf32>
        %add3A_180 = arith.addf %mul3A_163, %mul3A_179 : vector<16xf32>
        %get3A_181 = arith.index_cast %add3A_82 : i32 to index
        %get3A_182 = arith.constant 96 : index
        %get3A_183 = tpu.vector_load %arg12[%get3A_181, %get3A_182] {strides = array<i32>} : memref<40x128xf32, #tpu.memory_space<vmem>>, vector<16xf32>,
        %get3A_184 = arith.index_cast %add3A_82 : i32 to index
        %get3A_185 = arith.constant 96 : index
        %get3A_186 = tpu.vector_load %arg13[%get3A_184, %get3A_185] {strides = array<i32>} : memref<40x128xf32, #tpu.memory_space<vmem>>, vector<16xf32>,
        %add3A_187 = arith.addf %get3A_183, %get3A_186 : vector<16xf32>
        %get3A_188 = arith.index_cast %add3A_82 : i32 to index
        %get3A_189 = arith.constant 96 : index
        %get3A_190 = tpu.vector_load %arg14[%get3A_188, %get3A_189] {strides = array<i32>} : memref<40x128xf32, #tpu.memory_space<vmem>>, vector<16xf32>,
        %add3A_191 = arith.addf %add3A_187, %get3A_190 : vector<16xf32>
        %mul3A_192 = arith.constant 2.000000e-01 : f32
        %mul3A_193 = vector.broadcast %mul3A_192 : f32 to vector<16xf32>
        %mul3A_194 = arith.mulf %mul3A_193, %add3A_191 : vector<16xf32>
        %max3A_195 = arith.maximumf %add3A_191, %mul3A_194 : vector<16xf32>
        %mul3A_196 = arith.mulf %max3A_195, %get3A_18 : vector<16xf32>
        %get3A_197 = arith.index_cast %add3A_82 : i32 to index
        %get3A_198 = arith.constant 112 : index
        %get3A_199 = tpu.vector_load %arg12[%get3A_197, %get3A_198] {strides = array<i32>} : memref<40x128xf32, #tpu.memory_space<vmem>>, vector<16xf32>,
        %get3A_200 = arith.index_cast %add3A_82 : i32 to index
        %get3A_201 = arith.constant 112 : index
        %get3A_202 = tpu.vector_load %arg13[%get3A_200, %get3A_201] {strides = array<i32>} : memref<40x128xf32, #tpu.memory_space<vmem>>, vector<16xf32>,
        %add3A_203 = arith.addf %get3A_199, %get3A_202 : vector<16xf32>
        %get3A_204 = arith.index_cast %add3A_82 : i32 to index
        %get3A_205 = arith.constant 112 : index
        %get3A_206 = tpu.vector_load %arg14[%get3A_204, %get3A_205] {strides = array<i32>} : memref<40x128xf32, #tpu.memory_space<vmem>>, vector<16xf32>,
        %add3A_207 = arith.addf %add3A_203, %get3A_206 : vector<16xf32>
        %mul3A_208 = arith.constant 2.000000e-01 : f32
        %mul3A_209 = vector.broadcast %mul3A_208 : f32 to vector<16xf32>
        %mul3A_210 = arith.mulf %mul3A_209, %add3A_207 : vector<16xf32>
        %max3A_211 = arith.maximumf %add3A_207, %mul3A_210 : vector<16xf32>
        %mul3A_212 = arith.mulf %max3A_211, %get3A_20 : vector<16xf32>
        %add3A_213 = arith.addf %mul3A_196, %mul3A_212 : vector<16xf32>
        %reduce_sum3A = arith.constant true
        %reduce_sum3A_214 = vector.broadcast %reduce_sum3A : i1 to vector<16xi1>
        %reduce_sum3A_215 = tpu.scan <sum>, %add3A_114 masked %reduce_sum3A_214 : vector<16xf32>, vector<16xi1> -> vector<16xf32>
        %reduce_sum3A_216 = vector.extract %reduce_sum3A_215[15] : f32 from vector<16xf32>
        %broadcast_in_dim3A_217 = vector.broadcast %reduce_sum3A_216 : f32 to vector<16xf32>
        %exp3A = math.exp %broadcast_in_dim3A_217 : vector<16xf32>
        %reduce_sum3A_218 = arith.constant true
        %reduce_sum3A_219 = vector.broadcast %reduce_sum3A_218 : i1 to vector<16xi1>
        %reduce_sum3A_220 = tpu.scan <sum>, %add3A_147 masked %reduce_sum3A_219 : vector<16xf32>, vector<16xi1> -> vector<16xf32>
        %reduce_sum3A_221 = vector.extract %reduce_sum3A_220[15] : f32 from vector<16xf32>
        %broadcast_in_dim3A_222 = vector.broadcast %reduce_sum3A_221 : f32 to vector<16xf32>
        %exp3A_223 = math.exp %broadcast_in_dim3A_222 : vector<16xf32>
        %reduce_sum3A_224 = arith.constant true
        %reduce_sum3A_225 = vector.broadcast %reduce_sum3A_224 : i1 to vector<16xi1>
        %reduce_sum3A_226 = tpu.scan <sum>, %add3A_180 masked %reduce_sum3A_225 : vector<16xf32>, vector<16xi1> -> vector<16xf32>
        %reduce_sum3A_227 = vector.extract %reduce_sum3A_226[15] : f32 from vector<16xf32>
        %broadcast_in_dim3A_228 = vector.broadcast %reduce_sum3A_227 : f32 to vector<16xf32>
        %exp3A_229 = math.exp %broadcast_in_dim3A_228 : vector<16xf32>
        %reduce_sum3A_230 = arith.constant true
        %reduce_sum3A_231 = vector.broadcast %reduce_sum3A_230 : i1 to vector<16xi1>
        %reduce_sum3A_232 = tpu.scan <sum>, %add3A_213 masked %reduce_sum3A_231 : vector<16xf32>, vector<16xi1> -> vector<16xf32>
        %reduce_sum3A_233 = vector.extract %reduce_sum3A_232[15] : f32 from vector<16xf32>
        %broadcast_in_dim3A_234 = vector.broadcast %reduce_sum3A_233 : f32 to vector<16xf32>
        %exp3A_235 = math.exp %broadcast_in_dim3A_234 : vector<16xf32>
        %eq3A = arith.constant 1 : i32
        %eq3A_236 = vector.broadcast %eq3A : i32 to vector<16xi32>
        %eq3A_237 = arith.cmpi eq, %iota3A, %eq3A_236 : vector<16xi32>
        %select_n3A = arith.select %eq3A_237, %exp3A_223, %exp3A : vector<16xi1>, vector<16xf32>
        %eq3A_238 = arith.constant 2 : i32
        %eq3A_239 = vector.broadcast %eq3A_238 : i32 to vector<16xi32>
        %eq3A_240 = arith.cmpi eq, %iota3A, %eq3A_239 : vector<16xi32>
        %select_n3A_241 = arith.select %eq3A_240, %exp3A_229, %select_n3A : vector<16xi1>, vector<16xf32>
        %eq3A_242 = arith.constant 3 : i32
        %eq3A_243 = vector.broadcast %eq3A_242 : i32 to vector<16xi32>
        %eq3A_244 = arith.cmpi eq, %iota3A, %eq3A_243 : vector<16xi32>
        %select_n3A_245 = arith.select %eq3A_244, %exp3A_235, %select_n3A_241 : vector<16xi1>, vector<16xf32>
        %swap3A = arith.index_cast %add3A_82 : i32 to index
        %swap3A_246 = arith.constant 0 : index
        %swap3A_247 = tpu.vector_load %arg15[%swap3A, %swap3A_246] {strides = array<i32>} : memref<40x16xf32, #tpu.memory_space<vmem>>, vector<16xf32>,
        tpu.vector_store %arg15[%swap3A, %swap3A_246], %select_n3A_245 {strides = array<i32>} : memref<40x16xf32, #tpu.memory_space<vmem>>, vector<16xf32>,
        %mul3A_248 = arith.mulf %get3A_85, %exp3A : vector<16xf32>
        %swap3A_249 = arith.index_cast %add3A_82 : i32 to index
        %swap3A_250 = arith.constant 0 : index
        %swap3A_251 = tpu.vector_load %arg14[%swap3A_249, %swap3A_250] {strides = array<i32>} : memref<40x128xf32, #tpu.memory_space<vmem>>, vector<16xf32>,
        tpu.vector_store %arg14[%swap3A_249, %swap3A_250], %mul3A_248 {strides = array<i32>} : memref<40x128xf32, #tpu.memory_space<vmem>>, vector<16xf32>,
        %mul3A_252 = arith.mulf %get3A_100, %exp3A : vector<16xf32>
        %swap3A_253 = arith.index_cast %add3A_82 : i32 to index
        %swap3A_254 = arith.constant 16 : index
        %swap3A_255 = tpu.vector_load %arg14[%swap3A_253, %swap3A_254] {strides = array<i32>} : memref<40x128xf32, #tpu.memory_space<vmem>>, vector<16xf32>,
        tpu.vector_store %arg14[%swap3A_253, %swap3A_254], %mul3A_252 {strides = array<i32>} : memref<40x128xf32, #tpu.memory_space<vmem>>, vector<16xf32>,
        %mul3A_256 = arith.mulf %get3A_117, %exp3A_223 : vector<16xf32>
        %swap3A_257 = arith.index_cast %add3A_82 : i32 to index
        %swap3A_258 = arith.constant 32 : index
        %swap3A_259 = tpu.vector_load %arg14[%swap3A_257, %swap3A_258] {strides = array<i32>} : memref<40x128xf32, #tpu.memory_space<vmem>>, vector<16xf32>,
        tpu.vector_store %arg14[%swap3A_257, %swap3A_258], %mul3A_256 {strides = array<i32>} : memref<40x128xf32, #tpu.memory_space<vmem>>, vector<16xf32>,
        %mul3A_260 = arith.mulf %get3A_133, %exp3A_223 : vector<16xf32>
        %swap3A_261 = arith.index_cast %add3A_82 : i32 to index
        %swap3A_262 = arith.constant 48 : index
        %swap3A_263 = tpu.vector_load %arg14[%swap3A_261, %swap3A_262] {strides = array<i32>} : memref<40x128xf32, #tpu.memory_space<vmem>>, vector<16xf32>,
        tpu.vector_store %arg14[%swap3A_261, %swap3A_262], %mul3A_260 {strides = array<i32>} : memref<40x128xf32, #tpu.memory_space<vmem>>, vector<16xf32>,
        %mul3A_264 = arith.mulf %get3A_150, %exp3A_229 : vector<16xf32>
        %swap3A_265 = arith.index_cast %add3A_82 : i32 to index
        %swap3A_266 = arith.constant 64 : index
        %swap3A_267 = tpu.vector_load %arg14[%swap3A_265, %swap3A_266] {strides = array<i32>} : memref<40x128xf32, #tpu.memory_space<vmem>>, vector<16xf32>,
        tpu.vector_store %arg14[%swap3A_265, %swap3A_266], %mul3A_264 {strides = array<i32>} : memref<40x128xf32, #tpu.memory_space<vmem>>, vector<16xf32>,
        %mul3A_268 = arith.mulf %get3A_166, %exp3A_229 : vector<16xf32>
        %swap3A_269 = arith.index_cast %add3A_82 : i32 to index
        %swap3A_270 = arith.constant 80 : index
        %swap3A_271 = tpu.vector_load %arg14[%swap3A_269, %swap3A_270] {strides = array<i32>} : memref<40x128xf32, #tpu.memory_space<vmem>>, vector<16xf32>,
        tpu.vector_store %arg14[%swap3A_269, %swap3A_270], %mul3A_268 {strides = array<i32>} : memref<40x128xf32, #tpu.memory_space<vmem>>, vector<16xf32>,
        %mul3A_272 = arith.mulf %get3A_183, %exp3A_235 : vector<16xf32>
        %swap3A_273 = arith.index_cast %add3A_82 : i32 to index
        %swap3A_274 = arith.constant 96 : index
        %swap3A_275 = tpu.vector_load %arg14[%swap3A_273, %swap3A_274] {strides = array<i32>} : memref<40x128xf32, #tpu.memory_space<vmem>>, vector<16xf32>,
        tpu.vector_store %arg14[%swap3A_273, %swap3A_274], %mul3A_272 {strides = array<i32>} : memref<40x128xf32, #tpu.memory_space<vmem>>, vector<16xf32>,
        %mul3A_276 = arith.mulf %get3A_199, %exp3A_235 : vector<16xf32>
        %swap3A_277 = arith.index_cast %add3A_82 : i32 to index
        %swap3A_278 = arith.constant 112 : index
        %swap3A_279 = tpu.vector_load %arg14[%swap3A_277, %swap3A_278] {strides = array<i32>} : memref<40x128xf32, #tpu.memory_space<vmem>>, vector<16xf32>,
        tpu.vector_store %arg14[%swap3A_277, %swap3A_278], %mul3A_276 {strides = array<i32>} : memref<40x128xf32, #tpu.memory_space<vmem>>, vector<16xf32>,
        %scan3A_280 = arith.constant 1 : i32
        %scan3A_281 = arith.addi %scan3A_78, %scan3A_280 : i32
        %mul3A_282 = arith.constant 1 : i32
        %mul3A_283 = arith.muli %scan3A_281, %mul3A_282 : i32
        %add3A_284 = arith.constant 0 : i32
        %add3A_285 = arith.addi %add3A_284, %mul3A_283 : i32
        %get3A_286 = arith.index_cast %add3A_285 : i32 to index
        %get3A_287 = arith.constant 0 : index
        %get3A_288 = tpu.vector_load %arg12[%get3A_286, %get3A_287] {strides = array<i32>} : memref<40x128xf32, #tpu.memory_space<vmem>>, vector<16xf32>,
        %get3A_289 = arith.index_cast %add3A_285 : i32 to index
        %get3A_290 = arith.constant 0 : index
        %get3A_291 = tpu.vector_load %arg13[%get3A_289, %get3A_290] {strides = array<i32>} : memref<40x128xf32, #tpu.memory_space<vmem>>, vector<16xf32>,
        %add3A_292 = arith.addf %get3A_288, %get3A_291 : vector<16xf32>
        %get3A_293 = arith.index_cast %add3A_285 : i32 to index
        %get3A_294 = arith.constant 0 : index
        %get3A_295 = tpu.vector_load %arg14[%get3A_293, %get3A_294] {strides = array<i32>} : memref<40x128xf32, #tpu.memory_space<vmem>>, vector<16xf32>,
        %add3A_296 = arith.addf %add3A_292, %get3A_295 : vector<16xf32>
        %mul3A_297 = arith.constant 2.000000e-01 : f32
        %mul3A_298 = vector.broadcast %mul3A_297 : f32 to vector<16xf32>
        %mul3A_299 = arith.mulf %mul3A_298, %add3A_296 : vector<16xf32>
        %max3A_300 = arith.maximumf %add3A_296, %mul3A_299 : vector<16xf32>
        %mul3A_301 = arith.mulf %max3A_300, %get3A_6 : vector<16xf32>
        %get3A_302 = arith.index_cast %add3A_285 : i32 to index
        %get3A_303 = arith.constant 16 : index
        %get3A_304 = tpu.vector_load %arg12[%get3A_302, %get3A_303] {strides = array<i32>} : memref<40x128xf32, #tpu.memory_space<vmem>>, vector<16xf32>,
        %get3A_305 = arith.index_cast %add3A_285 : i32 to index
        %get3A_306 = arith.constant 16 : index
        %get3A_307 = tpu.vector_load %arg13[%get3A_305, %get3A_306] {strides = array<i32>} : memref<40x128xf32, #tpu.memory_space<vmem>>, vector<16xf32>,
        %add3A_308 = arith.addf %get3A_304, %get3A_307 : vector<16xf32>
        %get3A_309 = arith.index_cast %add3A_285 : i32 to index
        %get3A_310 = arith.constant 16 : index
        %get3A_311 = tpu.vector_load %arg14[%get3A_309, %get3A_310] {strides = array<i32>} : memref<40x128xf32, #tpu.memory_space<vmem>>, vector<16xf32>,
        %add3A_312 = arith.addf %add3A_308, %get3A_311 : vector<16xf32>
        %mul3A_313 = arith.constant 2.000000e-01 : f32
        %mul3A_314 = vector.broadcast %mul3A_313 : f32 to vector<16xf32>
        %mul3A_315 = arith.mulf %mul3A_314, %add3A_312 : vector<16xf32>
        %max3A_316 = arith.maximumf %add3A_312, %mul3A_315 : vector<16xf32>
        %mul3A_317 = arith.mulf %max3A_316, %get3A_8 : vector<16xf32>
        %add3A_318 = arith.addf %mul3A_301, %mul3A_317 : vector<16xf32>
        %get3A_319 = arith.index_cast %add3A_285 : i32 to index
        %get3A_320 = arith.constant 32 : index
        %get3A_321 = tpu.vector_load %arg12[%get3A_319, %get3A_320] {strides = array<i32>} : memref<40x128xf32, #tpu.memory_space<vmem>>, vector<16xf32>,
        %get3A_322 = arith.index_cast %add3A_285 : i32 to index
        %get3A_323 = arith.constant 32 : index
        %get3A_324 = tpu.vector_load %arg13[%get3A_322, %get3A_323] {strides = array<i32>} : memref<40x128xf32, #tpu.memory_space<vmem>>, vector<16xf32>,
        %add3A_325 = arith.addf %get3A_321, %get3A_324 : vector<16xf32>
        %get3A_326 = arith.index_cast %add3A_285 : i32 to index
        %get3A_327 = arith.constant 32 : index
        %get3A_328 = tpu.vector_load %arg14[%get3A_326, %get3A_327] {strides = array<i32>} : memref<40x128xf32, #tpu.memory_space<vmem>>, vector<16xf32>,
        %add3A_329 = arith.addf %add3A_325, %get3A_328 : vector<16xf32>
        %mul3A_330 = arith.constant 2.000000e-01 : f32
        %mul3A_331 = vector.broadcast %mul3A_330 : f32 to vector<16xf32>
        %mul3A_332 = arith.mulf %mul3A_331, %add3A_329 : vector<16xf32>
        %max3A_333 = arith.maximumf %add3A_329, %mul3A_332 : vector<16xf32>
        %mul3A_334 = arith.mulf %max3A_333, %get3A_10 : vector<16xf32>
        %get3A_335 = arith.index_cast %add3A_285 : i32 to index
        %get3A_336 = arith.constant 48 : index
        %get3A_337 = tpu.vector_load %arg12[%get3A_335, %get3A_336] {strides = array<i32>} : memref<40x128xf32, #tpu.memory_space<vmem>>, vector<16xf32>,
        %get3A_338 = arith.index_cast %add3A_285 : i32 to index
        %get3A_339 = arith.constant 48 : index
        %get3A_340 = tpu.vector_load %arg13[%get3A_338, %get3A_339] {strides = array<i32>} : memref<40x128xf32, #tpu.memory_space<vmem>>, vector<16xf32>,
        %add3A_341 = arith.addf %get3A_337, %get3A_340 : vector<16xf32>
        %get3A_342 = arith.index_cast %add3A_285 : i32 to index
        %get3A_343 = arith.constant 48 : index
        %get3A_344 = tpu.vector_load %arg14[%get3A_342, %get3A_343] {strides = array<i32>} : memref<40x128xf32, #tpu.memory_space<vmem>>, vector<16xf32>,
        %add3A_345 = arith.addf %add3A_341, %get3A_344 : vector<16xf32>
        %mul3A_346 = arith.constant 2.000000e-01 : f32
        %mul3A_347 = vector.broadcast %mul3A_346 : f32 to vector<16xf32>
        %mul3A_348 = arith.mulf %mul3A_347, %add3A_345 : vector<16xf32>
        %max3A_349 = arith.maximumf %add3A_345, %mul3A_348 : vector<16xf32>
        %mul3A_350 = arith.mulf %max3A_349, %get3A_12 : vector<16xf32>
        %add3A_351 = arith.addf %mul3A_334, %mul3A_350 : vector<16xf32>
        %get3A_352 = arith.index_cast %add3A_285 : i32 to index
        %get3A_353 = arith.constant 64 : index
        %get3A_354 = tpu.vector_load %arg12[%get3A_352, %get3A_353] {strides = array<i32>} : memref<40x128xf32, #tpu.memory_space<vmem>>, vector<16xf32>,
        %get3A_355 = arith.index_cast %add3A_285 : i32 to index
        %get3A_356 = arith.constant 64 : index
        %get3A_357 = tpu.vector_load %arg13[%get3A_355, %get3A_356] {strides = array<i32>} : memref<40x128xf32, #tpu.memory_space<vmem>>, vector<16xf32>,
        %add3A_358 = arith.addf %get3A_354, %get3A_357 : vector<16xf32>
        %get3A_359 = arith.index_cast %add3A_285 : i32 to index
        %get3A_360 = arith.constant 64 : index
        %get3A_361 = tpu.vector_load %arg14[%get3A_359, %get3A_360] {strides = array<i32>} : memref<40x128xf32, #tpu.memory_space<vmem>>, vector<16xf32>,
        %add3A_362 = arith.addf %add3A_358, %get3A_361 : vector<16xf32>
        %mul3A_363 = arith.constant 2.000000e-01 : f32
        %mul3A_364 = vector.broadcast %mul3A_363 : f32 to vector<16xf32>
        %mul3A_365 = arith.mulf %mul3A_364, %add3A_362 : vector<16xf32>
        %max3A_366 = arith.maximumf %add3A_362, %mul3A_365 : vector<16xf32>
        %mul3A_367 = arith.mulf %max3A_366, %get3A_14 : vector<16xf32>
        %get3A_368 = arith.index_cast %add3A_285 : i32 to index
        %get3A_369 = arith.constant 80 : index
        %get3A_370 = tpu.vector_load %arg12[%get3A_368, %get3A_369] {strides = array<i32>} : memref<40x128xf32, #tpu.memory_space<vmem>>, vector<16xf32>,
        %get3A_371 = arith.index_cast %add3A_285 : i32 to index
        %get3A_372 = arith.constant 80 : index
        %get3A_373 = tpu.vector_load %arg13[%get3A_371, %get3A_372] {strides = array<i32>} : memref<40x128xf32, #tpu.memory_space<vmem>>, vector<16xf32>,
        %add3A_374 = arith.addf %get3A_370, %get3A_373 : vector<16xf32>
        %get3A_375 = arith.index_cast %add3A_285 : i32 to index
        %get3A_376 = arith.constant 80 : index
        %get3A_377 = tpu.vector_load %arg14[%get3A_375, %get3A_376] {strides = array<i32>} : memref<40x128xf32, #tpu.memory_space<vmem>>, vector<16xf32>,
        %add3A_378 = arith.addf %add3A_374, %get3A_377 : vector<16xf32>
        %mul3A_379 = arith.constant 2.000000e-01 : f32
        %mul3A_380 = vector.broadcast %mul3A_379 : f32 to vector<16xf32>
        %mul3A_381 = arith.mulf %mul3A_380, %add3A_378 : vector<16xf32>
        %max3A_382 = arith.maximumf %add3A_378, %mul3A_381 : vector<16xf32>
        %mul3A_383 = arith.mulf %max3A_382, %get3A_16 : vector<16xf32>
        %add3A_384 = arith.addf %mul3A_367, %mul3A_383 : vector<16xf32>
        %get3A_385 = arith.index_cast %add3A_285 : i32 to index
        %get3A_386 = arith.constant 96 : index
        %get3A_387 = tpu.vector_load %arg12[%get3A_385, %get3A_386] {strides = array<i32>} : memref<40x128xf32, #tpu.memory_space<vmem>>, vector<16xf32>,
        %get3A_388 = arith.index_cast %add3A_285 : i32 to index
        %get3A_389 = arith.constant 96 : index
        %get3A_390 = tpu.vector_load %arg13[%get3A_388, %get3A_389] {strides = array<i32>} : memref<40x128xf32, #tpu.memory_space<vmem>>, vector<16xf32>,
        %add3A_391 = arith.addf %get3A_387, %get3A_390 : vector<16xf32>
        %get3A_392 = arith.index_cast %add3A_285 : i32 to index
        %get3A_393 = arith.constant 96 : index
        %get3A_394 = tpu.vector_load %arg14[%get3A_392, %get3A_393] {strides = array<i32>} : memref<40x128xf32, #tpu.memory_space<vmem>>, vector<16xf32>,
        %add3A_395 = arith.addf %add3A_391, %get3A_394 : vector<16xf32>
        %mul3A_396 = arith.constant 2.000000e-01 : f32
        %mul3A_397 = vector.broadcast %mul3A_396 : f32 to vector<16xf32>
        %mul3A_398 = arith.mulf %mul3A_397, %add3A_395 : vector<16xf32>
        %max3A_399 = arith.maximumf %add3A_395, %mul3A_398 : vector<16xf32>
        %mul3A_400 = arith.mulf %max3A_399, %get3A_18 : vector<16xf32>
        %get3A_401 = arith.index_cast %add3A_285 : i32 to index
        %get3A_402 = arith.constant 112 : index
        %get3A_403 = tpu.vector_load %arg12[%get3A_401, %get3A_402] {strides = array<i32>} : memref<40x128xf32, #tpu.memory_space<vmem>>, vector<16xf32>,
        %get3A_404 = arith.index_cast %add3A_285 : i32 to index
        %get3A_405 = arith.constant 112 : index
        %get3A_406 = tpu.vector_load %arg13[%get3A_404, %get3A_405] {strides = array<i32>} : memref<40x128xf32, #tpu.memory_space<vmem>>, vector<16xf32>,
        %add3A_407 = arith.addf %get3A_403, %get3A_406 : vector<16xf32>
        %get3A_408 = arith.index_cast %add3A_285 : i32 to index
        %get3A_409 = arith.constant 112 : index
        %get3A_410 = tpu.vector_load %arg14[%get3A_408, %get3A_409] {strides = array<i32>} : memref<40x128xf32, #tpu.memory_space<vmem>>, vector<16xf32>,
        %add3A_411 = arith.addf %add3A_407, %get3A_410 : vector<16xf32>
        %mul3A_412 = arith.constant 2.000000e-01 : f32
        %mul3A_413 = vector.broadcast %mul3A_412 : f32 to vector<16xf32>
        %mul3A_414 = arith.mulf %mul3A_413, %add3A_411 : vector<16xf32>
        %max3A_415 = arith.maximumf %add3A_411, %mul3A_414 : vector<16xf32>
        %mul3A_416 = arith.mulf %max3A_415, %get3A_20 : vector<16xf32>
        %add3A_417 = arith.addf %mul3A_400, %mul3A_416 : vector<16xf32>
        %reduce_sum3A_418 = arith.constant true
        %reduce_sum3A_419 = vector.broadcast %reduce_sum3A_418 : i1 to vector<16xi1>
        %reduce_sum3A_420 = tpu.scan <sum>, %add3A_318 masked %reduce_sum3A_419 : vector<16xf32>, vector<16xi1> -> vector<16xf32>
        %reduce_sum3A_421 = vector.extract %reduce_sum3A_420[15] : f32 from vector<16xf32>
        %broadcast_in_dim3A_422 = vector.broadcast %reduce_sum3A_421 : f32 to vector<16xf32>
        %exp3A_423 = math.exp %broadcast_in_dim3A_422 : vector<16xf32>
        %reduce_sum3A_424 = arith.constant true
        %reduce_sum3A_425 = vector.broadcast %reduce_sum3A_424 : i1 to vector<16xi1>
        %reduce_sum3A_426 = tpu.scan <sum>, %add3A_351 masked %reduce_sum3A_425 : vector<16xf32>, vector<16xi1> -> vector<16xf32>
        %reduce_sum3A_427 = vector.extract %reduce_sum3A_426[15] : f32 from vector<16xf32>
        %broadcast_in_dim3A_428 = vector.broadcast %reduce_sum3A_427 : f32 to vector<16xf32>
        %exp3A_429 = math.exp %broadcast_in_dim3A_428 : vector<16xf32>
        %reduce_sum3A_430 = arith.constant true
        %reduce_sum3A_431 = vector.broadcast %reduce_sum3A_430 : i1 to vector<16xi1>
        %reduce_sum3A_432 = tpu.scan <sum>, %add3A_384 masked %reduce_sum3A_431 : vector<16xf32>, vector<16xi1> -> vector<16xf32>
        %reduce_sum3A_433 = vector.extract %reduce_sum3A_432[15] : f32 from vector<16xf32>
        %broadcast_in_dim3A_434 = vector.broadcast %reduce_sum3A_433 : f32 to vector<16xf32>
        %exp3A_435 = math.exp %broadcast_in_dim3A_434 : vector<16xf32>
        %reduce_sum3A_436 = arith.constant true
        %reduce_sum3A_437 = vector.broadcast %reduce_sum3A_436 : i1 to vector<16xi1>
        %reduce_sum3A_438 = tpu.scan <sum>, %add3A_417 masked %reduce_sum3A_437 : vector<16xf32>, vector<16xi1> -> vector<16xf32>
        %reduce_sum3A_439 = vector.extract %reduce_sum3A_438[15] : f32 from vector<16xf32>
        %broadcast_in_dim3A_440 = vector.broadcast %reduce_sum3A_439 : f32 to vector<16xf32>
        %exp3A_441 = math.exp %broadcast_in_dim3A_440 : vector<16xf32>
        %eq3A_442 = arith.constant 1 : i32
        %eq3A_443 = vector.broadcast %eq3A_442 : i32 to vector<16xi32>
        %eq3A_444 = arith.cmpi eq, %iota3A, %eq3A_443 : vector<16xi32>
        %select_n3A_445 = arith.select %eq3A_444, %exp3A_429, %exp3A_423 : vector<16xi1>, vector<16xf32>
        %eq3A_446 = arith.constant 2 : i32
        %eq3A_447 = vector.broadcast %eq3A_446 : i32 to vector<16xi32>
        %eq3A_448 = arith.cmpi eq, %iota3A, %eq3A_447 : vector<16xi32>
        %select_n3A_449 = arith.select %eq3A_448, %exp3A_435, %select_n3A_445 : vector<16xi1>, vector<16xf32>
        %eq3A_450 = arith.constant 3 : i32
        %eq3A_451 = vector.broadcast %eq3A_450 : i32 to vector<16xi32>
        %eq3A_452 = arith.cmpi eq, %iota3A, %eq3A_451 : vector<16xi32>
        %select_n3A_453 = arith.select %eq3A_452, %exp3A_441, %select_n3A_449 : vector<16xi1>, vector<16xf32>
        %swap3A_454 = arith.index_cast %add3A_285 : i32 to index
        %swap3A_455 = arith.constant 0 : index
        %swap3A_456 = tpu.vector_load %arg15[%swap3A_454, %swap3A_455] {strides = array<i32>} : memref<40x16xf32, #tpu.memory_space<vmem>>, vector<16xf32>,
        tpu.vector_store %arg15[%swap3A_454, %swap3A_455], %select_n3A_453 {strides = array<i32>} : memref<40x16xf32, #tpu.memory_space<vmem>>, vector<16xf32>,
        %mul3A_457 = arith.mulf %get3A_288, %exp3A_423 : vector<16xf32>
        %swap3A_458 = arith.index_cast %add3A_285 : i32 to index
        %swap3A_459 = arith.constant 0 : index
        %swap3A_460 = tpu.vector_load %arg14[%swap3A_458, %swap3A_459] {strides = array<i32>} : memref<40x128xf32, #tpu.memory_space<vmem>>, vector<16xf32>,
        tpu.vector_store %arg14[%swap3A_458, %swap3A_459], %mul3A_457 {strides = array<i32>} : memref<40x128xf32, #tpu.memory_space<vmem>>, vector<16xf32>,
        %mul3A_461 = arith.mulf %get3A_304, %exp3A_423 : vector<16xf32>
        %swap3A_462 = arith.index_cast %add3A_285 : i32 to index
        %swap3A_463 = arith.constant 16 : index
        %swap3A_464 = tpu.vector_load %arg14[%swap3A_462, %swap3A_463] {strides = array<i32>} : memref<40x128xf32, #tpu.memory_space<vmem>>, vector<16xf32>,
        tpu.vector_store %arg14[%swap3A_462, %swap3A_463], %mul3A_461 {strides = array<i32>} : memref<40x128xf32, #tpu.memory_space<vmem>>, vector<16xf32>,
        %mul3A_465 = arith.mulf %get3A_321, %exp3A_429 : vector<16xf32>
        %swap3A_466 = arith.index_cast %add3A_285 : i32 to index
        %swap3A_467 = arith.constant 32 : index
        %swap3A_468 = tpu.vector_load %arg14[%swap3A_466, %swap3A_467] {strides = array<i32>} : memref<40x128xf32, #tpu.memory_space<vmem>>, vector<16xf32>,
        tpu.vector_store %arg14[%swap3A_466, %swap3A_467], %mul3A_465 {strides = array<i32>} : memref<40x128xf32, #tpu.memory_space<vmem>>, vector<16xf32>,
        %mul3A_469 = arith.mulf %get3A_337, %exp3A_429 : vector<16xf32>
        %swap3A_470 = arith.index_cast %add3A_285 : i32 to index
        %swap3A_471 = arith.constant 48 : index
        %swap3A_472 = tpu.vector_load %arg14[%swap3A_470, %swap3A_471] {strides = array<i32>} : memref<40x128xf32, #tpu.memory_space<vmem>>, vector<16xf32>,
        tpu.vector_store %arg14[%swap3A_470, %swap3A_471], %mul3A_469 {strides = array<i32>} : memref<40x128xf32, #tpu.memory_space<vmem>>, vector<16xf32>,
        %mul3A_473 = arith.mulf %get3A_354, %exp3A_435 : vector<16xf32>
        %swap3A_474 = arith.index_cast %add3A_285 : i32 to index
        %swap3A_475 = arith.constant 64 : index
        %swap3A_476 = tpu.vector_load %arg14[%swap3A_474, %swap3A_475] {strides = array<i32>} : memref<40x128xf32, #tpu.memory_space<vmem>>, vector<16xf32>,
        tpu.vector_store %arg14[%swap3A_474, %swap3A_475], %mul3A_473 {strides = array<i32>} : memref<40x128xf32, #tpu.memory_space<vmem>>, vector<16xf32>,
        %mul3A_477 = arith.mulf %get3A_370, %exp3A_435 : vector<16xf32>
        %swap3A_478 = arith.index_cast %add3A_285 : i32 to index
        %swap3A_479 = arith.constant 80 : index
        %swap3A_480 = tpu.vector_load %arg14[%swap3A_478, %swap3A_479] {strides = array<i32>} : memref<40x128xf32, #tpu.memory_space<vmem>>, vector<16xf32>,
        tpu.vector_store %arg14[%swap3A_478, %swap3A_479], %mul3A_477 {strides = array<i32>} : memref<40x128xf32, #tpu.memory_space<vmem>>, vector<16xf32>,
        %mul3A_481 = arith.mulf %get3A_387, %exp3A_441 : vector<16xf32>
        %swap3A_482 = arith.index_cast %add3A_285 : i32 to index
        %swap3A_483 = arith.constant 96 : index
        %swap3A_484 = tpu.vector_load %arg14[%swap3A_482, %swap3A_483] {strides = array<i32>} : memref<40x128xf32, #tpu.memory_space<vmem>>, vector<16xf32>,
        tpu.vector_store %arg14[%swap3A_482, %swap3A_483], %mul3A_481 {strides = array<i32>} : memref<40x128xf32, #tpu.memory_space<vmem>>, vector<16xf32>,
        %mul3A_485 = arith.mulf %get3A_403, %exp3A_441 : vector<16xf32>
        %swap3A_486 = arith.index_cast %add3A_285 : i32 to index
        %swap3A_487 = arith.constant 112 : index
        %swap3A_488 = tpu.vector_load %arg14[%swap3A_486, %swap3A_487] {strides = array<i32>} : memref<40x128xf32, #tpu.memory_space<vmem>>, vector<16xf32>,
        tpu.vector_store %arg14[%swap3A_486, %swap3A_487], %mul3A_485 {strides = array<i32>} : memref<40x128xf32, #tpu.memory_space<vmem>>, vector<16xf32>,
      }
      %scan3A_77 = arith.constant 40 : i32
      "tpu.region"() ({
        %run_scoped3A = tpu.sem_alloc : memref<!tpu.dma_semaphore, #tpu.memory_space<semaphore_mem>>
        %dma_start3A_78 = arith.constant 0 : i32
        %dma_start3A_79 = tpu.memref_slice %arg8[%add3A_35, %dma_start3A_78] : memref<320000x128xf32, #tpu.memory_space<hbm>> -> memref<40x128xf32, #tpu.memory_space<hbm>>
        %dma_start3A_80 = arith.constant 0 : i32
        %dma_start3A_81 = tpu.memref_slice %arg8[%add3A_35, %dma_start3A_80] : memref<320000x128xf32, #tpu.memory_space<hbm>> -> memref<40x128xf32, #tpu.memory_space<hbm>>
        tpu.enqueue_dma source(%arg14 : memref<40x128xf32, #tpu.memory_space<vmem>>) target(%dma_start3A_81 : memref<40x128xf32, #tpu.memory_space<hbm>>) target_semaphore(%run_scoped3A : memref<!tpu.dma_semaphore, #tpu.memory_space<semaphore_mem>>)
        %dma_wait3A_82 = arith.constant 0 : i32
        %dma_wait3A_83 = tpu.memref_slice %arg8[%add3A_35, %dma_wait3A_82] : memref<320000x128xf32, #tpu.memory_space<hbm>> -> memref<40x128xf32, #tpu.memory_space<hbm>>
        %dma_wait3A_84 = arith.constant 0 : i32
        %dma_wait3A_85 = tpu.memref_slice %arg8[%add3A_35, %dma_wait3A_84] : memref<320000x128xf32, #tpu.memory_space<hbm>> -> memref<40x128xf32, #tpu.memory_space<hbm>>
        tpu.wait_dma2 semaphore(%run_scoped3A : memref<!tpu.dma_semaphore, #tpu.memory_space<semaphore_mem>>) src(%arg14 : memref<40x128xf32, #tpu.memory_space<vmem>>) dst(%dma_wait3A_85 : memref<40x128xf32, #tpu.memory_space<hbm>>)
        tpu.yield
      }) : () -> ()
      "tpu.region"() ({
        %run_scoped3A = tpu.sem_alloc : memref<!tpu.dma_semaphore, #tpu.memory_space<semaphore_mem>>
        %dma_start3A_78 = arith.constant 0 : i32
        %dma_start3A_79 = tpu.memref_slice %arg9[%add3A_35, %dma_start3A_78] : memref<320000x16xf32, #tpu.memory_space<hbm>> -> memref<40x16xf32, #tpu.memory_space<hbm>>
        %dma_start3A_80 = arith.constant 0 : i32
        %dma_start3A_81 = tpu.memref_slice %arg9[%add3A_35, %dma_start3A_80] : memref<320000x16xf32, #tpu.memory_space<hbm>> -> memref<40x16xf32, #tpu.memory_space<hbm>>
        tpu.enqueue_dma source(%arg15 : memref<40x16xf32, #tpu.memory_space<vmem>>) target(%dma_start3A_81 : memref<40x16xf32, #tpu.memory_space<hbm>>) target_semaphore(%run_scoped3A : memref<!tpu.dma_semaphore, #tpu.memory_space<semaphore_mem>>)
        %dma_wait3A_82 = arith.constant 0 : i32
        %dma_wait3A_83 = tpu.memref_slice %arg9[%add3A_35, %dma_wait3A_82] : memref<320000x16xf32, #tpu.memory_space<hbm>> -> memref<40x16xf32, #tpu.memory_space<hbm>>
        %dma_wait3A_84 = arith.constant 0 : i32
        %dma_wait3A_85 = tpu.memref_slice %arg9[%add3A_35, %dma_wait3A_84] : memref<320000x16xf32, #tpu.memory_space<hbm>> -> memref<40x16xf32, #tpu.memory_space<hbm>>
        tpu.wait_dma2 semaphore(%run_scoped3A : memref<!tpu.dma_semaphore, #tpu.memory_space<semaphore_mem>>) src(%arg15 : memref<40x16xf32, #tpu.memory_space<vmem>>) dst(%dma_wait3A_85 : memref<40x16xf32, #tpu.memory_space<hbm>>)
        tpu.yield
      }) : () -> ()
    }
    %scan3A_27 = arith.constant 250 : i32
    return
  }
}

module attributes {stable_mosaic.version = 14 : i64} {
  func.func @_edge_proj_body(%arg0: i32, %arg1: memref<8000x16xf32, #tpu.memory_space<vmem>>, %arg2: memref<16x128xf32, #tpu.memory_space<vmem>>, %arg3: memref<8000x128xf32, #tpu.memory_space<vmem>>, %arg4: memref<8x128xf32, #tpu.memory_space<vmem>>) attributes {dimension_semantics = [#tpu.dimension_semantics<arbitrary>], iteration_bounds = array<i64: 40>, scalar_prefetch = 0 : i64, scratch_operands = 0 : i64, tpu.core_type = #tpu.core_type<tc>, window_params = [{transform_indices = @transform_0, window_bounds = array<i64: 8000, 16>}, {pipeline_mode = #tpu.pipeline_mode<synchronous>, transform_indices = @transform_1, window_bounds = array<i64: 16, 128>}, {transform_indices = @transform_2, window_bounds = array<i64: 8000, 128>}, {pipeline_mode = #tpu.pipeline_mode<synchronous>, transform_indices = @transform_3, window_bounds = array<i64: 8, 128>}]} {
    %get3A = arith.constant 0 : index
    %get3A_0 = arith.constant 0 : index
    %get3A_1 = vector.load %arg1[%get3A, %get3A_0] : memref<8000x16xf32, #tpu.memory_space<vmem>>, vector<8000x16xf32>
    %get3A_2 = arith.constant 0 : index
    %get3A_3 = arith.constant 0 : index
    %get3A_4 = vector.load %arg2[%get3A_2, %get3A_3] : memref<16x128xf32, #tpu.memory_space<vmem>>, vector<16x128xf32>
    %dot_general3A = arith.constant dense<0.000000e+00> : vector<8000x128xf32>
    %dot_general3A_5 = tpu.matmul %get3A_1, %get3A_4, %dot_general3A {dimension_numbers = #tpu.dot_dimension_numbers<[1], [0], [0], [1], [0, 0, 1, 1], [], []>, transpose_lhs_hint = false} : vector<8000x16xf32>, vector<16x128xf32>, vector<8000x128xf32> -> vector<8000x128xf32>
    %swap3A = arith.constant 0 : index
    %swap3A_6 = arith.constant 0 : index
    %swap3A_7 = vector.load %arg3[%swap3A, %swap3A_6] : memref<8000x128xf32, #tpu.memory_space<vmem>>, vector<8000x128xf32>
    tpu.vector_store %arg3[%swap3A, %swap3A_6], %dot_general3A_5 {strides = array<i32>} : memref<8000x128xf32, #tpu.memory_space<vmem>>, vector<8000x128xf32>,
    %reduce_sum3A = arith.constant dense<0.000000e+00> : vector<128xf32>
    %reduce_sum3A_8 = vector.multi_reduction <add>, %dot_general3A_5, %reduce_sum3A [0] : vector<8000x128xf32> to vector<128xf32>
    %broadcast_in_dim3A = vector.shape_cast %reduce_sum3A_8 : vector<128xf32> to vector<1x128xf32>
    %broadcast_in_dim3A_9 = vector.shape_cast %broadcast_in_dim3A : vector<1x128xf32> to vector<1x128xf32>
    %broadcast_in_dim3A_10 = vector.broadcast %broadcast_in_dim3A_9 : vector<1x128xf32> to vector<8x128xf32>
    %eq3A = arith.constant 0 : i32
    %eq3A_11 = arith.cmpi eq, %arg0, %eq3A : i32
    %convert_element_type3A = arith.extui %eq3A_11 : i1 to i32
    %cond3A = arith.constant 0 : i32
    %cond3A_12 = arith.cmpi ne, %convert_element_type3A, %cond3A : i32
    scf.if %cond3A_12 {
      %swap3A_17 = arith.constant 0 : index
      %swap3A_18 = arith.constant 0 : index
      %swap3A_19 = vector.load %arg4[%swap3A_17, %swap3A_18] : memref<8x128xf32, #tpu.memory_space<vmem>>, vector<8x128xf32>
      tpu.vector_store %arg4[%swap3A_17, %swap3A_18], %broadcast_in_dim3A_10 {strides = array<i32>} : memref<8x128xf32, #tpu.memory_space<vmem>>, vector<8x128xf32>,
    } else {
    }
    %ne3A = arith.constant 0 : i32
    %ne3A_13 = arith.cmpi ne, %arg0, %ne3A : i32
    %convert_element_type3A_14 = arith.extui %ne3A_13 : i1 to i32
    %cond3A_15 = arith.constant 0 : i32
    %cond3A_16 = arith.cmpi ne, %convert_element_type3A_14, %cond3A_15 : i32
    scf.if %cond3A_16 {
      %get3A_17 = arith.constant 0 : index
      %get3A_18 = arith.constant 0 : index
      %get3A_19 = vector.load %arg4[%get3A_17, %get3A_18] : memref<8x128xf32, #tpu.memory_space<vmem>>, vector<8x128xf32>
      %add3A = arith.addf %get3A_19, %broadcast_in_dim3A_10 : vector<8x128xf32>
      %swap3A_20 = arith.constant 0 : index
      %swap3A_21 = arith.constant 0 : index
      %swap3A_22 = vector.load %arg4[%swap3A_20, %swap3A_21] : memref<8x128xf32, #tpu.memory_space<vmem>>, vector<8x128xf32>
      tpu.vector_store %arg4[%swap3A_20, %swap3A_21], %add3A {strides = array<i32>} : memref<8x128xf32, #tpu.memory_space<vmem>>, vector<8x128xf32>,
    } else {
    }
    return
  }
  func.func @transform_0(%arg0: i32) -> (i32, i32) {
    %c0_i32 = arith.constant 0 : i32
    %c0_i32_0 = arith.constant 0 : i32
    return %arg0, %c0_i32 : i32, i32
  }
  func.func @transform_1(%arg0: i32) -> (i32, i32) {
    %c0_i32 = arith.constant 0 : i32
    %c0_i32_0 = arith.constant 0 : i32
    %c0_i32_1 = arith.constant 0 : i32
    return %c0_i32, %c0_i32_0 : i32, i32
  }
  func.func @transform_2(%arg0: i32) -> (i32, i32) {
    %c0_i32 = arith.constant 0 : i32
    %c0_i32_0 = arith.constant 0 : i32
    return %arg0, %c0_i32 : i32, i32
  }
  func.func @transform_3(%arg0: i32) -> (i32, i32) {
    %c0_i32 = arith.constant 0 : i32
    %c0_i32_0 = arith.constant 0 : i32
    %c0_i32_1 = arith.constant 0 : i32
    return %c0_i32, %c0_i32_0 : i32, i32
  }
}

module attributes {stable_mosaic.version = 14 : i64} {
  func.func @_proj_body(%arg0: i32, %arg1: memref<2000x128xf32, #tpu.memory_space<vmem>>, %arg2: memref<128x128xf32, #tpu.memory_space<vmem>>, %arg3: memref<1x128xf32, #tpu.memory_space<vmem>>, %arg4: memref<128x128xf32, #tpu.memory_space<vmem>>, %arg5: memref<1x128xf32, #tpu.memory_space<vmem>>, %arg6: memref<2000x128xf32, #tpu.memory_space<vmem>>, %arg7: memref<2000x128xf32, #tpu.memory_space<vmem>>) attributes {dimension_semantics = [#tpu.dimension_semantics<arbitrary>], iteration_bounds = array<i64: 5>, scalar_prefetch = 0 : i64, scratch_operands = 0 : i64, tpu.core_type = #tpu.core_type<tc>, window_params = [{transform_indices = @transform_0, window_bounds = array<i64: 2000, 128>}, {pipeline_mode = #tpu.pipeline_mode<synchronous>, transform_indices = @transform_1, window_bounds = array<i64: 128, 128>}, {pipeline_mode = #tpu.pipeline_mode<synchronous>, transform_indices = @transform_2, window_bounds = array<i64: 1, 128>}, {pipeline_mode = #tpu.pipeline_mode<synchronous>, transform_indices = @transform_3, window_bounds = array<i64: 128, 128>}, {pipeline_mode = #tpu.pipeline_mode<synchronous>, transform_indices = @transform_4, window_bounds = array<i64: 1, 128>}, {transform_indices = @transform_5, window_bounds = array<i64: 2000, 128>}, {transform_indices = @transform_6, window_bounds = array<i64: 2000, 128>}]} {
    %get3A = arith.constant 0 : index
    %get3A_0 = arith.constant 0 : index
    %get3A_1 = vector.load %arg1[%get3A, %get3A_0] : memref<2000x128xf32, #tpu.memory_space<vmem>>, vector<2000x128xf32>
    %get3A_2 = arith.constant 0 : index
    %get3A_3 = arith.constant 0 : index
    %get3A_4 = vector.load %arg2[%get3A_2, %get3A_3] : memref<128x128xf32, #tpu.memory_space<vmem>>, vector<128x128xf32>
    %dot_general3A = arith.constant dense<0.000000e+00> : vector<2000x128xf32>
    %dot_general3A_5 = tpu.matmul %get3A_1, %get3A_4, %dot_general3A {dimension_numbers = #tpu.dot_dimension_numbers<[1], [0], [0], [1], [0, 0, 1, 1], [], []>, transpose_lhs_hint = false} : vector<2000x128xf32>, vector<128x128xf32>, vector<2000x128xf32> -> vector<2000x128xf32>
    %get3A_6 = arith.constant 0 : index
    %get3A_7 = arith.constant 0 : index
    %get3A_8 = vector.load %arg3[%get3A_6, %get3A_7] : memref<1x128xf32, #tpu.memory_space<vmem>>, vector<1x128xf32>
    %add3A = vector.broadcast %get3A_8 : vector<1x128xf32> to vector<2000x128xf32>
    %add3A_9 = arith.addf %dot_general3A_5, %add3A : vector<2000x128xf32>
    %swap3A = arith.constant 0 : index
    %swap3A_10 = arith.constant 0 : index
    %swap3A_11 = vector.load %arg6[%swap3A, %swap3A_10] : memref<2000x128xf32, #tpu.memory_space<vmem>>, vector<2000x128xf32>
    tpu.vector_store %arg6[%swap3A, %swap3A_10], %add3A_9 {strides = array<i32>} : memref<2000x128xf32, #tpu.memory_space<vmem>>, vector<2000x128xf32>,
    %get3A_12 = arith.constant 0 : index
    %get3A_13 = arith.constant 0 : index
    %get3A_14 = vector.load %arg4[%get3A_12, %get3A_13] : memref<128x128xf32, #tpu.memory_space<vmem>>, vector<128x128xf32>
    %dot_general3A_15 = arith.constant dense<0.000000e+00> : vector<2000x128xf32>
    %dot_general3A_16 = tpu.matmul %get3A_1, %get3A_14, %dot_general3A_15 {dimension_numbers = #tpu.dot_dimension_numbers<[1], [0], [0], [1], [0, 0, 1, 1], [], []>, transpose_lhs_hint = false} : vector<2000x128xf32>, vector<128x128xf32>, vector<2000x128xf32> -> vector<2000x128xf32>
    %get3A_17 = arith.constant 0 : index
    %get3A_18 = arith.constant 0 : index
    %get3A_19 = vector.load %arg5[%get3A_17, %get3A_18] : memref<1x128xf32, #tpu.memory_space<vmem>>, vector<1x128xf32>
    %add3A_20 = vector.broadcast %get3A_19 : vector<1x128xf32> to vector<2000x128xf32>
    %add3A_21 = arith.addf %dot_general3A_16, %add3A_20 : vector<2000x128xf32>
    %swap3A_22 = arith.constant 0 : index
    %swap3A_23 = arith.constant 0 : index
    %swap3A_24 = vector.load %arg7[%swap3A_22, %swap3A_23] : memref<2000x128xf32, #tpu.memory_space<vmem>>, vector<2000x128xf32>
    tpu.vector_store %arg7[%swap3A_22, %swap3A_23], %add3A_21 {strides = array<i32>} : memref<2000x128xf32, #tpu.memory_space<vmem>>, vector<2000x128xf32>,
    return
  }
  func.func @transform_0(%arg0: i32) -> (i32, i32) {
    %c0_i32 = arith.constant 0 : i32
    %c0_i32_0 = arith.constant 0 : i32
    return %arg0, %c0_i32 : i32, i32
  }
  func.func @transform_1(%arg0: i32) -> (i32, i32) {
    %c0_i32 = arith.constant 0 : i32
    %c0_i32_0 = arith.constant 0 : i32
    %c0_i32_1 = arith.constant 0 : i32
    return %c0_i32, %c0_i32_0 : i32, i32
  }
  func.func @transform_2(%arg0: i32) -> (i32, i32) {
    %c0_i32 = arith.constant 0 : i32
    %c0_i32_0 = arith.constant 0 : i32
    %c0_i32_1 = arith.constant 0 : i32
    return %c0_i32, %c0_i32_0 : i32, i32
  }
  func.func @transform_3(%arg0: i32) -> (i32, i32) {
    %c0_i32 = arith.constant 0 : i32
    %c0_i32_0 = arith.constant 0 : i32
    %c0_i32_1 = arith.constant 0 : i32
    return %c0_i32, %c0_i32_0 : i32, i32
  }
  func.func @transform_4(%arg0: i32) -> (i32, i32) {
    %c0_i32 = arith.constant 0 : i32
    %c0_i32_0 = arith.constant 0 : i32
    %c0_i32_1 = arith.constant 0 : i32
    return %c0_i32, %c0_i32_0 : i32, i32
  }
  func.func @transform_5(%arg0: i32) -> (i32, i32) {
    %c0_i32 = arith.constant 0 : i32
    %c0_i32_0 = arith.constant 0 : i32
    return %arg0, %c0_i32 : i32, i32
  }
  func.func @transform_6(%arg0: i32) -> (i32, i32) {
    %c0_i32 = arith.constant 0 : i32
    %c0_i32_0 = arith.constant 0 : i32
    return %arg0, %c0_i32 : i32, i32
  }
}

module attributes {stable_mosaic.version = 14 : i64} {
  func.func @_epilogue_body(%arg0: i32, %arg1: memref<2000x128xf32, #tpu.memory_space<vmem>>, %arg2: memref<2000x128xf32, #tpu.memory_space<vmem>>, %arg3: memref<2000x128xf32, #tpu.memory_space<vmem>>, %arg4: memref<2000x128xf32, #tpu.memory_space<vmem>>, %arg5: memref<2000x16xf32, #tpu.memory_space<vmem>>, %arg6: memref<8x128xf32, #tpu.memory_space<vmem>>, %arg7: memref<1x128xf32, #tpu.memory_space<vmem>>, %arg8: memref<1x128xf32, #tpu.memory_space<vmem>>, %arg9: memref<1x128xf32, #tpu.memory_space<vmem>>, %arg10: memref<1x128xf32, #tpu.memory_space<vmem>>, %arg11: memref<1x128xf32, #tpu.memory_space<vmem>>, %arg12: memref<1x128xf32, #tpu.memory_space<vmem>>, %arg13: memref<128x256xf32, #tpu.memory_space<vmem>>, %arg14: memref<256x128xf32, #tpu.memory_space<vmem>>, %arg15: memref<2000x128xf32, #tpu.memory_space<vmem>>) attributes {dimension_semantics = [#tpu.dimension_semantics<arbitrary>], iteration_bounds = array<i64: 5>, scalar_prefetch = 0 : i64, scratch_operands = 0 : i64, tpu.core_type = #tpu.core_type<tc>, window_params = [{transform_indices = @transform_0, window_bounds = array<i64: 2000, 128>}, {transform_indices = @transform_1, window_bounds = array<i64: 2000, 128>}, {transform_indices = @transform_2, window_bounds = array<i64: 2000, 128>}, {transform_indices = @transform_3, window_bounds = array<i64: 2000, 128>}, {transform_indices = @transform_4, window_bounds = array<i64: 2000, 16>}, {pipeline_mode = #tpu.pipeline_mode<synchronous>, transform_indices = @transform_5, window_bounds = array<i64: 8, 128>}, {pipeline_mode = #tpu.pipeline_mode<synchronous>, transform_indices = @transform_6, window_bounds = array<i64: 1, 128>}, {pipeline_mode = #tpu.pipeline_mode<synchronous>, transform_indices = @transform_7, window_bounds = array<i64: 1, 128>}, {pipeline_mode = #tpu.pipeline_mode<synchronous>, transform_indices = @transform_8, window_bounds = array<i64: 1, 128>}, {pipeline_mode = #tpu.pipeline_mode<synchronous>, transform_indices = @transform_9, window_bounds = array<i64: 1, 128>}, {pipeline_mode = #tpu.pipeline_mode<synchronous>, transform_indices = @transform_10, window_bounds = array<i64: 1, 128>}, {pipeline_mode = #tpu.pipeline_mode<synchronous>, transform_indices = @transform_11, window_bounds = array<i64: 1, 128>}, {pipeline_mode = #tpu.pipeline_mode<synchronous>, transform_indices = @transform_12, window_bounds = array<i64: 128, 256>}, {pipeline_mode = #tpu.pipeline_mode<synchronous>, transform_indices = @transform_13, window_bounds = array<i64: 256, 128>}, {transform_indices = @transform_14, window_bounds = array<i64: 2000, 128>}]} {
    %get3A = arith.constant 0 : index
    %get3A_0 = arith.constant 0 : index
    %get3A_1 = vector.load %arg1[%get3A, %get3A_0] : memref<2000x128xf32, #tpu.memory_space<vmem>>, vector<2000x128xf32>
    %get3A_2 = arith.constant 0 : index
    %get3A_3 = arith.constant 0 : index
    %get3A_4 = vector.load %arg2[%get3A_2, %get3A_3] : memref<2000x128xf32, #tpu.memory_space<vmem>>, vector<2000x128xf32>
    %get3A_5 = arith.constant 0 : index
    %get3A_6 = arith.constant 0 : index
    %get3A_7 = vector.load %arg3[%get3A_5, %get3A_6] : memref<2000x128xf32, #tpu.memory_space<vmem>>, vector<2000x128xf32>
    %get3A_8 = arith.constant 0 : index
    %get3A_9 = arith.constant 0 : index
    %get3A_10 = vector.load %arg6[%get3A_8, %get3A_9] : memref<8x128xf32, #tpu.memory_space<vmem>>, vector<1x128xf32>
    %mul3A = arith.constant 3.125000e-06 : f32
    %mul3A_11 = vector.broadcast %mul3A : f32 to vector<1x128xf32>
    %mul3A_12 = arith.mulf %get3A_10, %mul3A_11 : vector<1x128xf32>
    %add3A = arith.addf %get3A_4, %get3A_7 : vector<2000x128xf32>
    %add3A_13 = vector.broadcast %mul3A_12 : vector<1x128xf32> to vector<2000x128xf32>
    %add3A_14 = arith.addf %add3A, %add3A_13 : vector<2000x128xf32>
    %mul3A_15 = arith.constant 2.000000e-01 : f32
    %mul3A_16 = vector.broadcast %mul3A_15 : f32 to vector<2000x128xf32>
    %mul3A_17 = arith.mulf %mul3A_16, %add3A_14 : vector<2000x128xf32>
    %max3A = arith.maximumf %add3A_14, %mul3A_17 : vector<2000x128xf32>
    %get3A_18 = arith.constant 0 : index
    %get3A_19 = arith.constant 0 : index
    %get3A_20 = vector.load %arg7[%get3A_18, %get3A_19] : memref<1x128xf32, #tpu.memory_space<vmem>>, vector<1x128xf32>
    %mul3A_21 = vector.broadcast %get3A_20 : vector<1x128xf32> to vector<2000x128xf32>
    %mul3A_22 = arith.mulf %max3A, %mul3A_21 : vector<2000x128xf32>
    %slice3A = vector.extract_strided_slice %mul3A_22 {offsets = [0, 0], sizes = [2000, 32], strides = [1, 1]} : vector<2000x128xf32> to vector<2000x32xf32>
    %reduce_sum3A = arith.constant dense<0.000000e+00> : vector<2000xf32>
    %reduce_sum3A_23 = vector.multi_reduction <add>, %slice3A, %reduce_sum3A [1] : vector<2000x32xf32> to vector<2000xf32>
    %broadcast_in_dim3A = vector.shape_cast %reduce_sum3A_23 : vector<2000xf32> to vector<2000x1xf32>
    %exp3A = math.exp %broadcast_in_dim3A : vector<2000x1xf32>
    %slice3A_24 = vector.extract_strided_slice %mul3A_22 {offsets = [0, 32], sizes = [2000, 32], strides = [1, 1]} : vector<2000x128xf32> to vector<2000x32xf32>
    %reduce_sum3A_25 = arith.constant dense<0.000000e+00> : vector<2000xf32>
    %reduce_sum3A_26 = vector.multi_reduction <add>, %slice3A_24, %reduce_sum3A_25 [1] : vector<2000x32xf32> to vector<2000xf32>
    %broadcast_in_dim3A_27 = vector.shape_cast %reduce_sum3A_26 : vector<2000xf32> to vector<2000x1xf32>
    %exp3A_28 = math.exp %broadcast_in_dim3A_27 : vector<2000x1xf32>
    %slice3A_29 = vector.extract_strided_slice %mul3A_22 {offsets = [0, 64], sizes = [2000, 32], strides = [1, 1]} : vector<2000x128xf32> to vector<2000x32xf32>
    %reduce_sum3A_30 = arith.constant dense<0.000000e+00> : vector<2000xf32>
    %reduce_sum3A_31 = vector.multi_reduction <add>, %slice3A_29, %reduce_sum3A_30 [1] : vector<2000x32xf32> to vector<2000xf32>
    %broadcast_in_dim3A_32 = vector.shape_cast %reduce_sum3A_31 : vector<2000xf32> to vector<2000x1xf32>
    %exp3A_33 = math.exp %broadcast_in_dim3A_32 : vector<2000x1xf32>
    %slice3A_34 = vector.extract_strided_slice %mul3A_22 {offsets = [0, 96], sizes = [2000, 32], strides = [1, 1]} : vector<2000x128xf32> to vector<2000x32xf32>
    %reduce_sum3A_35 = arith.constant dense<0.000000e+00> : vector<2000xf32>
    %reduce_sum3A_36 = vector.multi_reduction <add>, %slice3A_34, %reduce_sum3A_35 [1] : vector<2000x32xf32> to vector<2000xf32>
    %broadcast_in_dim3A_37 = vector.shape_cast %reduce_sum3A_36 : vector<2000xf32> to vector<2000x1xf32>
    %exp3A_38 = math.exp %broadcast_in_dim3A_37 : vector<2000x1xf32>
    %broadcast_in_dim3A_39 = vector.shape_cast %exp3A : vector<2000x1xf32> to vector<2000x1xf32>
    %broadcast_in_dim3A_40 = vector.broadcast %broadcast_in_dim3A_39 : vector<2000x1xf32> to vector<2000x32xf32>
    %broadcast_in_dim3A_41 = vector.shape_cast %exp3A_28 : vector<2000x1xf32> to vector<2000x1xf32>
    %broadcast_in_dim3A_42 = vector.broadcast %broadcast_in_dim3A_41 : vector<2000x1xf32> to vector<2000x32xf32>
    %broadcast_in_dim3A_43 = vector.shape_cast %exp3A_33 : vector<2000x1xf32> to vector<2000x1xf32>
    %broadcast_in_dim3A_44 = vector.broadcast %broadcast_in_dim3A_43 : vector<2000x1xf32> to vector<2000x32xf32>
    %broadcast_in_dim3A_45 = vector.shape_cast %exp3A_38 : vector<2000x1xf32> to vector<2000x1xf32>
    %broadcast_in_dim3A_46 = vector.broadcast %broadcast_in_dim3A_45 : vector<2000x1xf32> to vector<2000x32xf32>
    %concatenate3A = tpu.concatenate %broadcast_in_dim3A_40, %broadcast_in_dim3A_42, %broadcast_in_dim3A_44, %broadcast_in_dim3A_46 in 1 : vector<2000x32xf32>, vector<2000x32xf32>, vector<2000x32xf32>, vector<2000x32xf32> -> vector<2000x128xf32>
    %get3A_47 = arith.constant 0 : index
    %get3A_48 = arith.constant 0 : index
    %get3A_49 = vector.load %arg4[%get3A_47, %get3A_48] : memref<2000x128xf32, #tpu.memory_space<vmem>>, vector<2000x128xf32>
    %mul3A_50 = arith.mulf %get3A_4, %concatenate3A : vector<2000x128xf32>
    %add3A_51 = arith.addf %get3A_49, %mul3A_50 : vector<2000x128xf32>
    %get3A_52 = arith.constant 0 : index
    %get3A_53 = arith.constant 0 : index
    %get3A_54 = vector.load %arg5[%get3A_52, %get3A_53] : memref<2000x16xf32, #tpu.memory_space<vmem>>, vector<2000x16xf32>
    %slice3A_55 = vector.extract_strided_slice %get3A_54 {offsets = [0, 0], sizes = [2000, 1], strides = [1, 1]} : vector<2000x16xf32> to vector<2000x1xf32>
    %add3A_56 = arith.addf %slice3A_55, %exp3A : vector<2000x1xf32>
    %add3A_57 = arith.constant 1.000000e-16 : f32
    %add3A_58 = vector.broadcast %add3A_57 : f32 to vector<2000x1xf32>
    %add3A_59 = arith.addf %add3A_56, %add3A_58 : vector<2000x1xf32>
    %div3A = arith.constant 1.000000e+00 : f32
    %div3A_60 = vector.broadcast %div3A : f32 to vector<2000x1xf32>
    %div3A_61 = arith.divf %div3A_60, %add3A_59 : vector<2000x1xf32>
    %broadcast_in_dim3A_62 = vector.shape_cast %div3A_61 : vector<2000x1xf32> to vector<2000x1xf32>
    %broadcast_in_dim3A_63 = vector.broadcast %broadcast_in_dim3A_62 : vector<2000x1xf32> to vector<2000x32xf32>
    %slice3A_64 = vector.extract_strided_slice %get3A_54 {offsets = [0, 1], sizes = [2000, 1], strides = [1, 1]} : vector<2000x16xf32> to vector<2000x1xf32>
    %add3A_65 = arith.addf %slice3A_64, %exp3A_28 : vector<2000x1xf32>
    %add3A_66 = arith.constant 1.000000e-16 : f32
    %add3A_67 = vector.broadcast %add3A_66 : f32 to vector<2000x1xf32>
    %add3A_68 = arith.addf %add3A_65, %add3A_67 : vector<2000x1xf32>
    %div3A_69 = arith.constant 1.000000e+00 : f32
    %div3A_70 = vector.broadcast %div3A_69 : f32 to vector<2000x1xf32>
    %div3A_71 = arith.divf %div3A_70, %add3A_68 : vector<2000x1xf32>
    %broadcast_in_dim3A_72 = vector.shape_cast %div3A_71 : vector<2000x1xf32> to vector<2000x1xf32>
    %broadcast_in_dim3A_73 = vector.broadcast %broadcast_in_dim3A_72 : vector<2000x1xf32> to vector<2000x32xf32>
    %slice3A_74 = vector.extract_strided_slice %get3A_54 {offsets = [0, 2], sizes = [2000, 1], strides = [1, 1]} : vector<2000x16xf32> to vector<2000x1xf32>
    %add3A_75 = arith.addf %slice3A_74, %exp3A_33 : vector<2000x1xf32>
    %add3A_76 = arith.constant 1.000000e-16 : f32
    %add3A_77 = vector.broadcast %add3A_76 : f32 to vector<2000x1xf32>
    %add3A_78 = arith.addf %add3A_75, %add3A_77 : vector<2000x1xf32>
    %div3A_79 = arith.constant 1.000000e+00 : f32
    %div3A_80 = vector.broadcast %div3A_79 : f32 to vector<2000x1xf32>
    %div3A_81 = arith.divf %div3A_80, %add3A_78 : vector<2000x1xf32>
    %broadcast_in_dim3A_82 = vector.shape_cast %div3A_81 : vector<2000x1xf32> to vector<2000x1xf32>
    %broadcast_in_dim3A_83 = vector.broadcast %broadcast_in_dim3A_82 : vector<2000x1xf32> to vector<2000x32xf32>
    %slice3A_84 = vector.extract_strided_slice %get3A_54 {offsets = [0, 3], sizes = [2000, 1], strides = [1, 1]} : vector<2000x16xf32> to vector<2000x1xf32>
    %add3A_85 = arith.addf %slice3A_84, %exp3A_38 : vector<2000x1xf32>
    %add3A_86 = arith.constant 1.000000e-16 : f32
    %add3A_87 = vector.broadcast %add3A_86 : f32 to vector<2000x1xf32>
    %add3A_88 = arith.addf %add3A_85, %add3A_87 : vector<2000x1xf32>
    %div3A_89 = arith.constant 1.000000e+00 : f32
    %div3A_90 = vector.broadcast %div3A_89 : f32 to vector<2000x1xf32>
    %div3A_91 = arith.divf %div3A_90, %add3A_88 : vector<2000x1xf32>
    %broadcast_in_dim3A_92 = vector.shape_cast %div3A_91 : vector<2000x1xf32> to vector<2000x1xf32>
    %broadcast_in_dim3A_93 = vector.broadcast %broadcast_in_dim3A_92 : vector<2000x1xf32> to vector<2000x32xf32>
    %concatenate3A_94 = tpu.concatenate %broadcast_in_dim3A_63, %broadcast_in_dim3A_73, %broadcast_in_dim3A_83, %broadcast_in_dim3A_93 in 1 : vector<2000x32xf32>, vector<2000x32xf32>, vector<2000x32xf32>, vector<2000x32xf32> -> vector<2000x128xf32>
    %mul3A_95 = arith.mulf %add3A_51, %concatenate3A_94 : vector<2000x128xf32>
    %get3A_96 = arith.constant 0 : index
    %get3A_97 = arith.constant 0 : index
    %get3A_98 = vector.load %arg8[%get3A_96, %get3A_97] : memref<1x128xf32, #tpu.memory_space<vmem>>, vector<1x128xf32>
    %add3A_99 = vector.broadcast %get3A_98 : vector<1x128xf32> to vector<2000x128xf32>
    %add3A_100 = arith.addf %mul3A_95, %add3A_99 : vector<2000x128xf32>
    %add3A_101 = arith.addf %add3A_100, %get3A_1 : vector<2000x128xf32>
    %reduce_sum3A_102 = arith.constant dense<0.000000e+00> : vector<2000xf32>
    %reduce_sum3A_103 = vector.multi_reduction <add>, %add3A_101, %reduce_sum3A_102 [1] : vector<2000x128xf32> to vector<2000xf32>
    %broadcast_in_dim3A_104 = vector.shape_cast %reduce_sum3A_103 : vector<2000xf32> to vector<2000x1xf32>
    %div3A_105 = arith.constant 1.280000e+02 : f32
    %div3A_106 = vector.broadcast %div3A_105 : f32 to vector<2000x1xf32>
    %div3A_107 = arith.divf %broadcast_in_dim3A_104, %div3A_106 : vector<2000x1xf32>
    %sub3A = vector.broadcast %div3A_107 : vector<2000x1xf32> to vector<2000x128xf32>
    %sub3A_108 = arith.subf %add3A_101, %sub3A : vector<2000x128xf32>
    %integer_pow3A = arith.mulf %sub3A_108, %sub3A_108 : vector<2000x128xf32>
    %reduce_sum3A_109 = arith.constant dense<0.000000e+00> : vector<2000xf32>
    %reduce_sum3A_110 = vector.multi_reduction <add>, %integer_pow3A, %reduce_sum3A_109 [1] : vector<2000x128xf32> to vector<2000xf32>
    %broadcast_in_dim3A_111 = vector.shape_cast %reduce_sum3A_110 : vector<2000xf32> to vector<2000x1xf32>
    %div3A_112 = arith.constant 1.280000e+02 : f32
    %div3A_113 = vector.broadcast %div3A_112 : f32 to vector<2000x1xf32>
    %div3A_114 = arith.divf %broadcast_in_dim3A_111, %div3A_113 : vector<2000x1xf32>
    %sub3A_115 = vector.broadcast %div3A_107 : vector<2000x1xf32> to vector<2000x128xf32>
    %sub3A_116 = arith.subf %add3A_101, %sub3A_115 : vector<2000x128xf32>
    %add3A_117 = arith.constant 9.99999974E-6 : f32
    %add3A_118 = vector.broadcast %add3A_117 : f32 to vector<2000x1xf32>
    %add3A_119 = arith.addf %div3A_114, %add3A_118 : vector<2000x1xf32>
    %rsqrt3A = math.rsqrt %add3A_119 : vector<2000x1xf32>
    %mul3A_120 = vector.broadcast %rsqrt3A : vector<2000x1xf32> to vector<2000x128xf32>
    %mul3A_121 = arith.mulf %sub3A_116, %mul3A_120 : vector<2000x128xf32>
    %get3A_122 = arith.constant 0 : index
    %get3A_123 = arith.constant 0 : index
    %get3A_124 = vector.load %arg9[%get3A_122, %get3A_123] : memref<1x128xf32, #tpu.memory_space<vmem>>, vector<1x128xf32>
    %mul3A_125 = vector.broadcast %get3A_124 : vector<1x128xf32> to vector<2000x128xf32>
    %mul3A_126 = arith.mulf %mul3A_121, %mul3A_125 : vector<2000x128xf32>
    %get3A_127 = arith.constant 0 : index
    %get3A_128 = arith.constant 0 : index
    %get3A_129 = vector.load %arg10[%get3A_127, %get3A_128] : memref<1x128xf32, #tpu.memory_space<vmem>>, vector<1x128xf32>
    %add3A_130 = vector.broadcast %get3A_129 : vector<1x128xf32> to vector<2000x128xf32>
    %add3A_131 = arith.addf %mul3A_126, %add3A_130 : vector<2000x128xf32>
    %get3A_132 = arith.constant 0 : index
    %get3A_133 = arith.constant 0 : index
    %get3A_134 = vector.load %arg13[%get3A_132, %get3A_133] : memref<128x256xf32, #tpu.memory_space<vmem>>, vector<128x256xf32>
    %dot_general3A = arith.constant dense<0.000000e+00> : vector<2000x256xf32>
    %dot_general3A_135 = tpu.matmul %add3A_131, %get3A_134, %dot_general3A {dimension_numbers = #tpu.dot_dimension_numbers<[1], [0], [0], [1], [0, 0, 1, 1], [], []>, transpose_lhs_hint = false} : vector<2000x128xf32>, vector<128x256xf32>, vector<2000x256xf32> -> vector<2000x256xf32>
    %mul3A_136 = arith.constant 5.000000e-01 : f32
    %mul3A_137 = vector.broadcast %mul3A_136 : f32 to vector<2000x256xf32>
    %mul3A_138 = arith.mulf %mul3A_137, %dot_general3A_135 : vector<2000x256xf32>
    %mul3A_139 = arith.constant 0.707106769 : f32
    %mul3A_140 = vector.broadcast %mul3A_139 : f32 to vector<2000x256xf32>
    %mul3A_141 = arith.mulf %dot_general3A_135, %mul3A_140 : vector<2000x256xf32>
    %abs3A = math.absf %mul3A_141 : vector<2000x256xf32>
    %mul3A_142 = arith.constant 0.327591091 : f32
    %mul3A_143 = vector.broadcast %mul3A_142 : f32 to vector<2000x256xf32>
    %mul3A_144 = arith.mulf %mul3A_143, %abs3A : vector<2000x256xf32>
    %add3A_145 = arith.constant 1.000000e+00 : f32
    %add3A_146 = vector.broadcast %add3A_145 : f32 to vector<2000x256xf32>
    %add3A_147 = arith.addf %add3A_146, %mul3A_144 : vector<2000x256xf32>
    %div3A_148 = arith.constant 1.000000e+00 : f32
    %div3A_149 = vector.broadcast %div3A_148 : f32 to vector<2000x256xf32>
    %div3A_150 = arith.divf %div3A_149, %add3A_147 : vector<2000x256xf32>
    %mul3A_151 = arith.constant 1.06140542 : f32
    %mul3A_152 = vector.broadcast %mul3A_151 : f32 to vector<2000x256xf32>
    %mul3A_153 = arith.mulf %div3A_150, %mul3A_152 : vector<2000x256xf32>
    %add3A_154 = arith.constant -1.45315206 : f32
    %add3A_155 = vector.broadcast %add3A_154 : f32 to vector<2000x256xf32>
    %add3A_156 = arith.addf %add3A_155, %mul3A_153 : vector<2000x256xf32>
    %mul3A_157 = arith.mulf %div3A_150, %add3A_156 : vector<2000x256xf32>
    %add3A_158 = arith.constant 1.42141378 : f32
    %add3A_159 = vector.broadcast %add3A_158 : f32 to vector<2000x256xf32>
    %add3A_160 = arith.addf %add3A_159, %mul3A_157 : vector<2000x256xf32>
    %mul3A_161 = arith.mulf %div3A_150, %add3A_160 : vector<2000x256xf32>
    %add3A_162 = arith.constant -0.284496725 : f32
    %add3A_163 = vector.broadcast %add3A_162 : f32 to vector<2000x256xf32>
    %add3A_164 = arith.addf %add3A_163, %mul3A_161 : vector<2000x256xf32>
    %mul3A_165 = arith.mulf %div3A_150, %add3A_164 : vector<2000x256xf32>
    %add3A_166 = arith.constant 0.254829586 : f32
    %add3A_167 = vector.broadcast %add3A_166 : f32 to vector<2000x256xf32>
    %add3A_168 = arith.addf %add3A_167, %mul3A_165 : vector<2000x256xf32>
    %mul3A_169 = arith.mulf %div3A_150, %add3A_168 : vector<2000x256xf32>
    %neg3A = arith.constant 0.000000e+00 : f32
    %neg3A_170 = vector.broadcast %neg3A : f32 to vector<2000x256xf32>
    %neg3A_171 = arith.subf %neg3A_170, %abs3A : vector<2000x256xf32>
    %mul3A_172 = arith.mulf %neg3A_171, %abs3A : vector<2000x256xf32>
    %exp3A_173 = math.exp %mul3A_172 : vector<2000x256xf32>
    %mul3A_174 = arith.mulf %mul3A_169, %exp3A_173 : vector<2000x256xf32>
    %sub3A_175 = arith.constant 1.000000e+00 : f32
    %sub3A_176 = vector.broadcast %sub3A_175 : f32 to vector<2000x256xf32>
    %sub3A_177 = arith.subf %sub3A_176, %mul3A_174 : vector<2000x256xf32>
    %sign3A = tpu.bitcast %mul3A_141 : vector<2000x256xf32> -> vector<2000x256xi32>
    %sign3A_178 = arith.constant -2147483648 : i32
    %sign3A_179 = vector.broadcast %sign3A_178 : i32 to vector<2000x256xi32>
    %sign3A_180 = arith.andi %sign3A, %sign3A_179 : vector<2000x256xi32>
    %sign3A_181 = arith.constant 1065353216 : i32
    %sign3A_182 = vector.broadcast %sign3A_181 : i32 to vector<2000x256xi32>
    %sign3A_183 = arith.ori %sign3A_182, %sign3A_180 : vector<2000x256xi32>
    %sign3A_184 = tpu.bitcast %sign3A_183 : vector<2000x256xi32> -> vector<2000x256xf32>
    %sign3A_185 = math.absf %mul3A_141 : vector<2000x256xf32>
    %sign3A_186 = arith.constant 0.000000e+00 : f32
    %sign3A_187 = vector.broadcast %sign3A_186 : f32 to vector<2000x256xf32>
    %sign3A_188 = arith.cmpf ogt, %sign3A_185, %sign3A_187 : vector<2000x256xf32>
    %sign3A_189 = arith.select %sign3A_188, %sign3A_184, %mul3A_141 : vector<2000x256xi1>, vector<2000x256xf32>
    %mul3A_190 = arith.mulf %sign3A_189, %sub3A_177 : vector<2000x256xf32>
    %add3A_191 = arith.constant 1.000000e+00 : f32
    %add3A_192 = vector.broadcast %add3A_191 : f32 to vector<2000x256xf32>
    %add3A_193 = arith.addf %add3A_192, %mul3A_190 : vector<2000x256xf32>
    %mul3A_194 = arith.mulf %mul3A_138, %add3A_193 : vector<2000x256xf32>
    %get3A_195 = arith.constant 0 : index
    %get3A_196 = arith.constant 0 : index
    %get3A_197 = vector.load %arg14[%get3A_195, %get3A_196] : memref<256x128xf32, #tpu.memory_space<vmem>>, vector<256x128xf32>
    %dot_general3A_198 = arith.constant dense<0.000000e+00> : vector<2000x128xf32>
    %dot_general3A_199 = tpu.matmul %mul3A_194, %get3A_197, %dot_general3A_198 {dimension_numbers = #tpu.dot_dimension_numbers<[1], [0], [0], [1], [0, 0, 1, 1], [], []>, transpose_lhs_hint = false} : vector<2000x256xf32>, vector<256x128xf32>, vector<2000x128xf32> -> vector<2000x128xf32>
    %add3A_200 = arith.addf %dot_general3A_199, %add3A_131 : vector<2000x128xf32>
    %reduce_sum3A_201 = arith.constant dense<0.000000e+00> : vector<2000xf32>
    %reduce_sum3A_202 = vector.multi_reduction <add>, %add3A_200, %reduce_sum3A_201 [1] : vector<2000x128xf32> to vector<2000xf32>
    %broadcast_in_dim3A_203 = vector.shape_cast %reduce_sum3A_202 : vector<2000xf32> to vector<2000x1xf32>
    %div3A_204 = arith.constant 1.280000e+02 : f32
    %div3A_205 = vector.broadcast %div3A_204 : f32 to vector<2000x1xf32>
    %div3A_206 = arith.divf %broadcast_in_dim3A_203, %div3A_205 : vector<2000x1xf32>
    %sub3A_207 = vector.broadcast %div3A_206 : vector<2000x1xf32> to vector<2000x128xf32>
    %sub3A_208 = arith.subf %add3A_200, %sub3A_207 : vector<2000x128xf32>
    %integer_pow3A_209 = arith.mulf %sub3A_208, %sub3A_208 : vector<2000x128xf32>
    %reduce_sum3A_210 = arith.constant dense<0.000000e+00> : vector<2000xf32>
    %reduce_sum3A_211 = vector.multi_reduction <add>, %integer_pow3A_209, %reduce_sum3A_210 [1] : vector<2000x128xf32> to vector<2000xf32>
    %broadcast_in_dim3A_212 = vector.shape_cast %reduce_sum3A_211 : vector<2000xf32> to vector<2000x1xf32>
    %div3A_213 = arith.constant 1.280000e+02 : f32
    %div3A_214 = vector.broadcast %div3A_213 : f32 to vector<2000x1xf32>
    %div3A_215 = arith.divf %broadcast_in_dim3A_212, %div3A_214 : vector<2000x1xf32>
    %sub3A_216 = vector.broadcast %div3A_206 : vector<2000x1xf32> to vector<2000x128xf32>
    %sub3A_217 = arith.subf %add3A_200, %sub3A_216 : vector<2000x128xf32>
    %add3A_218 = arith.constant 9.99999974E-6 : f32
    %add3A_219 = vector.broadcast %add3A_218 : f32 to vector<2000x1xf32>
    %add3A_220 = arith.addf %div3A_215, %add3A_219 : vector<2000x1xf32>
    %rsqrt3A_221 = math.rsqrt %add3A_220 : vector<2000x1xf32>
    %mul3A_222 = vector.broadcast %rsqrt3A_221 : vector<2000x1xf32> to vector<2000x128xf32>
    %mul3A_223 = arith.mulf %sub3A_217, %mul3A_222 : vector<2000x128xf32>
    %get3A_224 = arith.constant 0 : index
    %get3A_225 = arith.constant 0 : index
    %get3A_226 = vector.load %arg11[%get3A_224, %get3A_225] : memref<1x128xf32, #tpu.memory_space<vmem>>, vector<1x128xf32>
    %mul3A_227 = vector.broadcast %get3A_226 : vector<1x128xf32> to vector<2000x128xf32>
    %mul3A_228 = arith.mulf %mul3A_223, %mul3A_227 : vector<2000x128xf32>
    %get3A_229 = arith.constant 0 : index
    %get3A_230 = arith.constant 0 : index
    %get3A_231 = vector.load %arg12[%get3A_229, %get3A_230] : memref<1x128xf32, #tpu.memory_space<vmem>>, vector<1x128xf32>
    %add3A_232 = vector.broadcast %get3A_231 : vector<1x128xf32> to vector<2000x128xf32>
    %add3A_233 = arith.addf %mul3A_228, %add3A_232 : vector<2000x128xf32>
    %swap3A = arith.constant 0 : index
    %swap3A_234 = arith.constant 0 : index
    %swap3A_235 = vector.load %arg15[%swap3A, %swap3A_234] : memref<2000x128xf32, #tpu.memory_space<vmem>>, vector<2000x128xf32>
    tpu.vector_store %arg15[%swap3A, %swap3A_234], %add3A_233 {strides = array<i32>} : memref<2000x128xf32, #tpu.memory_space<vmem>>, vector<2000x128xf32>,
    return
  }
  func.func @transform_0(%arg0: i32) -> (i32, i32) {
    %c0_i32 = arith.constant 0 : i32
    %c0_i32_0 = arith.constant 0 : i32
    return %arg0, %c0_i32 : i32, i32
  }
  func.func @transform_1(%arg0: i32) -> (i32, i32) {
    %c0_i32 = arith.constant 0 : i32
    %c0_i32_0 = arith.constant 0 : i32
    return %arg0, %c0_i32 : i32, i32
  }
  func.func @transform_2(%arg0: i32) -> (i32, i32) {
    %c0_i32 = arith.constant 0 : i32
    %c0_i32_0 = arith.constant 0 : i32
    return %arg0, %c0_i32 : i32, i32
  }
  func.func @transform_3(%arg0: i32) -> (i32, i32) {
    %c0_i32 = arith.constant 0 : i32
    %c0_i32_0 = arith.constant 0 : i32
    return %arg0, %c0_i32 : i32, i32
  }
  func.func @transform_4(%arg0: i32) -> (i32, i32) {
    %c0_i32 = arith.constant 0 : i32
    %c0_i32_0 = arith.constant 0 : i32
    return %arg0, %c0_i32 : i32, i32
  }
  func.func @transform_5(%arg0: i32) -> (i32, i32) {
    %c0_i32 = arith.constant 0 : i32
    %c0_i32_0 = arith.constant 0 : i32
    %c0_i32_1 = arith.constant 0 : i32
    return %c0_i32, %c0_i32_0 : i32, i32
  }
  func.func @transform_6(%arg0: i32) -> (i32, i32) {
    %c0_i32 = arith.constant 0 : i32
    %c0_i32_0 = arith.constant 0 : i32
    %c0_i32_1 = arith.constant 0 : i32
    return %c0_i32, %c0_i32_0 : i32, i32
  }
  func.func @transform_7(%arg0: i32) -> (i32, i32) {
    %c0_i32 = arith.constant 0 : i32
    %c0_i32_0 = arith.constant 0 : i32
    %c0_i32_1 = arith.constant 0 : i32
    return %c0_i32, %c0_i32_0 : i32, i32
  }
  func.func @transform_8(%arg0: i32) -> (i32, i32) {
    %c0_i32 = arith.constant 0 : i32
    %c0_i32_0 = arith.constant 0 : i32
    %c0_i32_1 = arith.constant 0 : i32
    return %c0_i32, %c0_i32_0 : i32, i32
  }
  func.func @transform_9(%arg0: i32) -> (i32, i32) {
    %c0_i32 = arith.constant 0 : i32
    %c0_i32_0 = arith.constant 0 : i32
    %c0_i32_1 = arith.constant 0 : i32
    return %c0_i32, %c0_i32_0 : i32, i32
  }
  func.func @transform_10(%arg0: i32) -> (i32, i32) {
    %c0_i32 = arith.constant 0 : i32
    %c0_i32_0 = arith.constant 0 : i32
    %c0_i32_1 = arith.constant 0 : i32
    return %c0_i32, %c0_i32_0 : i32, i32
  }
  func.func @transform_11(%arg0: i32) -> (i32, i32) {
    %c0_i32 = arith.constant 0 : i32
    %c0_i32_0 = arith.constant 0 : i32
    %c0_i32_1 = arith.constant 0 : i32
    return %c0_i32, %c0_i32_0 : i32, i32
  }
  func.func @transform_12(%arg0: i32) -> (i32, i32) {
    %c0_i32 = arith.constant 0 : i32
    %c0_i32_0 = arith.constant 0 : i32
    %c0_i32_1 = arith.constant 0 : i32
    return %c0_i32, %c0_i32_0 : i32, i32
  }
  func.func @transform_13(%arg0: i32) -> (i32, i32) {
    %c0_i32 = arith.constant 0 : i32
    %c0_i32_0 = arith.constant 0 : i32
    %c0_i32_1 = arith.constant 0 : i32
    return %c0_i32, %c0_i32_0 : i32, i32
  }
  func.func @transform_14(%arg0: i32) -> (i32, i32) {
    %c0_i32 = arith.constant 0 : i32
    %c0_i32_0 = arith.constant 0 : i32
    return %arg0, %c0_i32 : i32, i32
  }
}

</mosaic_0001>

<sc_bundles>
// kernel: kernel.6.cloned.1.call-start
scs
__scs_entry_jumppad:
0x0: {  	(pc) =	sbr.rel $0x88, $3  }
0x1: {  	(tag) =	ssettag $0x0;
	lr =	simm.s32 $0x1  }
0x2: {  	[smem:$0x3F91] =	sst lr;
	_ =	strace $0xD0000000  }
0x3: {  	_ = 	snop  }
0x4: {  	_ = 	snop  }
0x5: {  	_ = 	snop  }
0x6: {  	_ = 	snop  }
0x7: {  	_ = 	snop  }
__scs_overlays_trampoline_lowered:
0x8: {  	[smem:$0x3FA0] =	sst s0  }
0x9: {  	[smem:$0x3FA1] =	sst s1  }
0xa: {  	[smem:$0x3FA2] =	sst s2  }
0xb: {  	[smem:$0x3FA3] =	sst s3  }
0xc: {  	[smem:$0x3FA4] =	sst s4  }
0xd: {  	[smem:$0x3FA5] =	sst s5  }
0xe: {  	[smem:$0x3FA6] =	sst s6  }
0xf: {  	[smem:$0x3FA7] =	sst s7  }
0x10: {  	[smem:$0x3FA8] =	sst s8  }
0x11: {  	[smem:$0x3FA9] =	sst s9;
	s0 =	simm.s32 @!p0 $0x0  }
0x12: {  	s1 =	sld [smem:$0x3F8F];
	s0 =	simm.s32 @p0 $0x1  }
0x13: {  	[smem:$0x3FAA] =	sst s0;
	s0 =	simm.s32 @!p1 $0x0  }
0x14: {  	s2 =	sld [smem:$0x3F8E];
	s0 =	simm.s32 @p1 $0x1  }
0x15: {  	[smem:$0x3FAB] =	sst s0;
	s0 =	simm.s32 @!p2 $0x0  }
0x16: {  	s3 =	sld [smem:$0x3FDB];
	s0 =	simm.s32 @p2 $0x1  }
0x17: {  	s4 =	simm.s32 $0x1BF5;
	[smem:$0x3FAD] =	sst s0  }
0x18: {  	s0 =	sld [smem:$0x3F90];
	_ =	swait.ge [sflag:s4], $0x0  }
0x19: {  	s7 =	sld [smem:$0x3F91]  }
0x1a: {  	s8 =	sadd.s32 $0xFFFFE003, lr  }
0x1b: {  	s9 =	sadd.s32 $0xFFFFFEF7, lr;
	s5 =	simm.s32 $0xFFFFFFFF;
	p2 =	slt.u32 s8, $0xFFFFF086  }
0x1c: {  	p1 =	slt.u32 s9, $0xF7A;
	s5 =	simm.s32 @!p2 $0x0  }
0x1d: {  	s5 =	simm.s32 @p1 $0x1;
	p0 =	seq.s32 s7, s2  }
0x1e: {  	s7 =	smul.u32 @!p0 $0xF7A, s2;
	p2 =	seq.s32 @!p0 s5, $0x0  }
0x1f: {  	s9 =	smul.u32 $0xF7A, s1;
	s8 =	simm.s32 @!p0 $0x1BF5;
	p2 =	por !p2, p0  }
0x20: {  	[sflag:s8] =	ssyncset.s32 @!p0 $0xFFFFF086;
	s6 =	sadd.s32 @!p0 s3, s7;
	s7 =	simm.s32 @!p0 $0x108  }
0x21: {  	s3 =	sadd.s32 s3, s9;
	s6 =	sadd.s32 @!p0 $0x88, s6;
	s7 =	simm.s32 @p2 $0x1082  }
0x22: {  	[simem:s7], [sflag:s8] =	dma.local @!p0 [hbm:s6], $0xF7A  }
0x23: {  	s9 =	sor.u32 $0xD0000000, s2;
	s6 =	simm.s32 $0x108;
	_ =	swait.ge @!p0 [sflag:s8], $0x0  }
0x24: {  	s3 =	sadd.s32 $0x88, s3;
	s6 =	simm.s32 @!p1 $0x1082;
	[sflag:s4] =	ssyncset.s32 $0xFFFFF086  }
0x25: {  	[simem:s6], [sflag:s4] =	dma.local [hbm:s3], $0xF7A  }
0x26: {  	[smem:$0x3F91] =	sst s1;
	(tag) =	ssettag s2;
	_ =	strace s9  }
0x27: {  	s1 =	sld [smem:$0x3FA1]  }
0x28: {  	s2 =	sld [smem:$0x3FA2]  }
0x29: {  	s4 =	sld [smem:$0x3FA4]  }
0x2a: {  	p0 =	seq.s32 s5, $0x0;
	s5 =	sld [smem:$0x3FA5]  }
0x2b: {  	s6 =	sld [smem:$0x3FA6]  }
0x2c: {  	s7 =	sld [smem:$0x3FA7]  }
0x2d: {  	s3 =	simm.s32 $0x108;
	s8 =	sld [smem:$0x3FA8]  }
0x2e: {  	s3 =	simm.s32 @!p0 $0x1082;
	s9 =	sld [smem:$0x3FA9]  }
0x2f: {  	lr =	sadd.s32 s0, s3;
	s0 =	sld [smem:$0x3FA0]  }
0x30: {  	s3 =	sld [smem:$0x3FA3]  }
0x31: {  	[smem:$0x3FAC] =	sst s10  }
0x32: {  	s10 =	sld [smem:$0x3FAA];
	_ =	sdelay $0x3  }
0x33: {  	p0 =	seq.s32 s10, $0x1;
	s10 =	sld [smem:$0x3FAC];
	_ =	sdelay $0x3  }
0x34: {  	[smem:$0x3FAC] =	sst s10  }
0x35: {  	s10 =	sld [smem:$0x3FAB];
	_ =	sdelay $0x3  }
0x36: {  	p1 =	seq.s32 s10, $0x1;
	s10 =	sld [smem:$0x3FAC];
	_ =	sdelay $0x3  }
0x37: {  	[smem:$0x3FAC] =	sst s10  }
0x38: {  	s10 =	sld [smem:$0x3FAD]  }
0x39: {  	_ = 	snop;
	(pc) =	sbr.ind lr, $3  }
0x3a: {  	_ = 	snop  }
0x3b: {  	_ = 	snop  }
0x3c: {  	p2 =	seq.s32 s10, $0x1;
	s10 =	sld [smem:$0x3FAC]  }
0x3d: {  	_ =	shalt  }
0x3e: {  	_ =	shalt  }
0x3f: {  	_ =	shalt  }
0x40: {  	_ =	shalt  }
0x41: {  	_ =	shalt  }
0x42: {  	_ =	shalt  }
0x43: {  	_ =	shalt  }
0x44: {  	_ =	shalt  }
0x45: {  	_ =	shalt  }
0x46: {  	_ =	shalt  }
0x47: {  	_ =	shalt  }
0x48: {  	_ =	shalt  }
0x49: {  	_ =	shalt  }
0x4a: {  	_ =	shalt  }
0x4b: {  	_ =	shalt  }
0x4c: {  	_ =	shalt  }
0x4d: {  	_ =	shalt  }
0x4e: {  	_ =	shalt  }
0x4f: {  	_ =	shalt  }
0x50: {  	_ =	shalt  }
0x51: {  	_ =	shalt  }
0x52: {  	_ =	shalt  }
0x53: {  	_ =	shalt  }
0x54: {  	_ =	shalt  }
0x55: {  	_ =	shalt  }
0x56: {  	_ =	shalt  }
0x57: {  	_ =	shalt  }
0x58: {  	_ =	shalt  }
0x59: {  	_ =	shalt  }
0x5a: {  	_ =	shalt  }
0x5b: {  	_ =	shalt  }
0x5c: {  	_ =	shalt  }
0x5d: {  	_ =	shalt  }
0x5e: {  	_ =	shalt  }
0x5f: {  	_ =	shalt  }
0x60: {  	_ =	shalt  }
0x61: {  	_ =	shalt  }
0x62: {  	_ =	shalt  }
0x63: {  	_ =	shalt  }
0x64: {  	_ =	shalt  }
0x65: {  	_ =	shalt  }
0x66: {  	_ =	shalt  }
0x67: {  	_ =	shalt  }
0x68: {  	_ =	shalt  }
0x69: {  	_ =	shalt  }
0x6a: {  	_ =	shalt  }
0x6b: {  	_ =	shalt  }
0x6c: {  	_ =	shalt  }
0x6d: {  	_ =	shalt  }
0x6e: {  	_ =	shalt  }
0x6f: {  	_ =	shalt  }
0x70: {  	_ =	shalt  }
0x71: {  	_ =	shalt  }
0x72: {  	_ =	shalt  }
0x73: {  	_ =	shalt  }
0x74: {  	_ =	shalt  }
0x75: {  	_ =	shalt  }
0x76: {  	_ =	shalt  }
0x77: {  	_ =	shalt  }
0x78: {  	_ =	shalt  }
0x79: {  	_ =	shalt  }
0x7a: {  	_ =	shalt  }
0x7b: {  	_ =	shalt  }
0x7c: {  	_ =	shalt  }
0x7d: {  	_ =	shalt  }
0x7e: {  	_ =	shalt  }
0x7f: {  	_ =	shalt  }
0x80: {  	_ =	shalt  }
0x81: {  	_ =	shalt  }
0x82: {  	_ =	shalt  }
0x83: {  	_ =	shalt  }
0x84: {  	_ =	shalt  }
0x85: {  	_ =	shalt  }
0x86: {  	_ =	shalt  }
0x87: {  	_ =	shalt  }
.Lfunc_end0:
.L_simem_size_0:
called_computation.2_lowered:
.L_overlay_start_0:
0x88: {  	s2 =	sld [smem:$0x3FD9]  }
0x89: {  	s3 =	sld [smem:$0x3FFE];
	_ =	sdelay $0x1  }
0x8a: {  	s1 =	srdreg.scid  }
0x8b: {  	s0 =	sand.u32 $0x1, s1  }
0x8c: {  	s17 =	sshll.u32 s0, $0xA;
	s2 =	sadd.s32 s3, s2  }
0x8d: {  	s2 =	sadd.s32 s2, s17  }
0x8e: {  	[smem:$0x3FB8] =	sst s2  }
0x8f: {  	_ = 	snop  }
0x90: {  	s2 =	sld [smem:$0x3FD0];
	(tm) =	ssettm $0x1  }
0x91: {  	s18 =	sld [smem:$0x3FFB];
	_ =	sdelay $0x3  }
0x92: {  	_ =	strace s18  }
0x93: {  	s3 =	sld [smem:$0x3FFC];
	_ =	sdelay $0x3  }
0x94: {  	_ =	strace s3  }
0x95: {  	s3 =	sld [smem:$0x3FFD];
	_ =	sdelay $0x3  }
0x96: {  	_ =	strace s3  }
0x97: {  	_ =	strace $0x8FFFFFFF  }
0x98: {  	s19 =	sld [smem:$0x3FDB];
	_ =	sdelay $0x1  }
0x99: {  	s4 =	simm.s32 $_scs_section_size  }
0x9a: {  	s5 =	simm.s32 $_size__tile_overlayer_lowered;
	s6 =	simm.s32 $_tile_overlayer_lowered  }
0x9b: {  	s22 =	simm.s32 $0x1BFF;
	s21 =	sshll.u32 s6, $0x1;
	s3 =	sadd.s32 s4, s19  }
0x9c: {  	s7 =	simm.s32 $0x0;
	s20 =	sshll.u32 s5, $0x1;
	s5 =	sadd.s32 s21, s3  }
0x9d: {  	[timem:s7], [sflag:s22] =	dma.local [hbm:s5], s20  }
0x9e: {  	_ =	swait.ge [sflag:s22], s20  }
0x9f: {  	s4 =	ssub.s32 $0x0, s20;
	[sflag:s22] =	ssyncset.done $0x0  }
0xa0: {  	[sflag:s22] =	ssyncadd.s32 s4;
	_ =	sdelay $0x1  }
0xa1: {  	s23 =	simm.s32 $0x1B8B  }
0xa2: {  	_ =	swait.ge [sflag:s23], $0x1  }
0xa3: {  	[sflag:s23] =	ssyncset.done $0x0  }
0xa4: {  	s25 =	simm.s32 $0x1B8E;
	s24 =	sld [smem:$0x3FFE];
	[sflag:s23] =	ssyncadd.s32 $0xFFFFFFFF  }
0xa5: {  	s26 =	simm.s32 $execute0_lowered;
	[smem:$0x3FD2] =	sst s25  }
0xa6: {  	s5 =	sshll.u32 s26, $0x1;
	_ =	strace $0x80000046;
	[dreg:$0x1] =	wrdreg $0xFFFFFFFF  }
0xa7: {  	s28 =	simm.s32 $_size_execute0_lowered;
	s3 =	sadd.s32 s3, s5;
	[dreg:$0x0] =	wrdreg $0x0  }
0xa8: {  	s5 =	sshll.u32 s28, $0x1;
	[dreg:$0x2] =	wrdreg s3  }
0xa9: {  	[dreg:$0x3] =	wrdreg s5  }
0xaa: {  	[dreg:$0x4] =	wrdreg $0xC0  }
0xab: {  	_ =	task [dreg:s7], $0x5FFFF  }
0xac: {  	[dreg:$0x1] =	wrdreg $0xFFFFFFFF  }
0xad: {  	[dreg:$0x0] =	wrdreg $0x60  }
0xae: {  	[dreg:$0x2] =	wrdreg s2  }
0xaf: {  	[dreg:$0x3] =	wrdreg s24  }
0xb0: {  	[dreg:$0x4] =	wrdreg $0x9  }
0xb1: {  	_ =	task.clear_ibuf [dreg:s7], $0x5FFFF;
	_ =	strace $0x90000046  }
0xb2: {  	s29 =	simm.s32 $0x9;
	_ =	strace $0x80000048  }
0xb3: {  	_ =	swait.ge [sflag:s29], $0x1  }
0xb4: {  	[sflag:s29] =	ssyncadd.s32 $0xFFFFFFFF  }
0xb5: {  	_ =	strace $0x90000048  }
0xb6: {  	_ =	sfence  }
0xb7: {  	s30 =	sld [smem:$0x0];
	_ =	sdelay $0x2  }
0xb8: {  	s31 =	sshll.u32 s1, $0xD;
	s1 =	sshrl.u32 s1, $0x2  }
0xb9: {  	s3 =	sand.u32 $0x4000, s31;
	s1 =	sadd.s32 s1, s30  }
0xba: {  	s0 =	sor.u32 s3, s0;
	s1 =	sshll.u32 s1, $0x11  }
0xbb: {  	s0 =	sor.u32 s1, s0  }
0xbc: {  	s0 =	sadd.s32 $0x8F2B, s0  }
0xbd: {  	[sflag:s0] =	ssyncadd.remote.s32 $0x1  }
0xbe: {  	_ =	sfence.sel $0xFFFF  }
0xbf: {  	[dreg:$0x0] =	wrdreg $0xFFFFFFFF;
	(pc) =	sbr.abs _section_cstart, $3  }
0xc0: {  	[dreg:$0x1] =	wrdreg $0xFFFFFFFF  }
0xc1: {  	_ =	task.clear_ibuf [dreg:s7], $0x2FFFF;
	_ =	strace $0x9FFFFFFF  }
0xc2: {  	(tm) =	ssettm $0x7FFFFFFF  }
0xc3: {  	_ =	shalt  }
tec
execute0_lowered:
.L_overlay_start_1:
0x0: {  	(tag) =	ssettag $0x1  }
0x1: {  	s1 =	rddreg [dreg:$0x0]  }
0x2: {  	s0 =	rddreg [dreg:$0x1]  }
0x3: {  	s2 =	simm.s32 $0x0;
	s5 =	srdreg.scid;
	s9 =	stileid.u32  }
0x4: {  	s15 =	simm.s32 $0x4;
	s16 =	simm.s32 $0x80;
	s17 =	simm.s32 $0x28  }
0x5: {  	s18 =	simm.s32 $0x100;
	s19 =	simm.s32 $0x1500;
	s20 =	simm.s32 $0x2900  }
0x6: {  	s21 =	simm.s32 $0x1;
	s22 =	simm.s32 $0x2;
	s23 =	simm.s32 $0x3  }
0x7: {  	s24 =	simm.s32 $0x3D00;
	[smem:$0x7FF] =	sst s2;
	s3 =	sadd.s32 $0x2BE00, s0  }
0x8: {  	s25 =	simm.s32 $0x0;
	s4 =	sadd.s32 $0x52D200, s0;
	s6 =	sadd.s32 $0x50DC00, s0  }
0x9: {  	s7 =	sadd.s32 $0xC800, s0;
	s5 =	sand.u32 $0x1, s5;
	s10 =	sadd.s32 $0x52D000, s0  }
0xa: {  	s11 =	sadd.s32 $0xA0F200, s0;
	s8 =	ssub.s32 $0x2, s5;
	s5 =	sshll.u32 s5, $0x4  }
0xb: {  	_ =	strace $0x80000047;
	s31 =	sshrl.u32 s8, $0x1;
	s5 =	sor.u32 s9, s5  }
0xc: {  	v0 =	vimm.f32 $0.0e+00;
	[dreg:$0x3] =	wrdreg s10;
	s8 =	ssub.s32 s8, s31;
	s10 =	smul.u32 $0x2710, s5  }
0xd: {  	vm0 =	vcmask $0x310;
	vm1 =	vcmask $0x710;
	vm2 =	vcmask $0xB10;
	s9 =	sadd.s32 $0xEF1200, s0;
	s12 =	smul.u32 $0xFA, s5;
	s13 =	smax.u32 s8, $0x1  }
.LBB2_1:
0xe: {  	s0 =	simm.s32 $0x0;
	s5 =	simm.s32 $0x200  }
.LBB2_2:
0xf: {  	p0 =	sne.s32 s5, $0x4E00;
	[tilespmem:s0+$0x3D00] =	vst v0  }
0x10: {  	[tilespmem:s0+$0x2900] =	vst v0  }
0x11: {  	[tilespmem:s0+$0x2910] =	vst v0  }
0x12: {  	[tilespmem:s0+$0x2920] =	vst v0  }
.Ltmp0:
0x13: {  	[tilespmem:s0+$0x2930] =	vst v0;
	(pc) =	sbr.rel @p0 .LBB2_2-.Ltmp0, $4  }
0x14: {  	[tilespmem:s0+$0x2940] =	vst v0  }
0x15: {  	[tilespmem:s0+$0x2950] =	vst v0  }
0x16: {  	[tilespmem:s0+$0x2960] =	vst v0  }
0x17: {  	[tilespmem:s0+$0x2970] =	vst v0;
	s0 =	sshra.s32 s5, $0x2;
	s5 =	sadd.s32 $0x200, s5  }
0x18: {  	[tilespmem:s0+$0x3D00] =	vst v0  }
0x19: {  	[tilespmem:s0+$0x2900] =	vst v0  }
0x1a: {  	[tilespmem:s0+$0x2910] =	vst v0  }
0x1b: {  	[tilespmem:s0+$0x2920] =	vst v0  }
0x1c: {  	[tilespmem:s0+$0x2930] =	vst v0  }
0x1d: {  	[tilespmem:s0+$0x2940] =	vst v0  }
0x1e: {  	[tilespmem:s0+$0x2950] =	vst v0  }
0x1f: {  	[tilespmem:s0+$0x2960] =	vst v0  }
0x20: {  	[tilespmem:s0+$0x2970] =	vst v0;
	s26 =	simm.s32 $0x0;
	s31 =	rddreg [dreg:$0x3];
	s5 =	simm.s32 $0x5100  }
0x21: {  	[tilespmem:s5], [sflag:$0x4] =	stream.linear.gather [hbm4b:s31+s26], $0x80, $0x38;
	[tilespmem:$0x5180] =	vst v63  }
0x22: {  	_ =	swait.ge [sflag:s15], $0x80  }
0x23: {  	[sflag:s15] =	ssyncset.done $0x0  }
0x24: {  	[sflag:s15] =	ssyncadd.s32 $0xFFFFFF80  }
0x25: {  	v1 =	vld [tilespmem:$0x5100]  }
0x26: {  	v2 =	vld [tilespmem:$0x5110]  }
0x27: {  	v3 =	vld [tilespmem:$0x5120]  }
0x28: {  	v4 =	vld [tilespmem:$0x5130]  }
0x29: {  	v5 =	vld [tilespmem:$0x5140]  }
0x2a: {  	v6 =	vld [tilespmem:$0x5150]  }
0x2b: {  	v7 =	vld [tilespmem:$0x5160]  }
0x2c: {  	v8 =	vld [tilespmem:$0x5170]  }
.LBB2_4:
0x2d: {  	s0 =	sadd.s32 s12, s26  }
0x2e: {  	s0 =	sshll.u32 s0, $0x4  }
0x2f: {  	s5 =	sadd.s32 s6, s0  }
0x30: {  	[tilespmem:s2], [sflag:$0x4] =	stream.linear.gather [hbm4b:s5+s2], $0x80, $0x38;
	[tilespmem:$0x5180] =	vst v63  }
0x31: {  	_ =	swait.ge [sflag:s15], $0x80  }
0x32: {  	[sflag:s15] =	ssyncset.done $0x0  }
0x33: {  	s0 =	sadd.s32 s7, s0;
	[sflag:s15] =	ssyncadd.s32 $0xFFFFFF80  }
0x34: {  	[tilespmem:s16], [sflag:$0x4] =	stream.linear.gather [hbm4b:s0+s2], $0x80, $0x38;
	[tilespmem:$0x5180] =	vst v63  }
0x35: {  	s5 =	smul.u32 $0x28, s26;
	_ =	swait.ge [sflag:s15], $0x80  }
0x36: {  	[sflag:s15] =	ssyncset.done $0x0  }
0x37: {  	s0 =	sadd.s32 s10, s5;
	[sflag:s15] =	ssyncadd.s32 $0xFFFFFF80  }
0x38: {  	[tilespmem:s18], [sflag:$0x1] =	stream.indirect.gather [hbm4b:s1+s17], $0x80, s2, s17, $0xb8;
	[tilespmem:$0x5180] =	vst v63  }
0x39: {  	s28 =	sshll.u32 s0, $0x4  }
0x3a: {  	[tilespmem:s19], [sflag:$0x2] =	stream.indirect.gather [hbm4b:s3+s17], $0x80, s16, s17, $0xb8;
	[tilespmem:$0x5180] =	vst v63  }
0x3b: {  	s0 =	sadd.s32 s4, s28  }
0x3c: {  	[tilespmem:s20], [sflag:$0x3] =	stream.linear.gather [hbm4b:s0+s2], $0x1400, $0x38;
	[tilespmem:$0x5180] =	vst v63  }
0x3d: {  	_ =	swait.ge [sflag:s21], $0x1400  }
0x3e: {  	[sflag:s21] =	ssyncset.done $0x0  }
0x3f: {  	[sflag:s21] =	ssyncadd.s32 $0xFFFFEC00  }
0x40: {  	_ =	swait.ge [sflag:s22], $0x1400  }
0x41: {  	[sflag:s22] =	ssyncset.done $0x0  }
0x42: {  	[sflag:s22] =	ssyncadd.s32 $0xFFFFEC00  }
0x43: {  	_ =	swait.ge [sflag:s23], $0x1400  }
0x44: {  	[sflag:s23] =	ssyncset.done $0x0  }
0x45: {  	s29 =	simm.s32 $0x2980;
	[sflag:s23] =	ssyncadd.s32 $0xFFFFEC00  }
0x46: {  	v9 =	vld [tilespmem:s29+$0xFFFFFFE0]  }
0x47: {  	v10 =	vld [tilespmem:s29+$0xFFFFFFA0]  }
0x48: {  	v11 =	vld [tilespmem:s29+$0xFFFFFFD0]  }
0x49: {  	s8 =	simm.s32 $0x1580;
	v12 =	vld [tilespmem:s29+$0xFFFFFFB0]  }
0x4a: {  	v13 =	vld [tilespmem:s8+$0xFFFFFFC0]  }
0x4b: {  	v14 =	vld [tilespmem:s29+$0xFFFFFF90]  }
0x4c: {  	v15 =	vld [tilespmem:s8+$0xFFFFFFD0]  }
0x4d: {  	s14 =	simm.s32 $0x180;
	v16 =	vld [tilespmem:s8+$0xFFFFFFE0]  }
0x4e: {  	v17 =	vld [tilespmem:s14+$0xFFFFFFD0]  }
0x4f: {  	v18 =	vld [tilespmem:s14+$0xFFFFFFE0]  }
0x50: {  	v19 =	vld [tilespmem:s14+$0xFFFFFF80]  }
0x51: {  	v20 =	vld [tilespmem:s8+$0xFFFFFFB0]  }
0x52: {  	v21 =	vld [tilespmem:s14+$0xFFFFFFB0]  }
0x53: {  	v22 =	vld [tilespmem:s8+$0xFFFFFFA0]  }
0x54: {  	v23 =	vld [tilespmem:s14+$0xFFFFFFA0]  }
0x55: {  	v24 =	vld [tilespmem:s8+$0xFFFFFF90]  }
0x56: {  	v25 =	vld [tilespmem:s14+$0xFFFFFF90]  }
0x57: {  	v26 =	vld [tilespmem:s8+$0xFFFFFF80]  }
0x58: {  	v27 =	vld [tilespmem:s14+$0xFFFFFFC0];
	v15 =	vadd.f32 v15, v17  }
0x59: {  	v28 =	vld [tilespmem:s8+$0xFFFFFFF0]  }
0x5a: {  	v29 =	vld [tilespmem:s14+$0xFFFFFFF0];
	v16 =	vadd.f32 v16, v18;
	v11 =	vadd.f32 v11, v15  }
0x5b: {  	v20 =	vadd.f32 v20, v21;
	v15 =	vld [tilespmem:s29+$0xFFFFFF80]  }
0x5c: {  	v40 =	vld [tilespmem:s29+$0xFFFFFFC0];
	v22 =	vadd.f32 v22, v23;
	v9 =	vadd.f32 v9, v16;
	v16 =	vmul.f32 $2.000000030e-01, v11  }
0x5d: {  	v12 =	vadd.f32 v12, v20;
	v20 =	vadd.f32 v24, v25  }
0x5e: {  	v41 =	vld [tilespmem:s29+$0xFFFFFFF0];
	v10 =	vadd.f32 v10, v22;
	v11 =	vmax.f32 v11, v16;
	v16 =	vadd.f32 v26, v19  }
0x5f: {  	v13 =	vadd.f32 v13, v27;
	v14 =	vadd.f32 v14, v20;
	v20 =	vmul.f32 $2.000000030e-01, v12  }
0x60: {  	v28 =	vadd.f32 v28, v29;
	v15 =	vadd.f32 v15, v16;
	v16 =	vmul.f32 $2.000000030e-01, v10  }
0x61: {  	v13 =	vadd.f32 v40, v13;
	v42 =	vmul.f32 $2.000000030e-01, v9;
	v12 =	vmax.f32 v12, v20  }
0x62: {  	v20 =	vmul.f32 $2.000000030e-01, v14;
	v12 =	vmul.f32 v12, v4;
	v10 =	vmax.f32 v10, v16  }
0x63: {  	v22 =	vadd.f32 v41, v28;
	v16 =	vmul.f32 $2.000000030e-01, v15;
	v10 =	vmul.f32 v10, v3  }
0x64: {  	v9 =	vmax.f32 v9, v42;
	v14 =	vmax.f32 v14, v20;
	v20 =	vmul.f32 $2.000000030e-01, v13  }
0x65: {  	v15 =	vmax.f32 v15, v16;
	v10 =	vadd.f32 v12, v10;
	v12 =	vmul.f32 $2.000000030e-01, v22  }
0x66: {  	v14 =	vmul.f32 v14, v2;
	v13 =	vmax.f32 v13, v20;
	v15 =	vmul.f32 v15, v1  }
0x67: {  	v11 =	vmul.f32 v11, v6;
	v13 =	vmul.f32 v13, v5;
	v12 =	vmax.f32 v22, v12  }
0x68: {  	v9 =	vmul.f32 v9, v7;
	v14 =	vadd.f32 v14, v15;
	v12 =	vmul.f32 v12, v8  }
0x69: {  	(xrf2) =	vadd.scan.msk.f32 $0xffff, v10;
	v10 =	vadd.f32 v11, v13  }
0x6a: {  	(xrf2) =	vadd.scan.msk.f32 $0xffff, v14;
	v9 =	vadd.f32 v12, v9  }
0x6b: {  	(xrf2) =	vadd.scan.msk.f32 $0xffff, v10  }
0x6c: {  	(xrf2) =	vadd.scan.msk.f32 $0xffff, v9;
	_ =	sdelay $0x6  }
0x6d: {  	v9, _, _ =	vpop (xrf2)  }
0x6e: {  	v9 =	vmul.f32 $1.442695020e+00, v9;
	v10, _, _ =	vpop (xrf2)  }
0x6f: {  	v10 =	vmul.f32 $1.442695020e+00, v10;
	v11, _, _ =	vpop (xrf2)  }
0x70: {  	v9 =	vbroadcast v9, $0xF;
	v11 =	vmul.f32 $1.442695020e+00, v11;
	v12, _, _ =	vpop (xrf2)  }
0x71: {  	v10 =	vbroadcast v10, $0xF;
	v12 =	vmul.f32 $1.442695020e+00, v12  }
0x72: {  	(erf) = vpow2.f32 v9;
	v9 =	vbroadcast v11, $0xF  }
0x73: {  	(erf) = vpow2.f32 v10;
	v10 =	vbroadcast v12, $0xF  }
0x74: {  	(erf) = vpow2.f32 v9  }
0x75: {  	(erf) = vpow2.f32 v10;
	_ =	sdelay $0x5  }
0x76: {  	v9 =	vpop (erf)  }
0x77: {  	v10 =	vpop (erf)  }
0x78: {  	v11 =	vsel vm0, v10, v9;
	v12 =	vpop (erf)  }
0x79: {  	v11 =	vsel vm1, v11, v12;
	v13 =	vpop (erf)  }
0x7a: {  	s30 =	simm.s32 $0x3D80;
	v14 =	vmul.f32 v10, v19;
	v11 =	vsel vm2, v11, v13  }
0x7b: {  	v10 =	vmul.f32 v10, v25;
	[tilespmem:s30+$0xFFFFFF80] =	vst v11  }
0x7c: {  	v11 =	vmul.f32 v9, v21;
	[tilespmem:s29+$0xFFFFFF80] =	vst v14  }
0x7d: {  	v9 =	vmul.f32 v9, v23;
	[tilespmem:s29+$0xFFFFFF90] =	vst v10  }
0x7e: {  	v14 =	vmul.f32 v12, v27;
	[tilespmem:s29+$0xFFFFFFB0] =	vst v11  }
0x7f: {  	v10 =	vmul.f32 v13, v29;
	[tilespmem:s29+$0xFFFFFFA0] =	vst v9  }
0x80: {  	v19 =	vld [tilespmem:s29+$0x50];
	v11 =	vmul.f32 v13, v18;
	[tilespmem:s29+$0xFFFFFFC0] =	vst v14  }
0x81: {  	v52 =	vld [tilespmem:s29+$0x20];
	[tilespmem:s29+$0xFFFFFFF0] =	vst v10;
	v10 =	vmul.f32 v12, v17  }
0x82: {  	v13 =	vld [tilespmem:s29+$0x0];
	[tilespmem:s29+$0xFFFFFFE0] =	vst v11  }
0x83: {  	v18 =	vld [tilespmem:s29+$0x70];
	[tilespmem:s29+$0xFFFFFFD0] =	vst v10  }
0x84: {  	v11 =	vld [tilespmem:s14+$0x0]  }
0x85: {  	v15 =	vld [tilespmem:s8+$0x0]  }
0x86: {  	v12 =	vld [tilespmem:s14+$0x10]  }
0x87: {  	v16 =	vld [tilespmem:s8+$0x10]  }
0x88: {  	v14 =	vld [tilespmem:s29+$0x10]  }
0x89: {  	v17 =	vld [tilespmem:s29+$0x30]  }
0x8a: {  	v43 =	vld [tilespmem:s8+$0x30];
	v15 =	vadd.f32 v15, v11  }
0x8b: {  	v9 =	vld [tilespmem:s14+$0x70]  }
0x8c: {  	v10 =	vld [tilespmem:s14+$0x50];
	v16 =	vadd.f32 v16, v12;
	v15 =	vadd.f32 v13, v15  }
0x8d: {  	v44 =	vld [tilespmem:s8+$0x50]  }
0x8e: {  	v45 =	vld [tilespmem:s8+$0x20];
	v16 =	vadd.f32 v14, v16;
	v46 =	vmul.f32 $2.000000030e-01, v15  }
0x8f: {  	v14 =	vld [tilespmem:s14+$0x20]  }
0x90: {  	v48 =	vmul.f32 $2.000000030e-01, v16;
	v24 =	vmax.f32 v15, v46;
	v15 =	vld [tilespmem:s14+$0x30]  }
0x91: {  	v47 =	vld [tilespmem:s8+$0x70]  }
0x92: {  	v50 =	vld [tilespmem:s8+$0x60];
	v16 =	vmax.f32 v16, v48  }
0x93: {  	v24 =	vmul.f32 v24, v1;
	v51 =	vmul.f32 v16, v2;
	v16 =	vld [tilespmem:s14+$0x60]  }
0x94: {  	v53 =	vld [tilespmem:s29+$0x60];
	v23 =	vadd.f32 v45, v14  }
0x95: {  	v49 =	vld [tilespmem:s8+$0x40];
	v24 =	vadd.f32 v51, v24;
	v21 =	vadd.f32 v43, v15  }
0x96: {  	v25 =	vadd.f32 v47, v9;
	v13 =	vld [tilespmem:s14+$0x40];
	v23 =	vadd.f32 v52, v23  }
0x97: {  	v22 =	vadd.f32 v44, v10;
	(xrf2) =	vadd.scan.msk.f32 $0xffff, v24;
	v17 =	vadd.f32 v17, v21  }
0x98: {  	v20 =	vld [tilespmem:s29+$0x40];
	v18 =	vadd.f32 v18, v25;
	v58 =	vmul.f32 $2.000000030e-01, v23;
	v55 =	vadd.f32 v50, v16  }
0x99: {  	v19 =	vadd.f32 v19, v22;
	v59 =	vmul.f32 $2.000000030e-01, v17  }
0x9a: {  	v57 =	vmul.f32 $2.000000030e-01, v18;
	v62 =	vmax.f32 v23, v58;
	v22 =	vadd.f32 v53, v55  }
0x9b: {  	v54 =	vadd.f32 v49, v13;
	v21 =	vmul.f32 v62, v3;
	v17 =	vmax.f32 v17, v59  }
0x9c: {  	v61 =	vmul.f32 $2.000000030e-01, v22;
	v17 =	vmul.f32 v17, v4  }
0x9d: {  	v56 =	vmul.f32 $2.000000030e-01, v19;
	v18 =	vmax.f32 v18, v57;
	v20 =	vadd.f32 v20, v54  }
0x9e: {  	v18 =	vmul.f32 v18, v8;
	v22 =	vmax.f32 v22, v61;
	v17 =	vadd.f32 v17, v21  }
0x9f: {  	v60 =	vmul.f32 $2.000000030e-01, v20;
	v22 =	vmul.f32 v22, v7  }
0xa0: {  	v19 =	vmax.f32 v19, v56;
	(xrf2) =	vadd.scan.msk.f32 $0xffff, v17  }
0xa1: {  	v19 =	vmul.f32 v19, v6;
	v20 =	vmax.f32 v20, v60;
	v63, _, _ =	vpop (xrf2);
	v22 =	vadd.f32 v18, v22  }
0xa2: {  	v20 =	vmul.f32 v20, v5;
	v21 =	vmul.f32 $1.442695020e+00, v63  }
0xa3: {  	s31 =	simm.s32 $0x2980;
	s5 =	simm.s32 $0x0;
	(xrf2) =	vadd.scan.msk.f32 $0xffff, v22  }
0xa4: {  	s0 =	simm.s32 $0x3D80;
	s8 =	simm.s32 $0x280;
	s14 =	simm.s32 $0x1680;
	v18 =	vadd.f32 v19, v20;
	v17 =	vbroadcast v21, $0xF  }
.LBB2_5:
0xa5: {  	s5 =	sadd.s32 $0x2, s5;
	s30 =	sadd.s32 $0x100, s30;
	s29 =	sadd.s32 $0x100, s29  }
0xa6: {  	p0 =	slt.u32 s5, $0x26;
	(xrf2) =	vadd.scan.msk.f32 $0xffff, v18;
	_ =	sdelay $0x3  }
0xa7: {  	v18, _, _ =	vpop (xrf2)  }
0xa8: {  	v18 =	vmul.f32 $1.442695020e+00, v18;
	_ =	sdelay $0x1  }
0xa9: {  	v20 =	vbroadcast v18, $0xF;
	v19, _, _ =	vpop (xrf2)  }
0xaa: {  	(erf) = vpow2.f32 v17  }
0xab: {  	(erf) = vpow2.f32 v20  }
0xac: {  	v17 =	vmul.f32 $1.442695020e+00, v19;
	v18, _, _ =	vpop (xrf2)  }
0xad: {  	v18 =	vmul.f32 $1.442695020e+00, v18  }
0xae: {  	v17 =	vbroadcast v17, $0xF  }
0xaf: {  	v18 =	vbroadcast v18, $0xF  }
0xb0: {  	(erf) = vpow2.f32 v17  }
0xb1: {  	(erf) = vpow2.f32 v18;
	_ =	sdelay $0x1  }
0xb2: {  	v17 =	vpop (erf)  }
0xb3: {  	v11 =	vmul.f32 v17, v11;
	v12 =	vmul.f32 v17, v12;
	v18 =	vpop (erf)  }
0xb4: {  	v17 =	vsel vm0, v17, v18;
	v14 =	vmul.f32 v18, v14;
	v15 =	vmul.f32 v18, v15;
	_ =	sdelay $0x3  }
0xb5: {  	v18 =	vpop (erf)  }
0xb6: {  	v16 =	vmul.f32 v18, v16;
	v19 =	vpop (erf)  }
0xb7: {  	v17 =	vsel vm1, v17, v19;
	v13 =	vmul.f32 v19, v13;
	v10 =	vmul.f32 v19, v10  }
0xb8: {  	v17 =	vsel vm2, v17, v18  }
0xb9: {  	[tilespmem:s0+$0x0] =	vst v17;
	s0 =	smov.u32 s30  }
0xba: {  	[tilespmem:s31+$0x0] =	vst v11  }
0xbb: {  	[tilespmem:s31+$0x10] =	vst v12  }
0xbc: {  	[tilespmem:s31+$0x20] =	vst v14  }
0xbd: {  	[tilespmem:s31+$0x30] =	vst v15  }
0xbe: {  	v12 =	vld [tilespmem:s29+$0xFFFFFFE0];
	[tilespmem:s31+$0x40] =	vst v13  }
0xbf: {  	v9 =	vmul.f32 v18, v9;
	v13 =	vld [tilespmem:s29+$0xFFFFFFA0];
	[tilespmem:s31+$0x50] =	vst v10  }
0xc0: {  	v14 =	vld [tilespmem:s29+$0xFFFFFFD0];
	[tilespmem:s31+$0x60] =	vst v16  }
0xc1: {  	v15 =	vld [tilespmem:s29+$0xFFFFFFB0];
	[tilespmem:s31+$0x70] =	vst v9;
	s31 =	smov.u32 s29  }
0xc2: {  	v16 =	vld [tilespmem:s14+$0xFFFFFFC0]  }
0xc3: {  	v17 =	vld [tilespmem:s29+$0xFFFFFF90]  }
0xc4: {  	v18 =	vld [tilespmem:s14+$0xFFFFFFD0]  }
0xc5: {  	v19 =	vld [tilespmem:s14+$0xFFFFFFE0]  }
0xc6: {  	v10 =	vld [tilespmem:s8+$0xFFFFFFD0]  }
0xc7: {  	v9 =	vld [tilespmem:s8+$0xFFFFFFE0]  }
0xc8: {  	v11 =	vld [tilespmem:s8+$0xFFFFFF80]  }
0xc9: {  	v20 =	vld [tilespmem:s14+$0xFFFFFFB0]  }
0xca: {  	v21 =	vld [tilespmem:s8+$0xFFFFFFB0]  }
0xcb: {  	v22 =	vld [tilespmem:s14+$0xFFFFFFA0];
	v18 =	vadd.f32 v18, v10  }
0xcc: {  	v23 =	vld [tilespmem:s8+$0xFFFFFFA0];
	v19 =	vadd.f32 v19, v9  }
0xcd: {  	v24 =	vld [tilespmem:s14+$0xFFFFFF90];
	v14 =	vadd.f32 v14, v18  }
0xce: {  	v18 =	vld [tilespmem:s8+$0xFFFFFF90];
	v12 =	vadd.f32 v12, v19  }
0xcf: {  	v19 =	vld [tilespmem:s14+$0xFFFFFF80];
	v20 =	vadd.f32 v20, v21;
	v25 =	vmul.f32 $2.000000030e-01, v14  }
0xd0: {  	v26 =	vld [tilespmem:s8+$0xFFFFFFC0];
	v27 =	vmul.f32 $2.000000030e-01, v12  }
0xd1: {  	v28 =	vld [tilespmem:s29+$0xFFFFFF80];
	v22 =	vadd.f32 v22, v23;
	v15 =	vadd.f32 v15, v20;
	v14 =	vmax.f32 v14, v25  }
0xd2: {  	v12 =	vmax.f32 v12, v27;
	v20 =	vld [tilespmem:s14+$0xFFFFFFF0]  }
0xd3: {  	v24 =	vadd.f32 v24, v18;
	v13 =	vadd.f32 v13, v22;
	v22 =	vmul.f32 $2.000000030e-01, v15;
	v25 =	vld [tilespmem:s29+$0xFFFFFFC0]  }
0xd4: {  	v19 =	vadd.f32 v19, v11;
	v27 =	vld [tilespmem:s8+$0xFFFFFFF0]  }
0xd5: {  	v17 =	vadd.f32 v17, v24;
	v24 =	vmul.f32 $2.000000030e-01, v13;
	v16 =	vadd.f32 v16, v26  }
0xd6: {  	v15 =	vmax.f32 v15, v22;
	v19 =	vadd.f32 v28, v19;
	v22 =	vld [tilespmem:s29+$0xFFFFFFF0]  }
0xd7: {  	v15 =	vmul.f32 v15, v4;
	v28 =	vmul.f32 $2.000000030e-01, v17;
	v13 =	vmax.f32 v13, v24  }
0xd8: {  	v24 =	vmul.f32 $2.000000030e-01, v19;
	v13 =	vmul.f32 v13, v3;
	v16 =	vadd.f32 v25, v16  }
0xd9: {  	v17 =	vmax.f32 v17, v28;
	v20 =	vadd.f32 v20, v27  }
0xda: {  	v19 =	vmax.f32 v19, v24;
	v13 =	vadd.f32 v15, v13;
	v15 =	vmul.f32 $2.000000030e-01, v16  }
0xdb: {  	v17 =	vmul.f32 v17, v2;
	v19 =	vmul.f32 v19, v1;
	v20 =	vadd.f32 v22, v20  }
0xdc: {  	v14 =	vmul.f32 v14, v6;
	v15 =	vmax.f32 v16, v15;
	(xrf2) =	vadd.scan.msk.f32 $0xffff, v13  }
0xdd: {  	v13 =	vadd.f32 v17, v19;
	v15 =	vmul.f32 v15, v5;
	v16 =	vmul.f32 $2.000000030e-01, v20;
	_ =	sdelay $0x1  }
0xde: {  	v14 =	vadd.f32 v14, v15;
	v15 =	vmax.f32 v20, v16;
	(xrf2) =	vadd.scan.msk.f32 $0xffff, v13  }
0xdf: {  	v12 =	vmul.f32 v12, v7;
	v13 =	vmul.f32 v15, v8;
	_ =	sdelay $0x1  }
0xe0: {  	v12 =	vadd.f32 v13, v12;
	(xrf2) =	vadd.scan.msk.f32 $0xffff, v14;
	_ =	sdelay $0x2  }
0xe1: {  	(xrf2) =	vadd.scan.msk.f32 $0xffff, v12  }
0xe2: {  	v12, _, _ =	vpop (xrf2)  }
0xe3: {  	v12 =	vmul.f32 $1.442695020e+00, v12;
	_ =	sdelay $0x1  }
0xe4: {  	v12 =	vbroadcast v12, $0xF;
	v13, _, _ =	vpop (xrf2);
	_ =	sdelay $0x1  }
0xe5: {  	v13 =	vmul.f32 $1.442695020e+00, v13  }
0xe6: {  	v14, _, _ =	vpop (xrf2)  }
0xe7: {  	v15 =	vbroadcast v13, $0xF;
	(erf) = vpow2.f32 v12  }
0xe8: {  	v12 =	vmul.f32 $1.442695020e+00, v14  }
0xe9: {  	(erf) = vpow2.f32 v15;
	v13, _, _ =	vpop (xrf2)  }
0xea: {  	v12 =	vbroadcast v12, $0xF;
	v13 =	vmul.f32 $1.442695020e+00, v13;
	_ =	sdelay $0x1  }
0xeb: {  	v13 =	vbroadcast v13, $0xF;
	(erf) = vpow2.f32 v12;
	_ =	sdelay $0x1  }
0xec: {  	(erf) = vpow2.f32 v13;
	_ =	sdelay $0x1  }
0xed: {  	v12 =	vpop (erf)  }
0xee: {  	v13 =	vmul.f32 v12, v23;
	v14 =	vmul.f32 v12, v21  }
0xef: {  	v15 =	vpop (erf)  }
0xf0: {  	v12 =	vsel vm0, v15, v12;
	v11 =	vmul.f32 v15, v11;
	v15 =	vmul.f32 v15, v18;
	_ =	sdelay $0x1  }
0xf1: {  	v16 =	vpop (erf)  }
0xf2: {  	v12 =	vsel vm1, v12, v16;
	v17 =	vmul.f32 v16, v26;
	v10 =	vmul.f32 v16, v10  }
0xf3: {  	v16 =	vpop (erf)  }
0xf4: {  	v12 =	vsel vm2, v12, v16;
	v9 =	vmul.f32 v16, v9;
	v16 =	vmul.f32 v16, v27  }
0xf5: {  	[tilespmem:s30+$0xFFFFFF80] =	vst v12  }
0xf6: {  	[tilespmem:s29+$0xFFFFFF80] =	vst v11  }
0xf7: {  	[tilespmem:s29+$0xFFFFFF90] =	vst v15;
	v18 =	vld [tilespmem:s29+$0x30]  }
0xf8: {  	[tilespmem:s29+$0xFFFFFFB0] =	vst v14;
	v19 =	vld [tilespmem:s29+$0x70]  }
0xf9: {  	[tilespmem:s29+$0xFFFFFFC0] =	vst v17;
	v17 =	vld [tilespmem:s29+$0x50]  }
0xfa: {  	[tilespmem:s29+$0xFFFFFFF0] =	vst v16;
	v14 =	vld [tilespmem:s29+$0x10]  }
0xfb: {  	[tilespmem:s29+$0xFFFFFFE0] =	vst v9;
	v15 =	vld [tilespmem:s29+$0x0]  }
0xfc: {  	[tilespmem:s29+$0xFFFFFFD0] =	vst v10;
	v20 =	vld [tilespmem:s29+$0x40]  }
0xfd: {  	[tilespmem:s29+$0xFFFFFFA0] =	vst v13;
	v21 =	vld [tilespmem:s29+$0x20]  }
0xfe: {  	v11 =	vld [tilespmem:s8+$0x0]  }
0xff: {  	v10 =	vld [tilespmem:s14+$0x0]  }
0x100: {  	v12 =	vld [tilespmem:s8+$0x10]  }
0x101: {  	v13 =	vld [tilespmem:s14+$0x10]  }
0x102: {  	v22 =	vld [tilespmem:s14+$0x30]  }
0x103: {  	v9 =	vld [tilespmem:s8+$0x70]  }
0x104: {  	v16 =	vadd.f32 v10, v11;
	v10 =	vld [tilespmem:s8+$0x50]  }
0x105: {  	v23 =	vld [tilespmem:s14+$0x50]  }
0x106: {  	v15 =	vadd.f32 v15, v16;
	v16 =	vadd.f32 v13, v12;
	v24 =	vld [tilespmem:s14+$0x20]  }
0x107: {  	v13 =	vld [tilespmem:s8+$0x40]  }
0x108: {  	v25 =	vmul.f32 $2.000000030e-01, v15;
	v16 =	vadd.f32 v14, v16;
	v14 =	vld [tilespmem:s8+$0x20]  }
0x109: {  	v26 =	vld [tilespmem:s14+$0x70]  }
0x10a: {  	v15 =	vmax.f32 v15, v25;
	v25 =	vmul.f32 $2.000000030e-01, v16;
	v27 =	vld [tilespmem:s14+$0x40];
	v23 =	vadd.f32 v23, v10  }
0x10b: {  	v28 =	vmul.f32 v15, v1;
	v15 =	vld [tilespmem:s8+$0x30]  }
0x10c: {  	v16 =	vmax.f32 v16, v25;
	v17 =	vadd.f32 v17, v23;
	v23 =	vld [tilespmem:s14+$0x60]  }
0x10d: {  	v25 =	vmul.f32 v16, v2;
	v24 =	vadd.f32 v24, v14;
	v16 =	vld [tilespmem:s8+$0x60]  }
0x10e: {  	v29 =	vmul.f32 $2.000000030e-01, v17;
	v26 =	vadd.f32 v26, v9  }
0x10f: {  	v25 =	vadd.f32 v25, v28;
	v27 =	vadd.f32 v27, v13;
	v28 =	vld [tilespmem:s29+$0x60]  }
0x110: {  	v21 =	vadd.f32 v21, v24;
	v22 =	vadd.f32 v22, v15;
	v17 =	vmax.f32 v17, v29  }
0x111: {  	v19 =	vadd.f32 v19, v26;
	v20 =	vadd.f32 v20, v27;
	v17 =	vmul.f32 v17, v6;
	(xrf2) =	vadd.scan.msk.f32 $0xffff, v25  }
0x112: {  	v18 =	vadd.f32 v18, v22;
	v22 =	vadd.f32 v23, v16  }
0x113: {  	v24 =	vmul.f32 $2.000000030e-01, v19;
	v23 =	vmul.f32 $2.000000030e-01, v20  }
0x114: {  	v25 =	vmul.f32 $2.000000030e-01, v21;
	v26 =	vmul.f32 $2.000000030e-01, v18;
	v22 =	vadd.f32 v28, v22  }
0x115: {  	v19 =	vmax.f32 v19, v24;
	v20 =	vmax.f32 v20, v23  }
0x116: {  	v21 =	vmax.f32 v21, v25;
	v18 =	vmax.f32 v18, v26;
	v23 =	vmul.f32 $2.000000030e-01, v22  }
0x117: {  	v21 =	vmul.f32 v21, v3;
	v18 =	vmul.f32 v18, v4  }
0x118: {  	v20 =	vmul.f32 v20, v5;
	v22 =	vmax.f32 v22, v23  }
0x119: {  	v19 =	vmul.f32 v19, v8;
	v21 =	vadd.f32 v18, v21;
	v22 =	vmul.f32 v22, v7  }
0x11a: {  	v18 =	vadd.f32 v17, v20  }
.Ltmp1:
0x11b: {  	v19 =	vadd.f32 v19, v22;
	v17, _, _ =	vpop (xrf2);
	(xrf2) =	vadd.scan.msk.f32 $0xffff, v21;
	(pc) =	sbr.rel @p0 .LBB2_5-.Ltmp1, $3  }
0x11c: {  	v17 =	vmul.f32 $1.442695020e+00, v17;
	_ =	sdelay $0x1  }
0x11d: {  	v17 =	vbroadcast v17, $0xF;
	(xrf2) =	vadd.scan.msk.f32 $0xffff, v19  }
0x11e: {  	s14 =	sadd.s32 $0x100, s14;
	s8 =	sadd.s32 $0x100, s8  }
0x11f: {  	(xrf2) =	vadd.scan.msk.f32 $0xffff, v18;
	_ =	sdelay $0x7  }
0x120: {  	v56, _, _ =	vpop (xrf2)  }
0x121: {  	v18 =	vmul.f32 $1.442695020e+00, v56;
	v19, _, _ =	vpop (xrf2)  }
0x122: {  	v19 =	vmul.f32 $1.442695020e+00, v19;
	v20, _, _ =	vpop (xrf2)  }
0x123: {  	v18 =	vbroadcast v18, $0xF;
	v20 =	vmul.f32 $1.442695020e+00, v20  }
0x124: {  	(erf) = vpow2.f32 v17;
	v57 =	vbroadcast v19, $0xF  }
0x125: {  	(erf) = vpow2.f32 v18;
	v58 =	vbroadcast v20, $0xF  }
0x126: {  	(erf) = vpow2.f32 v57  }
0x127: {  	(erf) = vpow2.f32 v58;
	_ =	sdelay $0x5  }
0x128: {  	v59 =	vpop (erf)  }
0x129: {  	v60 =	vpop (erf)  }
0x12a: {  	v61 =	vpop (erf)  }
0x12b: {  	v62 =	vsel vm0, v59, v60;
	v21 =	vpop (erf)  }
0x12c: {  	v20 =	vsel vm1, v62, v21  }
0x12d: {  	v11 =	vmul.f32 v59, v11;
	v20 =	vsel vm2, v20, v61  }
0x12e: {  	v12 =	vmul.f32 v59, v12;
	[tilespmem:s0+$0x0] =	vst v20  }
0x12f: {  	v14 =	vmul.f32 v60, v14;
	[tilespmem:s31+$0x0] =	vst v11  }
0x130: {  	v63 =	vmul.f32 v21, v13;
	[tilespmem:s31+$0x10] =	vst v12  }
0x131: {  	v10 =	vmul.f32 v21, v10;
	[tilespmem:s31+$0x20] =	vst v14  }
0x132: {  	v11 =	vmul.f32 v60, v15;
	[tilespmem:s31+$0x40] =	vst v63  }
0x133: {  	v9 =	vmul.f32 v61, v9;
	[tilespmem:s31+$0x50] =	vst v10  }
0x134: {  	[tilespmem:s31+$0x30] =	vst v11;
	v11 =	vmul.f32 v61, v16  }
0x135: {  	[tilespmem:s31+$0x70] =	vst v9  }
0x136: {  	s30 =	sadd.s32 s9, s28;
	[tilespmem:s31+$0x60] =	vst v11  }
0x137: {  	[hbm4b:s30+s2] =	stream.linear.scatter [tilespmem:s20], [sflag:$0x4], $0x1400, $0x38;
	[tilespmem:$0x5180] =	vst v63  }
0x138: {  	s26 =	sadd.s32 $0x1, s26;
	_ =	swait.ge [sflag:s15], $0x1400  }
0x139: {  	p0 =	sne.s32 s26, $0xFA;
	[sflag:s15] =	ssyncset.done $0x0  }
.Ltmp2:
0x13a: {  	s31 =	sadd.s32 s11, s28;
	[sflag:s15] =	ssyncadd.s32 $0xFFFFEC00;
	(pc) =	sbr.rel @p0 .LBB2_4-.Ltmp2, $4  }
0x13b: {  	[hbm4b:s31+s2] =	stream.linear.scatter [tilespmem:s24], [sflag:$0x4], $0x1400, $0x38;
	[tilespmem:$0x5180] =	vst v63  }
0x13c: {  	_ =	swait.ge [sflag:s15], $0x1400  }
0x13d: {  	[sflag:s15] =	ssyncset.done $0x0  }
0x13e: {  	[sflag:s15] =	ssyncadd.s32 $0xFFFFEC00  }
0x13f: {  	s25 =	sadd.s32 $0x1, s25  }
0x140: {  	p0 =	sne.s32 s25, s13  }
.Ltmp3:
0x141: {  	_ = 	snop;
	(pc) =	sbr.rel @p0 .LBB2_1-.Ltmp3, $1  }
0x142: {  	_ =	sdelay $0x3  }
0x143: {  	_ =	sfence.sel $0x180000  }
0x144: {  	[bflag:$0x0] =	sbarrier.arrive $0xFFFF  }
0x145: {  	_ =	strace $0x90000047  }
0x146: {  	s0 =	stileid.u32;
	[bflag:$0x2] =	sbarrier.arrive $0xFFFF  }
0x147: {  	p0 =	sne.s32 s0, $0x0;
	s0 =	rddreg [dreg:$0x2]  }
0x148: {  	s0 =	sadd.s32 @!p0 $0x100000, s0  }
0x149: {  	[sflag:s0] =	ssyncadd.tile.s32 @!p0 $0x1;
	_ =	shalt  }
.Lfunc_end2:
_tile_overlayer_lowered:
.L_overlay_start_2:
0x14a: {  	(tag) =	ssettag $0x2  }
0x14b: {  	s0 =	rddreg [dreg:$0x0];
	s2 =	stileid.u32  }
0x14c: {  	s1 =	rddreg [dreg:$0x1];
	p0 =	sne.s32 s2, $0x0  }
0x14d: {  	s3 =	rddreg [dreg:$0x2];
	[bflag:$0x3] =	sbarrier.arrive $0xFFFF;
	s2 =	simm.s32 @!p0 $0x1C04  }
0x14e: {  	[timem:s3], [sflag:s2] =	dma.local @!p0 [hbm:s0], s1  }
0x14f: {  	s0 =	simm.s32 @!p0 $0x4  }
0x150: {  	_ =	swait.ge @!p0 [sflag:s0], s1  }
0x151: {  	s1 =	ssub.s32 @!p0 $0x0, s1;
	[sflag:s0] =	ssyncset.done @!p0 $0x0  }
0x152: {  	[sflag:s0] =	ssyncadd.s32 @!p0 s1  }
0x153: {  	[bflag:$0x3] =	sbarrier.arrive $0xFFFF  }
0x154: {  	_ =	shalt  }

// kernel: scatter_offload_async_start.1
scs
__scs_entry_jumppad:
0x0: {  	(pc) =	sbr.rel $0x88, $3  }
0x1: {  	(tag) =	ssettag $0x0;
	lr =	simm.s32 $0x1  }
0x2: {  	[smem:$0x3F91] =	sst lr;
	_ =	strace $0xD0000000  }
0x3: {  	_ = 	snop  }
0x4: {  	_ = 	snop  }
0x5: {  	_ = 	snop  }
0x6: {  	_ = 	snop  }
0x7: {  	_ = 	snop  }
__scs_overlays_trampoline_lowered:
0x8: {  	[smem:$0x3FA0] =	sst s0  }
0x9: {  	[smem:$0x3FA1] =	sst s1  }
0xa: {  	[smem:$0x3FA2] =	sst s2  }
0xb: {  	[smem:$0x3FA3] =	sst s3  }
0xc: {  	[smem:$0x3FA4] =	sst s4  }
0xd: {  	[smem:$0x3FA5] =	sst s5  }
0xe: {  	[smem:$0x3FA6] =	sst s6  }
0xf: {  	[smem:$0x3FA7] =	sst s7  }
0x10: {  	[smem:$0x3FA8] =	sst s8  }
0x11: {  	[smem:$0x3FA9] =	sst s9;
	s0 =	simm.s32 @!p0 $0x0  }
0x12: {  	s1 =	sld [smem:$0x3F8F];
	s0 =	simm.s32 @p0 $0x1  }
0x13: {  	[smem:$0x3FAA] =	sst s0;
	s0 =	simm.s32 @!p1 $0x0  }
0x14: {  	s2 =	sld [smem:$0x3F8E];
	s0 =	simm.s32 @p1 $0x1  }
0x15: {  	[smem:$0x3FAB] =	sst s0;
	s0 =	simm.s32 @!p2 $0x0  }
0x16: {  	s3 =	sld [smem:$0x3FDB];
	s0 =	simm.s32 @p2 $0x1  }
0x17: {  	s4 =	simm.s32 $0x1BF5;
	[smem:$0x3FAD] =	sst s0  }
0x18: {  	s0 =	sld [smem:$0x3F90];
	_ =	swait.ge [sflag:s4], $0x0  }
0x19: {  	s7 =	sld [smem:$0x3F91]  }
0x1a: {  	s8 =	sadd.s32 $0xFFFFE003, lr  }
0x1b: {  	s9 =	sadd.s32 $0xFFFFFEF7, lr;
	s5 =	simm.s32 $0xFFFFFFFF;
	p2 =	slt.u32 s8, $0xFFFFF086  }
0x1c: {  	p1 =	slt.u32 s9, $0xF7A;
	s5 =	simm.s32 @!p2 $0x0  }
0x1d: {  	s5 =	simm.s32 @p1 $0x1;
	p0 =	seq.s32 s7, s2  }
0x1e: {  	s7 =	smul.u32 @!p0 $0xF7A, s2;
	p2 =	seq.s32 @!p0 s5, $0x0  }
0x1f: {  	s9 =	smul.u32 $0xF7A, s1;
	s8 =	simm.s32 @!p0 $0x1BF5;
	p2 =	por !p2, p0  }
0x20: {  	[sflag:s8] =	ssyncset.s32 @!p0 $0xFFFFF086;
	s6 =	sadd.s32 @!p0 s3, s7;
	s7 =	simm.s32 @!p0 $0x108  }
0x21: {  	s3 =	sadd.s32 s3, s9;
	s6 =	sadd.s32 @!p0 $0x88, s6;
	s7 =	simm.s32 @p2 $0x1082  }
0x22: {  	[simem:s7], [sflag:s8] =	dma.local @!p0 [hbm:s6], $0xF7A  }
0x23: {  	s9 =	sor.u32 $0xD0000000, s2;
	s6 =	simm.s32 $0x108;
	_ =	swait.ge @!p0 [sflag:s8], $0x0  }
0x24: {  	s3 =	sadd.s32 $0x88, s3;
	s6 =	simm.s32 @!p1 $0x1082;
	[sflag:s4] =	ssyncset.s32 $0xFFFFF086  }
0x25: {  	[simem:s6], [sflag:s4] =	dma.local [hbm:s3], $0xF7A  }
0x26: {  	[smem:$0x3F91] =	sst s1;
	(tag) =	ssettag s2;
	_ =	strace s9  }
0x27: {  	s1 =	sld [smem:$0x3FA1]  }
0x28: {  	s2 =	sld [smem:$0x3FA2]  }
0x29: {  	s4 =	sld [smem:$0x3FA4]  }
0x2a: {  	p0 =	seq.s32 s5, $0x0;
	s5 =	sld [smem:$0x3FA5]  }
0x2b: {  	s6 =	sld [smem:$0x3FA6]  }
0x2c: {  	s7 =	sld [smem:$0x3FA7]  }
0x2d: {  	s3 =	simm.s32 $0x108;
	s8 =	sld [smem:$0x3FA8]  }
0x2e: {  	s3 =	simm.s32 @!p0 $0x1082;
	s9 =	sld [smem:$0x3FA9]  }
0x2f: {  	lr =	sadd.s32 s0, s3;
	s0 =	sld [smem:$0x3FA0]  }
0x30: {  	s3 =	sld [smem:$0x3FA3]  }
0x31: {  	[smem:$0x3FAC] =	sst s10  }
0x32: {  	s10 =	sld [smem:$0x3FAA];
	_ =	sdelay $0x3  }
0x33: {  	p0 =	seq.s32 s10, $0x1;
	s10 =	sld [smem:$0x3FAC];
	_ =	sdelay $0x3  }
0x34: {  	[smem:$0x3FAC] =	sst s10  }
0x35: {  	s10 =	sld [smem:$0x3FAB];
	_ =	sdelay $0x3  }
0x36: {  	p1 =	seq.s32 s10, $0x1;
	s10 =	sld [smem:$0x3FAC];
	_ =	sdelay $0x3  }
0x37: {  	[smem:$0x3FAC] =	sst s10  }
0x38: {  	s10 =	sld [smem:$0x3FAD]  }
0x39: {  	_ = 	snop;
	(pc) =	sbr.ind lr, $3  }
0x3a: {  	_ = 	snop  }
0x3b: {  	_ = 	snop  }
0x3c: {  	p2 =	seq.s32 s10, $0x1;
	s10 =	sld [smem:$0x3FAC]  }
0x3d: {  	_ =	shalt  }
0x3e: {  	_ =	shalt  }
0x3f: {  	_ =	shalt  }
0x40: {  	_ =	shalt  }
0x41: {  	_ =	shalt  }
0x42: {  	_ =	shalt  }
0x43: {  	_ =	shalt  }
0x44: {  	_ =	shalt  }
0x45: {  	_ =	shalt  }
0x46: {  	_ =	shalt  }
0x47: {  	_ =	shalt  }
0x48: {  	_ =	shalt  }
0x49: {  	_ =	shalt  }
0x4a: {  	_ =	shalt  }
0x4b: {  	_ =	shalt  }
0x4c: {  	_ =	shalt  }
0x4d: {  	_ =	shalt  }
0x4e: {  	_ =	shalt  }
0x4f: {  	_ =	shalt  }
0x50: {  	_ =	shalt  }
0x51: {  	_ =	shalt  }
0x52: {  	_ =	shalt  }
0x53: {  	_ =	shalt  }
0x54: {  	_ =	shalt  }
0x55: {  	_ =	shalt  }
0x56: {  	_ =	shalt  }
0x57: {  	_ =	shalt  }
0x58: {  	_ =	shalt  }
0x59: {  	_ =	shalt  }
0x5a: {  	_ =	shalt  }
0x5b: {  	_ =	shalt  }
0x5c: {  	_ =	shalt  }
0x5d: {  	_ =	shalt  }
0x5e: {  	_ =	shalt  }
0x5f: {  	_ =	shalt  }
0x60: {  	_ =	shalt  }
0x61: {  	_ =	shalt  }
0x62: {  	_ =	shalt  }
0x63: {  	_ =	shalt  }
0x64: {  	_ =	shalt  }
0x65: {  	_ =	shalt  }
0x66: {  	_ =	shalt  }
0x67: {  	_ =	shalt  }
0x68: {  	_ =	shalt  }
0x69: {  	_ =	shalt  }
0x6a: {  	_ =	shalt  }
0x6b: {  	_ =	shalt  }
0x6c: {  	_ =	shalt  }
0x6d: {  	_ =	shalt  }
0x6e: {  	_ =	shalt  }
0x6f: {  	_ =	shalt  }
0x70: {  	_ =	shalt  }
0x71: {  	_ =	shalt  }
0x72: {  	_ =	shalt  }
0x73: {  	_ =	shalt  }
0x74: {  	_ =	shalt  }
0x75: {  	_ =	shalt  }
0x76: {  	_ =	shalt  }
0x77: {  	_ =	shalt  }
0x78: {  	_ =	shalt  }
0x79: {  	_ =	shalt  }
0x7a: {  	_ =	shalt  }
0x7b: {  	_ =	shalt  }
0x7c: {  	_ =	shalt  }
0x7d: {  	_ =	shalt  }
0x7e: {  	_ =	shalt  }
0x7f: {  	_ =	shalt  }
0x80: {  	_ =	shalt  }
0x81: {  	_ =	shalt  }
0x82: {  	_ =	shalt  }
0x83: {  	_ =	shalt  }
0x84: {  	_ =	shalt  }
0x85: {  	_ =	shalt  }
0x86: {  	_ =	shalt  }
0x87: {  	_ =	shalt  }
.Lfunc_end0:
.L_simem_size_0:
called_computation.1_lowered:
.L_overlay_start_0:
0x88: {  	s2 =	sld [smem:$0x3FD9]  }
0x89: {  	s3 =	sld [smem:$0x3FFE];
	_ =	sdelay $0x1  }
0x8a: {  	s1 =	srdreg.scid  }
0x8b: {  	s0 =	sand.u32 $0x1, s1  }
0x8c: {  	s15 =	sshll.u32 s0, $0xA;
	s2 =	sadd.s32 s3, s2  }
0x8d: {  	s2 =	sadd.s32 s2, s15  }
0x8e: {  	[smem:$0x3FB8] =	sst s2  }
0x8f: {  	_ = 	snop  }
0x90: {  	(tm) =	ssettm $0x1  }
0x91: {  	s16 =	sld [smem:$0x3FFB];
	_ =	sdelay $0x3  }
0x92: {  	_ =	strace s16  }
0x93: {  	s2 =	sld [smem:$0x3FFC];
	_ =	sdelay $0x3  }
0x94: {  	_ =	strace s2  }
0x95: {  	s2 =	sld [smem:$0x3FFD];
	_ =	sdelay $0x3  }
0x96: {  	_ =	strace s2  }
0x97: {  	_ =	strace $0x8FFFFFFF  }
0x98: {  	s17 =	sld [smem:$0x3FDB];
	_ =	sdelay $0x1  }
0x99: {  	s18 =	simm.s32 $_scs_section_size  }
0x9a: {  	s4 =	simm.s32 $_size__tile_overlayer_lowered;
	s5 =	simm.s32 $_tile_overlayer_lowered  }
0x9b: {  	s21 =	simm.s32 $0x1BFF;
	s20 =	sshll.u32 s5, $0x1;
	s2 =	sadd.s32 s18, s17  }
0x9c: {  	s6 =	simm.s32 $0x0;
	s19 =	sshll.u32 s4, $0x1;
	s4 =	sadd.s32 s20, s2  }
0x9d: {  	[timem:s6], [sflag:s21] =	dma.local [hbm:s4], s19  }
0x9e: {  	_ =	swait.ge [sflag:s21], s19  }
0x9f: {  	s3 =	ssub.s32 $0x0, s19;
	[sflag:s21] =	ssyncset.done $0x0  }
0xa0: {  	[sflag:s21] =	ssyncadd.s32 s3;
	_ =	sdelay $0x1  }
0xa1: {  	s22 =	simm.s32 $0x1B8B  }
0xa2: {  	_ =	swait.ge [sflag:s22], $0x1  }
0xa3: {  	[sflag:s22] =	ssyncset.done $0x0  }
0xa4: {  	s23 =	sld [smem:$0x3FFE];
	[sflag:s22] =	ssyncadd.s32 $0xFFFFFFFF  }
0xa5: {  	s25 =	simm.s32 $0x1B8E;
	s24 =	sld [smem:$0x0]  }
0xa6: {  	s26 =	simm.s32 $execute0_lowered;
	[smem:$0x3FD2] =	sst s25  }
0xa7: {  	s5 =	sshll.u32 s26, $0x1;
	_ =	strace $0x80000049;
	[dreg:$0x1] =	wrdreg $0xFFFFFFFF  }
0xa8: {  	s28 =	simm.s32 $_size_execute0_lowered;
	s2 =	sadd.s32 s2, s5;
	[dreg:$0x0] =	wrdreg $0x0  }
0xa9: {  	s5 =	sshll.u32 s28, $0x1;
	[dreg:$0x2] =	wrdreg s2  }
0xaa: {  	[dreg:$0x3] =	wrdreg s5  }
0xab: {  	[dreg:$0x4] =	wrdreg $0xC0  }
0xac: {  	_ =	task [dreg:s6], $0x5FFFF  }
0xad: {  	[dreg:$0x1] =	wrdreg $0xFFFFFFFF  }
0xae: {  	[dreg:$0x0] =	wrdreg $0x60  }
0xaf: {  	[dreg:$0x2] =	wrdreg s23  }
0xb0: {  	[dreg:$0x3] =	wrdreg s1  }
0xb1: {  	[dreg:$0x4] =	wrdreg s24  }
0xb2: {  	[dreg:$0x5] =	wrdreg $0xA  }
0xb3: {  	_ =	task.clear_ibuf [dreg:s6], $0x6FFFF;
	_ =	strace $0x90000049  }
0xb4: {  	s29 =	simm.s32 $0xA;
	_ =	strace $0x8000004B  }
0xb5: {  	_ =	swait.ge [sflag:s29], $0x1  }
0xb6: {  	[sflag:s29] =	ssyncadd.s32 $0xFFFFFFFF  }
0xb7: {  	_ =	strace $0x9000004B  }
0xb8: {  	_ =	sfence  }
0xb9: {  	s30 =	sld [smem:$0x0];
	_ =	sdelay $0x2  }
0xba: {  	s31 =	sshll.u32 s1, $0xD;
	s1 =	sshrl.u32 s1, $0x2  }
0xbb: {  	s3 =	sand.u32 $0x4000, s31;
	s1 =	sadd.s32 s1, s30  }
0xbc: {  	s0 =	sor.u32 s3, s0;
	s1 =	sshll.u32 s1, $0x11  }
0xbd: {  	s0 =	sor.u32 s1, s0  }
0xbe: {  	s0 =	sadd.s32 $0x8F2B, s0  }
0xbf: {  	[sflag:s0] =	ssyncadd.remote.s32 $0x1  }
0xc0: {  	_ =	sfence.sel $0xFFFF  }
0xc1: {  	[dreg:$0x0] =	wrdreg $0xFFFFFFFF;
	(pc) =	sbr.abs _section_cstart, $3  }
0xc2: {  	[dreg:$0x1] =	wrdreg $0xFFFFFFFF  }
0xc3: {  	_ =	task.clear_ibuf [dreg:s6], $0x2FFFF;
	_ =	strace $0x9FFFFFFF  }
0xc4: {  	(tm) =	ssettm $0x7FFFFFFF  }
0xc5: {  	_ =	shalt  }
tec
execute0_lowered:
.L_overlay_start_1:
0x0: {  	(tag) =	ssettag $0x1  }
0x1: {  	s11 =	rddreg [dreg:$0x0]  }
0x2: {  	s2 =	rddreg [dreg:$0x1];
	_ =	strace $0x8000004A;
	s12 =	simm.s32 $0x1  }
0x3: {  	v0 =	vimm.s32 $0x0;
	[sflag:s12] =	ssyncpa.u1 $0x0  }
0x4: {  	[tilespmem:$0x28] =	vst v0  }
0x5: {  	[tilespmem:$0x38] =	vst v0  }
0x6: {  	[tilespmem:$0x48] =	vst v0  }
0x7: {  	[tilespmem:$0x58] =	vst v0  }
0x8: {  	[tilespmem:$0x68] =	vst v0  }
0x9: {  	[tilespmem:$0x78] =	vst v0  }
0xa: {  	[tilespmem:$0x88] =	vst v0  }
0xb: {  	[tilespmem:$0x98] =	vst v0  }
0xc: {  	[tilespmem:$0xA8] =	vst v0  }
0xd: {  	[tilespmem:$0xB8] =	vst v0  }
0xe: {  	[tilespmem:$0xC8] =	vst v0  }
0xf: {  	[tilespmem:$0xD8] =	vst v0  }
0x10: {  	[tilespmem:$0xE8] =	vst v0  }
0x11: {  	[tilespmem:$0xF8] =	vst v0  }
0x12: {  	[tilespmem:$0x108] =	vst v0  }
0x13: {  	[tilespmem:$0x118] =	vst v0  }
0x14: {  	[tilespmem:$0x128] =	vst v0  }
0x15: {  	[tilespmem:$0x138] =	vst v0  }
0x16: {  	[tilespmem:$0x148] =	vst v0  }
0x17: {  	[tilespmem:$0x158] =	vst v0  }
0x18: {  	[tilespmem:$0x168] =	vst v0  }
0x19: {  	[tilespmem:$0x178] =	vst v0  }
0x1a: {  	[tilespmem:$0x188] =	vst v0  }
0x1b: {  	[tilespmem:$0x198] =	vst v0  }
0x1c: {  	[tilespmem:$0x1A8] =	vst v0  }
0x1d: {  	[tilespmem:$0x1B8] =	vst v0  }
0x1e: {  	[tilespmem:$0x1C8] =	vst v0  }
0x1f: {  	[tilespmem:$0x1D8] =	vst v0  }
0x20: {  	[tilespmem:$0x1E8] =	vst v0  }
0x21: {  	[tilespmem:$0x1F8] =	vst v0  }
0x22: {  	[tilespmem:$0x208] =	vst v0  }
0x23: {  	[tilespmem:$0x218] =	vst v0  }
0x24: {  	[tilespmem:$0x228] =	vst v0  }
0x25: {  	[tilespmem:$0x238] =	vst v0  }
0x26: {  	[tilespmem:$0x248] =	vst v0  }
0x27: {  	[tilespmem:$0x258] =	vst v0  }
0x28: {  	[tilespmem:$0x268] =	vst v0  }
0x29: {  	[tilespmem:$0x278] =	vst v0  }
0x2a: {  	[tilespmem:$0x288] =	vst v0  }
0x2b: {  	[tilespmem:$0x298] =	vst v0  }
0x2c: {  	[tilespmem:$0x2A8] =	vst v0  }
0x2d: {  	[tilespmem:$0x2B8] =	vst v0  }
0x2e: {  	[tilespmem:$0x2C8] =	vst v0  }
0x2f: {  	[tilespmem:$0x2D8] =	vst v0  }
0x30: {  	[tilespmem:$0x2E8] =	vst v0  }
0x31: {  	[tilespmem:$0x2F8] =	vst v0  }
0x32: {  	[tilespmem:$0x308] =	vst v0  }
0x33: {  	[tilespmem:$0x318] =	vst v0  }
0x34: {  	[tilespmem:$0x328] =	vst v0  }
0x35: {  	[tilespmem:$0x338] =	vst v0  }
0x36: {  	[tilespmem:$0x348] =	vst v0  }
0x37: {  	[tilespmem:$0x358] =	vst v0  }
0x38: {  	[tilespmem:$0x368] =	vst v0  }
0x39: {  	[tilespmem:$0x378] =	vst v0  }
0x3a: {  	[tilespmem:$0x388] =	vst v0  }
0x3b: {  	[tilespmem:$0x398] =	vst v0  }
0x3c: {  	[tilespmem:$0x3A8] =	vst v0  }
0x3d: {  	[tilespmem:$0x3B8] =	vst v0  }
0x3e: {  	[tilespmem:$0x3C8] =	vst v0  }
0x3f: {  	[tilespmem:$0x3D8] =	vst v0  }
0x40: {  	[tilespmem:$0x3E8] =	vst v0  }
0x41: {  	[tilespmem:$0x3F8] =	vst v0  }
0x42: {  	[tilespmem:$0x408] =	vst v0  }
0x43: {  	[tilespmem:$0x418] =	vst v0  }
0x44: {  	[tilespmem:$0x428] =	vst v0  }
0x45: {  	[tilespmem:$0x438] =	vst v0  }
0x46: {  	[tilespmem:$0x448] =	vst v0  }
0x47: {  	[tilespmem:$0x458] =	vst v0  }
0x48: {  	[tilespmem:$0x468] =	vst v0  }
0x49: {  	[tilespmem:$0x478] =	vst v0  }
0x4a: {  	[tilespmem:$0x488] =	vst v0  }
0x4b: {  	[tilespmem:$0x498] =	vst v0  }
0x4c: {  	[tilespmem:$0x4A8] =	vst v0  }
0x4d: {  	[tilespmem:$0x4B8] =	vst v0  }
0x4e: {  	[tilespmem:$0x4C8] =	vst v0  }
0x4f: {  	[tilespmem:$0x4D8] =	vst v0  }
0x50: {  	[tilespmem:$0x4E8] =	vst v0  }
0x51: {  	[tilespmem:$0x4F8] =	vst v0  }
0x52: {  	[tilespmem:$0x508] =	vst v0  }
0x53: {  	[tilespmem:$0x518] =	vst v0  }
0x54: {  	[tilespmem:$0x528] =	vst v0  }
0x55: {  	[tilespmem:$0x538] =	vst v0  }
0x56: {  	[tilespmem:$0x548] =	vst v0  }
0x57: {  	[tilespmem:$0x558] =	vst v0  }
0x58: {  	[tilespmem:$0x568] =	vst v0  }
0x59: {  	[tilespmem:$0x578] =	vst v0  }
0x5a: {  	[tilespmem:$0x588] =	vst v0  }
0x5b: {  	[tilespmem:$0x598] =	vst v0  }
0x5c: {  	[tilespmem:$0x5A8] =	vst v0  }
0x5d: {  	[tilespmem:$0x5B8] =	vst v0  }
0x5e: {  	[tilespmem:$0x5C8] =	vst v0  }
0x5f: {  	[tilespmem:$0x5D8] =	vst v0  }
0x60: {  	[tilespmem:$0x5E8] =	vst v0  }
0x61: {  	[tilespmem:$0x5F8] =	vst v0  }
0x62: {  	[tilespmem:$0x608] =	vst v0  }
0x63: {  	[tilespmem:$0x618] =	vst v0  }
0x64: {  	[tilespmem:$0x628] =	vst v0  }
0x65: {  	[tilespmem:$0x638] =	vst v0  }
0x66: {  	[tilespmem:$0x648] =	vst v0  }
0x67: {  	[tilespmem:$0x658] =	vst v0  }
0x68: {  	[tilespmem:$0x668] =	vst v0  }
0x69: {  	[tilespmem:$0x678] =	vst v0  }
0x6a: {  	[tilespmem:$0x688] =	vst v0  }
0x6b: {  	[tilespmem:$0x698] =	vst v0  }
0x6c: {  	[tilespmem:$0x6A8] =	vst v0  }
0x6d: {  	[tilespmem:$0x6B8] =	vst v0  }
0x6e: {  	[tilespmem:$0x6C8] =	vst v0  }
0x6f: {  	[tilespmem:$0x6D8] =	vst v0  }
0x70: {  	[tilespmem:$0x6E8] =	vst v0  }
0x71: {  	[tilespmem:$0x6F8] =	vst v0  }
0x72: {  	[tilespmem:$0x708] =	vst v0  }
0x73: {  	[tilespmem:$0x718] =	vst v0  }
0x74: {  	[tilespmem:$0x728] =	vst v0  }
0x75: {  	[tilespmem:$0x738] =	vst v0  }
0x76: {  	[tilespmem:$0x748] =	vst v0  }
0x77: {  	[tilespmem:$0x758] =	vst v0  }
0x78: {  	[tilespmem:$0x768] =	vst v0  }
0x79: {  	[tilespmem:$0x778] =	vst v0  }
0x7a: {  	[tilespmem:$0x788] =	vst v0  }
0x7b: {  	[tilespmem:$0x798] =	vst v0  }
0x7c: {  	[tilespmem:$0x7A8] =	vst v0  }
0x7d: {  	[tilespmem:$0x7B8] =	vst v0  }
0x7e: {  	[tilespmem:$0x7C8] =	vst v0  }
0x7f: {  	[tilespmem:$0x7D8] =	vst v0  }
0x80: {  	[tilespmem:$0x7E8] =	vst v0  }
0x81: {  	[tilespmem:$0x7F8] =	vst v0  }
0x82: {  	[tilespmem:$0x808] =	vst v0  }
0x83: {  	[tilespmem:$0x818] =	vst v0  }
0x84: {  	[tilespmem:$0x828] =	vst v0  }
0x85: {  	[tilespmem:$0x838] =	vst v0  }
0x86: {  	[tilespmem:$0x848] =	vst v0  }
0x87: {  	[tilespmem:$0x858] =	vst v0  }
0x88: {  	[tilespmem:$0x868] =	vst v0  }
0x89: {  	[tilespmem:$0x878] =	vst v0  }
0x8a: {  	[tilespmem:$0x888] =	vst v0  }
0x8b: {  	[tilespmem:$0x898] =	vst v0  }
0x8c: {  	[tilespmem:$0x8A8] =	vst v0  }
0x8d: {  	[tilespmem:$0x8B8] =	vst v0  }
0x8e: {  	[tilespmem:$0x8C8] =	vst v0  }
0x8f: {  	[tilespmem:$0x8D8] =	vst v0  }
0x90: {  	[tilespmem:$0x8E8] =	vst v0  }
0x91: {  	[tilespmem:$0x8F8] =	vst v0  }
0x92: {  	[tilespmem:$0x908] =	vst v0  }
0x93: {  	[tilespmem:$0x918] =	vst v0  }
0x94: {  	[tilespmem:$0x928] =	vst v0  }
0x95: {  	[tilespmem:$0x938] =	vst v0  }
0x96: {  	[tilespmem:$0x948] =	vst v0  }
0x97: {  	[tilespmem:$0x958] =	vst v0  }
0x98: {  	[tilespmem:$0x968] =	vst v0  }
0x99: {  	[tilespmem:$0x978] =	vst v0  }
0x9a: {  	[tilespmem:$0x988] =	vst v0  }
0x9b: {  	[tilespmem:$0x998] =	vst v0  }
0x9c: {  	[tilespmem:$0x9A8] =	vst v0  }
0x9d: {  	[tilespmem:$0x9B8] =	vst v0  }
0x9e: {  	[tilespmem:$0x9C8] =	vst v0  }
0x9f: {  	[tilespmem:$0x9D8] =	vst v0  }
0xa0: {  	[tilespmem:$0x9E8] =	vst v0  }
0xa1: {  	[tilespmem:$0x9F8] =	vst v0  }
0xa2: {  	[tilespmem:$0xA08] =	vst v0  }
0xa3: {  	[tilespmem:$0xA18] =	vst v0  }
0xa4: {  	[tilespmem:$0xA28] =	vst v0  }
0xa5: {  	[tilespmem:$0xA38] =	vst v0  }
0xa6: {  	[tilespmem:$0xA48] =	vst v0  }
0xa7: {  	[tilespmem:$0xA58] =	vst v0  }
0xa8: {  	[tilespmem:$0xA68] =	vst v0  }
0xa9: {  	[tilespmem:$0xA78] =	vst v0  }
0xaa: {  	[tilespmem:$0xA88] =	vst v0  }
0xab: {  	[tilespmem:$0xA98] =	vst v0  }
0xac: {  	[tilespmem:$0xAA8] =	vst v0  }
0xad: {  	[tilespmem:$0xAB8] =	vst v0  }
0xae: {  	[tilespmem:$0xAC8] =	vst v0  }
0xaf: {  	[tilespmem:$0xAD8] =	vst v0  }
0xb0: {  	[tilespmem:$0xAE8] =	vst v0  }
0xb1: {  	[tilespmem:$0xAF8] =	vst v0  }
0xb2: {  	[tilespmem:$0xB08] =	vst v0  }
0xb3: {  	[tilespmem:$0xB18] =	vst v0  }
0xb4: {  	[tilespmem:$0xB28] =	vst v0  }
0xb5: {  	[tilespmem:$0xB38] =	vst v0  }
0xb6: {  	[tilespmem:$0xB48] =	vst v0  }
0xb7: {  	[tilespmem:$0xB58] =	vst v0  }
0xb8: {  	[tilespmem:$0xB68] =	vst v0  }
0xb9: {  	[tilespmem:$0xB78] =	vst v0  }
0xba: {  	[tilespmem:$0xB88] =	vst v0  }
0xbb: {  	[tilespmem:$0xB98] =	vst v0  }
0xbc: {  	[tilespmem:$0xBA8] =	vst v0  }
0xbd: {  	[tilespmem:$0xBB8] =	vst v0  }
0xbe: {  	[tilespmem:$0xBC8] =	vst v0  }
0xbf: {  	[tilespmem:$0xBD8] =	vst v0  }
0xc0: {  	[tilespmem:$0xBE8] =	vst v0  }
0xc1: {  	[tilespmem:$0xBF8] =	vst v0  }
0xc2: {  	[tilespmem:$0xC08] =	vst v0  }
0xc3: {  	[tilespmem:$0xC18] =	vst v0  }
0xc4: {  	[tilespmem:$0xC28] =	vst v0  }
0xc5: {  	[tilespmem:$0xC38] =	vst v0  }
0xc6: {  	[tilespmem:$0xC48] =	vst v0  }
0xc7: {  	[tilespmem:$0xC58] =	vst v0  }
0xc8: {  	[tilespmem:$0xC68] =	vst v0  }
0xc9: {  	[tilespmem:$0xC78] =	vst v0  }
0xca: {  	[tilespmem:$0xC88] =	vst v0  }
0xcb: {  	[tilespmem:$0xC98] =	vst v0  }
0xcc: {  	[tilespmem:$0xCA8] =	vst v0  }
0xcd: {  	[tilespmem:$0xCB8] =	vst v0  }
0xce: {  	[tilespmem:$0xCC8] =	vst v0  }
0xcf: {  	[tilespmem:$0xCD8] =	vst v0  }
0xd0: {  	[tilespmem:$0xCE8] =	vst v0  }
0xd1: {  	[tilespmem:$0xCF8] =	vst v0  }
0xd2: {  	[tilespmem:$0xD08] =	vst v0  }
0xd3: {  	[tilespmem:$0xD18] =	vst v0  }
0xd4: {  	[tilespmem:$0xD28] =	vst v0  }
0xd5: {  	[tilespmem:$0xD38] =	vst v0  }
0xd6: {  	[tilespmem:$0xD48] =	vst v0  }
0xd7: {  	[tilespmem:$0xD58] =	vst v0  }
0xd8: {  	[tilespmem:$0xD68] =	vst v0  }
0xd9: {  	[tilespmem:$0xD78] =	vst v0  }
0xda: {  	[tilespmem:$0xD88] =	vst v0  }
0xdb: {  	[tilespmem:$0xD98] =	vst v0  }
0xdc: {  	[tilespmem:$0xDA8] =	vst v0  }
0xdd: {  	[tilespmem:$0xDB8] =	vst v0  }
0xde: {  	[tilespmem:$0xDC8] =	vst v0  }
0xdf: {  	[tilespmem:$0xDD8] =	vst v0  }
0xe0: {  	[tilespmem:$0xDE8] =	vst v0  }
0xe1: {  	[tilespmem:$0xDF8] =	vst v0  }
0xe2: {  	[tilespmem:$0xE08] =	vst v0  }
0xe3: {  	[tilespmem:$0xE18] =	vst v0  }
0xe4: {  	[tilespmem:$0xE28] =	vst v0  }
0xe5: {  	[tilespmem:$0xE38] =	vst v0  }
0xe6: {  	[tilespmem:$0xE48] =	vst v0  }
0xe7: {  	[tilespmem:$0xE58] =	vst v0  }
0xe8: {  	[tilespmem:$0xE68] =	vst v0  }
0xe9: {  	[tilespmem:$0xE78] =	vst v0  }
0xea: {  	[tilespmem:$0xE88] =	vst v0  }
0xeb: {  	[tilespmem:$0xE98] =	vst v0  }
0xec: {  	[tilespmem:$0xEA8] =	vst v0  }
0xed: {  	[tilespmem:$0xEB8] =	vst v0  }
0xee: {  	[tilespmem:$0xEC8] =	vst v0  }
0xef: {  	[tilespmem:$0xED8] =	vst v0  }
0xf0: {  	[tilespmem:$0xEE8] =	vst v0  }
0xf1: {  	[tilespmem:$0xEF8] =	vst v0  }
0xf2: {  	[tilespmem:$0xF08] =	vst v0  }
0xf3: {  	[tilespmem:$0xF18] =	vst v0  }
0xf4: {  	[tilespmem:$0xF28] =	vst v0  }
0xf5: {  	[tilespmem:$0xF38] =	vst v0  }
0xf6: {  	[tilespmem:$0xF48] =	vst v0  }
0xf7: {  	[tilespmem:$0xF58] =	vst v0  }
0xf8: {  	[tilespmem:$0xF68] =	vst v0  }
0xf9: {  	[tilespmem:$0xF78] =	vst v0  }
0xfa: {  	[tilespmem:$0xF88] =	vst v0  }
0xfb: {  	[tilespmem:$0xF98] =	vst v0  }
0xfc: {  	[tilespmem:$0xFA8] =	vst v0  }
0xfd: {  	[tilespmem:$0xFB8] =	vst v0  }
0xfe: {  	[tilespmem:$0xFC8] =	vst v0  }
0xff: {  	[tilespmem:$0xFD8] =	vst v0  }
0x100: {  	[tilespmem:$0xFE8] =	vst v0  }
0x101: {  	[tilespmem:$0xFF8] =	vst v0  }
0x102: {  	[tilespmem:$0x1028] =	vst v0  }
0x103: {  	[tilespmem:$0x10E8] =	vst v0  }
0x104: {  	[tilespmem:$0x1068] =	vst v0  }
0x105: {  	[tilespmem:$0x1B28] =	vst v0  }
0x106: {  	[tilespmem:$0x1B18] =	vst v0  }
0x107: {  	[tilespmem:$0x1B08] =	vst v0  }
0x108: {  	[tilespmem:$0x1AF8] =	vst v0  }
0x109: {  	[tilespmem:$0x1AE8] =	vst v0  }
0x10a: {  	[tilespmem:$0x1AD8] =	vst v0  }
0x10b: {  	[tilespmem:$0x1AC8] =	vst v0  }
0x10c: {  	[tilespmem:$0x1AB8] =	vst v0  }
0x10d: {  	[tilespmem:$0x1AA8] =	vst v0  }
0x10e: {  	[tilespmem:$0x1A98] =	vst v0  }
0x10f: {  	[tilespmem:$0x1A88] =	vst v0  }
0x110: {  	[tilespmem:$0x1A78] =	vst v0  }
0x111: {  	[tilespmem:$0x1A68] =	vst v0  }
0x112: {  	[tilespmem:$0x1A58] =	vst v0  }
0x113: {  	[tilespmem:$0x1A48] =	vst v0  }
0x114: {  	[tilespmem:$0x1A38] =	vst v0  }
0x115: {  	[tilespmem:$0x1A28] =	vst v0  }
0x116: {  	[tilespmem:$0x1A18] =	vst v0  }
0x117: {  	[tilespmem:$0x1A08] =	vst v0  }
0x118: {  	[tilespmem:$0x19F8] =	vst v0  }
0x119: {  	[tilespmem:$0x19E8] =	vst v0  }
0x11a: {  	[tilespmem:$0x19D8] =	vst v0  }
0x11b: {  	[tilespmem:$0x19C8] =	vst v0  }
0x11c: {  	[tilespmem:$0x19B8] =	vst v0  }
0x11d: {  	[tilespmem:$0x19A8] =	vst v0  }
0x11e: {  	[tilespmem:$0x1998] =	vst v0  }
0x11f: {  	[tilespmem:$0x1988] =	vst v0  }
0x120: {  	[tilespmem:$0x1978] =	vst v0  }
0x121: {  	[tilespmem:$0x1968] =	vst v0  }
0x122: {  	[tilespmem:$0x1958] =	vst v0  }
0x123: {  	[tilespmem:$0x1948] =	vst v0  }
0x124: {  	[tilespmem:$0x1938] =	vst v0  }
0x125: {  	[tilespmem:$0x1928] =	vst v0  }
0x126: {  	[tilespmem:$0x1918] =	vst v0  }
0x127: {  	[tilespmem:$0x1908] =	vst v0  }
0x128: {  	[tilespmem:$0x18F8] =	vst v0  }
0x129: {  	[tilespmem:$0x18E8] =	vst v0  }
0x12a: {  	[tilespmem:$0x18D8] =	vst v0  }
0x12b: {  	[tilespmem:$0x18C8] =	vst v0  }
0x12c: {  	[tilespmem:$0x18B8] =	vst v0  }
0x12d: {  	[tilespmem:$0x18A8] =	vst v0  }
0x12e: {  	[tilespmem:$0x1898] =	vst v0  }
0x12f: {  	[tilespmem:$0x1888] =	vst v0  }
0x130: {  	[tilespmem:$0x1878] =	vst v0  }
0x131: {  	[tilespmem:$0x1868] =	vst v0  }
0x132: {  	[tilespmem:$0x1858] =	vst v0  }
0x133: {  	[tilespmem:$0x1848] =	vst v0  }
0x134: {  	[tilespmem:$0x1838] =	vst v0  }
0x135: {  	[tilespmem:$0x1828] =	vst v0  }
0x136: {  	[tilespmem:$0x1818] =	vst v0  }
0x137: {  	[tilespmem:$0x1808] =	vst v0  }
0x138: {  	[tilespmem:$0x17F8] =	vst v0  }
0x139: {  	[tilespmem:$0x17E8] =	vst v0  }
0x13a: {  	[tilespmem:$0x17D8] =	vst v0  }
0x13b: {  	[tilespmem:$0x17C8] =	vst v0  }
0x13c: {  	[tilespmem:$0x17B8] =	vst v0  }
0x13d: {  	[tilespmem:$0x17A8] =	vst v0  }
0x13e: {  	[tilespmem:$0x1798] =	vst v0  }
0x13f: {  	[tilespmem:$0x1788] =	vst v0  }
0x140: {  	[tilespmem:$0x1778] =	vst v0  }
0x141: {  	[tilespmem:$0x1768] =	vst v0  }
0x142: {  	[tilespmem:$0x1758] =	vst v0  }
0x143: {  	[tilespmem:$0x1748] =	vst v0  }
0x144: {  	[tilespmem:$0x1738] =	vst v0  }
0x145: {  	[tilespmem:$0x1728] =	vst v0  }
0x146: {  	[tilespmem:$0x1718] =	vst v0  }
0x147: {  	[tilespmem:$0x1708] =	vst v0  }
0x148: {  	[tilespmem:$0x16F8] =	vst v0  }
0x149: {  	[tilespmem:$0x16E8] =	vst v0  }
0x14a: {  	[tilespmem:$0x16D8] =	vst v0  }
0x14b: {  	[tilespmem:$0x16C8] =	vst v0  }
0x14c: {  	[tilespmem:$0x16B8] =	vst v0  }
0x14d: {  	[tilespmem:$0x16A8] =	vst v0  }
0x14e: {  	[tilespmem:$0x1698] =	vst v0  }
0x14f: {  	[tilespmem:$0x1688] =	vst v0  }
0x150: {  	[tilespmem:$0x1678] =	vst v0  }
0x151: {  	[tilespmem:$0x1668] =	vst v0  }
0x152: {  	[tilespmem:$0x1658] =	vst v0  }
0x153: {  	[tilespmem:$0x1648] =	vst v0  }
0x154: {  	[tilespmem:$0x1638] =	vst v0  }
0x155: {  	[tilespmem:$0x1628] =	vst v0  }
0x156: {  	[tilespmem:$0x1618] =	vst v0  }
0x157: {  	[tilespmem:$0x1608] =	vst v0  }
0x158: {  	[tilespmem:$0x15F8] =	vst v0  }
0x159: {  	[tilespmem:$0x15E8] =	vst v0  }
0x15a: {  	[tilespmem:$0x15D8] =	vst v0  }
0x15b: {  	[tilespmem:$0x15C8] =	vst v0  }
0x15c: {  	[tilespmem:$0x15B8] =	vst v0  }
0x15d: {  	[tilespmem:$0x15A8] =	vst v0  }
0x15e: {  	[tilespmem:$0x1598] =	vst v0  }
0x15f: {  	[tilespmem:$0x1588] =	vst v0  }
0x160: {  	[tilespmem:$0x1578] =	vst v0  }
0x161: {  	[tilespmem:$0x1568] =	vst v0  }
0x162: {  	[tilespmem:$0x1558] =	vst v0  }
0x163: {  	[tilespmem:$0x1548] =	vst v0  }
0x164: {  	[tilespmem:$0x1538] =	vst v0  }
0x165: {  	[tilespmem:$0x1528] =	vst v0  }
0x166: {  	[tilespmem:$0x1518] =	vst v0  }
0x167: {  	[tilespmem:$0x1508] =	vst v0  }
0x168: {  	[tilespmem:$0x14F8] =	vst v0  }
0x169: {  	[tilespmem:$0x14E8] =	vst v0  }
0x16a: {  	[tilespmem:$0x14D8] =	vst v0  }
0x16b: {  	[tilespmem:$0x14C8] =	vst v0  }
0x16c: {  	[tilespmem:$0x14B8] =	vst v0  }
0x16d: {  	[tilespmem:$0x14A8] =	vst v0  }
0x16e: {  	[tilespmem:$0x1498] =	vst v0  }
0x16f: {  	[tilespmem:$0x1488] =	vst v0  }
0x170: {  	[tilespmem:$0x1478] =	vst v0  }
0x171: {  	[tilespmem:$0x1468] =	vst v0  }
0x172: {  	[tilespmem:$0x1458] =	vst v0  }
0x173: {  	[tilespmem:$0x1448] =	vst v0  }
0x174: {  	[tilespmem:$0x1438] =	vst v0  }
0x175: {  	[tilespmem:$0x1428] =	vst v0  }
0x176: {  	[tilespmem:$0x1418] =	vst v0  }
0x177: {  	[tilespmem:$0x1408] =	vst v0  }
0x178: {  	[tilespmem:$0x13F8] =	vst v0  }
0x179: {  	[tilespmem:$0x13E8] =	vst v0  }
0x17a: {  	[tilespmem:$0x13D8] =	vst v0  }
0x17b: {  	[tilespmem:$0x13C8] =	vst v0  }
0x17c: {  	[tilespmem:$0x13B8] =	vst v0  }
0x17d: {  	[tilespmem:$0x13A8] =	vst v0  }
0x17e: {  	[tilespmem:$0x1398] =	vst v0  }
0x17f: {  	[tilespmem:$0x1388] =	vst v0  }
0x180: {  	[tilespmem:$0x1378] =	vst v0  }
0x181: {  	[tilespmem:$0x1368] =	vst v0  }
0x182: {  	[tilespmem:$0x1358] =	vst v0  }
0x183: {  	[tilespmem:$0x1348] =	vst v0  }
0x184: {  	[tilespmem:$0x1338] =	vst v0  }
0x185: {  	[tilespmem:$0x1328] =	vst v0  }
0x186: {  	[tilespmem:$0x1318] =	vst v0  }
0x187: {  	[tilespmem:$0x1308] =	vst v0  }
0x188: {  	[tilespmem:$0x12F8] =	vst v0  }
0x189: {  	[tilespmem:$0x12E8] =	vst v0  }
0x18a: {  	[tilespmem:$0x12D8] =	vst v0  }
0x18b: {  	[tilespmem:$0x12C8] =	vst v0  }
0x18c: {  	[tilespmem:$0x12B8] =	vst v0  }
0x18d: {  	[tilespmem:$0x12A8] =	vst v0  }
0x18e: {  	[tilespmem:$0x1298] =	vst v0  }
0x18f: {  	[tilespmem:$0x1288] =	vst v0  }
0x190: {  	[tilespmem:$0x1278] =	vst v0  }
0x191: {  	[tilespmem:$0x1268] =	vst v0  }
0x192: {  	[tilespmem:$0x1258] =	vst v0  }
0x193: {  	[tilespmem:$0x1248] =	vst v0  }
0x194: {  	[tilespmem:$0x1238] =	vst v0  }
0x195: {  	[tilespmem:$0x1228] =	vst v0  }
0x196: {  	[tilespmem:$0x1218] =	vst v0  }
0x197: {  	[tilespmem:$0x1208] =	vst v0  }
0x198: {  	[tilespmem:$0x11F8] =	vst v0  }
0x199: {  	[tilespmem:$0x11E8] =	vst v0  }
0x19a: {  	[tilespmem:$0x11D8] =	vst v0  }
0x19b: {  	[tilespmem:$0x11C8] =	vst v0  }
0x19c: {  	[tilespmem:$0x11B8] =	vst v0  }
0x19d: {  	[tilespmem:$0x11A8] =	vst v0  }
0x19e: {  	[tilespmem:$0x1198] =	vst v0  }
0x19f: {  	[tilespmem:$0x1188] =	vst v0  }
0x1a0: {  	[tilespmem:$0x1178] =	vst v0  }
0x1a1: {  	[tilespmem:$0x1168] =	vst v0  }
0x1a2: {  	[tilespmem:$0x1158] =	vst v0  }
0x1a3: {  	[tilespmem:$0x1148] =	vst v0  }
0x1a4: {  	[tilespmem:$0x1138] =	vst v0  }
0x1a5: {  	[tilespmem:$0x1128] =	vst v0  }
0x1a6: {  	[tilespmem:$0x1118] =	vst v0  }
0x1a7: {  	s4 =	stileid.u32;
	[tilespmem:$0x1108] =	vst v0  }
0x1a8: {  	s0 =	smul.u32 $0x17, s4;
	[tilespmem:$0x10F8] =	vst v0  }
0x1a9: {  	s1 =	smin.u32 s4, $0x3;
	[tilespmem:$0x10C8] =	vst v0  }
0x1aa: {  	[tilespmem:$0x10D8] =	vst v0;
	s0 =	sadd.s32 s1, s0  }
0x1ab: {  	p0 =	slt.u32 s4, $0x3;
	[tilespmem:$0x10B8] =	vst v0;
	s1 =	simm.s32 $0x2880;
	s6 =	smul.u32 $0x1B0, s0  }
0x1ac: {  	s1 =	simm.s32 @!p0 $0x26D0;
	[tilespmem:$0x1038] =	vst v0  }
0x1ad: {  	[tilespmem:$0x10A8] =	vst v0;
	s0 =	sadd.s32 s1, s6  }
0x1ae: {  	s3 =	simm.s32 $0x2;
	s8 =	simm.s32 $0x9;
	[tilespmem:$0x1098] =	vst v0;
	s7 =	smin.u32 s0, $0x27100  }
0x1af: {  	s10 =	simm.s32 $0xA;
	s30 =	simm.s32 $0xB;
	[tilespmem:$0x1088] =	vst v0;
	s0 =	ssub.s32 s7, s6  }
0x1b0: {  	s16 =	simm.s32 $0x0;
	p4 =	por $0x0, $0x0;
	[tilespmem:$0x1078] =	vst v0;
	p0 =	sgt.s32 s0, $0x0  }
0x1b1: {  	s17 =	simm.s32 $0xC;
	s21 =	simm.s32 $0x0;
	[tilespmem:$0x1058] =	vst v0;
	s0 =	simm.s32 @!p0 $0x0  }
0x1b2: {  	s18 =	simm.s32 $0x0;
	s2 =	sand.u32 $0x1, s2;
	[tilespmem:$0x1048] =	vst v0;
	s29 =	smulhi.u32 $0x4BDA12F7, s0  }
0x1b3: {  	s20 =	simm.s32 $0x0;
	s31 =	sshll.u32 s4, $0x5;
	[tilespmem:$0x1018] =	vst v0;
	[dreg:$0x5] =	wrdreg s2  }
0x1b4: {  	s2 =	smul.u32 $0x4E20, s2;
	[tilespmem:$0x1008] =	vst v0;
	[sflag:s3] =	ssyncpa.u1 $0x0;
	s1 =	sshrl.u32 s29, $0x7  }
0x1b5: {  	v0 =	vimm.s32 $0xFFFFFFFF;
	s3 =	sadd.s32 $0x5CE00, s11;
	[dreg:$0x4] =	wrdreg s31;
	s5 =	smul.u32 $0x1B0, s1  }
.Ltmp0:
0x1b6: {  	[tilespmem:$0x3648] =	vst v0;
	[sflag:s8] =	ssyncpa.u1 $0x0;
	s2 =	sadd.s32 s2, s11;
	(pc) =	sbr.rel .LBB2_1-.Ltmp0, $4  }
0x1b7: {  	[sflag:s10] =	ssyncpa.u1 $0x0;
	s11 =	sadd.s32 $0xA0F200, s11;
	p0 =	sne.s32 s0, s5  }
0x1b8: {  	[sflag:s30] =	ssyncpa.u1 $0x0;
	s14 =	sadd.s32 $0x53000, s2;
	s12 =	simm.s32 @!p0 $0x0  }
0x1b9: {  	s15 =	sadd.s32 $0x2A00, s2;
	s19 =	smov.u32 s6;
	s12 =	sadd.s32 s12, s1  }
0x1ba: {  	v0 =	vlaneseq.u32;
	[dreg:$0x6] =	wrdreg s6;
	p0 =	por $0x1, $0x1;
	s4 =	sadd.s32 $0x1, s12  }
.LBB2_18:
0x1bb: {  	s0 =	simm.s32 $0x2  }
0x1bc: {  	_ =	swait.ge [sflag:s0], $0x0  }
0x1bd: {  	[sflag:s0] =	ssyncset.done $0x0;
	s0 =	simm.s32 $0x0  }
.LBB2_19:
0x1be: {  	_ =	swait.ge [sflag:s17], s0  }
0x1bf: {  	s31 =	ssub.s32 $0x0, s0;
	v1 =	vmov s23;
	vm0 =	veq.s32 v0, $0x0;
	[sflag:s17] =	ssyncset.done $0x0  }
0x1c0: {  	vm15 =	veq.s32 v0, $0x2;
	v1 =	vsel vm0, s28, v1;
	[sflag:s17] =	ssyncadd.s32 s31  }
0x1c1: {  	v1 =	vsel vm15, s21, v1;
	[sflag:s17] =	ssyncpa.u1 $0x1  }
0x1c2: {  	[tilespmem:$0x3648] =	vst v1  }
.LBB2_20:
0x1c3: {  	s0 =	sadd.s32 $0x1B0, s19  }
0x1c4: {  	s1 =	smov.u32 s6;
	p1 =	slt.s32 s0, s7  }
0x1c5: {  	s1 =	smov.u32 @p1 s0;
	p1 =	sne.s32 s20, s4  }
.Ltmp1:
0x1c6: {  	_ = 	snop;
	(pc) =	sbr.rel @!p1 .LBB2_21-.Ltmp1, $4  }
0x1c7: {  	_ = 	snop  }
0x1c8: {  	s21 =	smov.u32 s18  }
0x1c9: {  	s31 =	sadd.s32 $0x1, s20;
	s18 =	smov.u32 s19;
	p0 =	por !p0, !p0  }
0x1ca: {  	p4 =	por !p4, !p4;
	s20 =	smov.u32 s31;
	s19 =	smov.u32 s1  }
.LBB2_1:
0x1cb: {  	p2 =	sge.u32 s20, s12  }
0x1cc: {  	s0 =	smulhi.u32 @!p2 $0xAAAAAAAB, s20  }
0x1cd: {  	s1 =	smov.u32 s19;
	p3 =	sgt.s32 @!p2 s19, $0x26F50  }
0x1ce: {  	s2 =	sshra.s32 @!p2 s19, $0x1F;
	p3 =	por !p3, p2;
	s0 =	sshrl.u32 @!p2 s0, $0x1  }
0x1cf: {  	s2 =	sand.u32 @!p2 s2, s19;
	s1 =	simm.s32 @p3 $0x26F50;
	s0 =	smul.u32 @!p2 $0x3, s0  }
0x1d0: {  	s1 =	ssub.s32 @!p2 s1, s2  }
0x1d1: {  	s23 =	sadd.s32 $0xFFFFFFFF, s20;
	s1 =	sadd.s32 @!p2 $0xFFFD90B0, s1;
	s0 =	ssub.s32 @!p2 s20, s0  }
0x1d2: {  	s2 =	sshll.u32 @!p2 s1, $0x2;
	p3 =	sgt.s32 @!p2 s1, $0x1AF;
	s0 =	smul.u32 @!p2 $0x6C0, s0  }
0x1d3: {  	s5 =	sand.u32 @!p2 $0x7, s19;
	s1 =	ssub.s32 @!p2 $0x6C0, s2;
	p3 =	por !p3, p2  }
0x1d4: {  	s2 =	sshrl.u32 @!p2 s19, $0x3;
	s1 =	sshrl.u32 @!p2 s1, $0x2;
	s0 =	sshrl.u32 @!p2 s0, $0x2  }
0x1d5: {  	s2 =	sadd.s32 @!p2 s2, s14;
	s1 =	simm.s32 @!p3 $0x0;
	s0 =	sadd.s32 @!p2 $0x3888, s0  }
0x1d6: {  	[tilespmem:s0], [sflag:$0xA] =	stream.linear.gather @!p2 [hbm4b:s2+s5], s1, $0x38;
	[tilespmem:$0x1F0F8] =	vst v63  }
0x1d7: {  	p2 =	sge.u32 s23, s12  }
0x1d8: {  	p3 =	sgt.s32 @!p2 s18, $0x26F50  }
0x1d9: {  	s0 =	smov.u32 s18;
	s1 =	sshra.s32 @!p2 s18, $0x1F;
	p3 =	por !p3, p2  }
0x1da: {  	s1 =	sand.u32 @!p2 s1, s18;
	s0 =	simm.s32 @p3 $0x26F50  }
0x1db: {  	s0 =	ssub.s32 @!p2 s0, s1  }
0x1dc: {  	s0 =	sadd.s32 @!p2 $0xFFFD90B0, s0  }
0x1dd: {  	s1 =	sshll.u32 @!p2 s0, $0x2  }
0x1de: {  	p3 =	sgt.s32 @!p2 s0, $0x1AF;
	s0 =	ssub.s32 @!p2 $0x6C0, s1  }
0x1df: {  	s22 =	ssub.s32 @!p2 $0x27100, s18;
	p3 =	por !p3, p2;
	s0 =	sshrl.u32 @!p2 s0, $0x2  }
0x1e0: {  	s1 =	sand.u32 @!p2 $0x1, s23;
	s0 =	simm.s32 @!p3 $0x0;
	p3 =	slt.s32 @!p2 s22, $0x1  }
0x1e1: {  	s2 =	simm.s32 @!p2 $0xA;
	s1 =	smul.u32 @!p2 $0x6C0, s1;
	p3 =	por p2, p3  }
.Ltmp2:
0x1e2: {  	_ =	swait.ge @!p2 [sflag:s2], s0;
	(pc) =	sbr.rel @p3 .LBB2_7-.Ltmp2, $4  }
0x1e3: {  	s5 =	ssub.s32 @!p2 $0x0, s0;
	[sflag:s2] =	ssyncset.done @!p2 $0x0  }
0x1e4: {  	s1 =	sshrl.u32 @!p2 s1, $0x2;
	[sflag:s2] =	ssyncadd.s32 @!p2 s5;
	s2 =	sshrl.u32 @!p2 s18, $0x3  }
0x1e5: {  	s1 =	sadd.s32 @!p2 $0x3D98, s1;
	s5 =	sand.u32 @!p2 $0x7, s18;
	s2 =	sadd.s32 @!p2 s2, s15  }
0x1e6: {  	[tilespmem:s1], [sflag:$0xB] =	stream.linear.gather @!p2 [hbm4b:s2+s5], s0, $0x38;
	[tilespmem:$0x1F0F8] =	vst v63  }
0x1e7: {  	s0 =	smulhi.u32 $0xAAAAAAAB, s23;
	_ =	sdelay $0x1  }
0x1e8: {  	s0 =	sshrl.u32 s0, $0x1  }
0x1e9: {  	s0 =	smul.u32 $0x3, s0;
	_ =	sdelay $0x1  }
0x1ea: {  	s0 =	ssub.s32 s23, s0  }
0x1eb: {  	s1 =	simm.s32 $0x1;
	s0 =	smul.u32 $0x6C0, s0  }
.Ltmp3:
0x1ec: {  	s1 =	simm.s32 @!p0 $0x0;
	(pc) =	sbr.rel .LBB2_4-.Ltmp3, $4  }
0x1ed: {  	s1 =	smul.u32 $0x36000, s1  }
0x1ee: {  	p3 =	slt.s32 @!p2 s22, $0x1B0;
	s0 =	sshrl.u32 s0, $0x2  }
0x1ef: {  	p2 =	por !p3, p2;
	s1 =	sshrl.u32 s1, $0x2;
	s0 =	sadd.s32 $0x3888, s0  }
0x1f0: {  	s24 =	simm.s32 $0x0;
	s22 =	simm.s32 @p2 $0x1B0;
	s23 =	sadd.s32 $0x40F8, s1;
	v1 =	vmov s0  }
.LBB2_3:
0x1f1: {  	p2 =	sge.s32 s24, s22  }
.Ltmp4:
0x1f2: {  	_ = 	snop;
	(pc) =	sbr.rel @p2 .LBB2_7-.Ltmp4, $2  }
0x1f3: {  	_ =	sdelay $0x2  }
0x1f4: {  	s23 =	sadd.s32 $0x800, s23  }
.LBB2_4:
0x1f5: {  	p2 =	sle.s32 s22, s24  }
.Ltmp5:
0x1f6: {  	_ = 	snop;
	(pc) =	sbr.rel @p2 .LBB2_3-.Ltmp5, $2  }
0x1f7: {  	_ =	sdelay $0x2  }
0x1f8: {  	s0 =	smov.u32 s24;
	s24 =	sadd.s32 $0x10, s24  }
0x1f9: {  	s1 =	ssub.s32 s22, s0  }
0x1fa: {  	p2 =	slt.s32 s1, $0x10  }
0x1fb: {  	s1 =	simm.s32 @!p2 $0x10  }
0x1fc: {  	v2 =	vmov s1  }
0x1fd: {  	vm0 =	vgt.s32 v2, v0;
	_ =	sdelay $0x5  }
0x1fe: {  	v2 =	vld.idx.msk [tilespmem:v1+s0+$0x0 ss:$0x1], vm0;
	_ =	sdelay $0x2  }
0x1ff: {  	p2 =	slt.s32 s24, s22;
	s1 =	smov.u32 s22  }
0x200: {  	s2 =	smov.u32 s23;
	s25 =	simm.s32 $0x0;
	s1 =	smov.u32 @p2 s24  }
.LBB2_6:
0x201: {  	(v2sf) =	vpush v2, s25;
	_ =	sdelay $0xc  }
0x202: {  	s25 =	sadd.s32 $0x1, s25  }
0x203: {  	s31 =	sadd.s32 s25, s0  }
0x204: {  	p2 =	slt.s32 s31, s1;
	s5 =	spop (v2sf)  }
.Ltmp6:
0x205: {  	s5 =	sshll.u32 s5, $0x4;
	(pc) =	sbr.rel @p2 .LBB2_6-.Ltmp6, $4  }
0x206: {  	s5 =	sand.u32 $0x1FFFFFF0, s5  }
0x207: {  	s5 =	sadd.s32 s11, s5  }
0x208: {  	[tilespmem:s2], [sflag:$0x9] =	stream.linear.gather [hbm4b:s5+s16], $0x10, $0x38;
	[tilespmem:$0x1F0F8] =	vst v63  }
0x209: {  	s2 =	sadd.s32 $0x80, s2  }
.Ltmp7:
0x20a: {  	_ = 	snop;
	(pc) =	sbr.rel .LBB2_3-.Ltmp7, $1  }
0x20b: {  	_ =	sdelay $0x3  }
.LBB2_7:
0x20c: {  	p2 =	slt.u32 s20, $0x2  }
.Ltmp8:
0x20d: {  	_ = 	snop;
	(pc) =	sbr.rel @p2 .LBB2_20-.Ltmp8, $1  }
0x20e: {  	_ =	sdelay $0x3  }
0x20f: {  	p2 =	sgt.s32 s21, $0x26F50  }
0x210: {  	s0 =	smov.u32 s21;
	s1 =	sshra.s32 s21, $0x1F;
	s2 =	ssub.s32 $0x27100, s21  }
0x211: {  	s0 =	simm.s32 @!p2 $0x26F50;
	s1 =	sand.u32 s1, s21;
	p2 =	slt.s32 s2, $0x1B0  }
0x212: {  	s0 =	ssub.s32 s0, s1;
	s2 =	simm.s32 @!p2 $0x1B0  }
0x213: {  	s0 =	sadd.s32 $0xFFFD90B0, s0;
	s24 =	sshll.u32 s2, $0x4  }
0x214: {  	s28 =	simm.s32 $0x9;
	s25 =	sshll.u32 s0, $0x2;
	s1 =	sand.u32 $0x3FFFFFF0, s24  }
0x215: {  	p2 =	sgt.s32 s0, $0x1AF;
	s26 =	ssub.s32 $0x6C0, s25;
	_ =	swait.ge [sflag:s28], s1  }
0x216: {  	s1 =	ssub.s32 $0x0, s1;
	[sflag:s28] =	ssyncset.done $0x0;
	s0 =	sshrl.u32 s26, $0x2  }
0x217: {  	s30 =	simm.s32 $0xB;
	[sflag:s28] =	ssyncadd.s32 s1;
	s0 =	simm.s32 @p2 $0x0  }
0x218: {  	_ =	swait.ge [sflag:s30], s0  }
0x219: {  	s0 =	ssub.s32 $0x0, s0;
	[sflag:s30] =	ssyncset.done $0x0  }
0x21a: {  	[sflag:s30] =	ssyncadd.s32 s0  }
0x21b: {  	v1 =	vld [tilespmem:$0x3648];
	_ =	sdelay $0x4  }
0x21c: {  	(v2sf) =	vpush v1, $0x0  }
0x21d: {  	(v2sf) =	vpush v1, $0x1  }
0x21e: {  	(v2sf) =	vpush v1, $0x2;
	_ =	sdelay $0x3  }
0x21f: {  	s0 =	sadd.s32 $0x1B0, s21  }
0x220: {  	s1 =	ssub.s32 $0x4E200, s21;
	p2 =	slt.s32 s7, s0  }
0x221: {  	s0 =	smov.u32 @p2 s7;
	p2 =	sgt.s32 s1, $0x0  }
0x222: {  	s25 =	ssub.s32 s0, s21;
	s1 =	simm.s32 @!p2 $0x0  }
0x223: {  	p2 =	slt.s32 s1, s25  }
0x224: {  	s25 =	smov.u32 @p2 s1  }
0x225: {  	s24 =	simm.s32 $0x1;
	p2 =	slt.s32 s25, $0x1  }
.Ltmp9:
0x226: {  	s24 =	simm.s32 @!p4 $0x0;
	(pc) =	sbr.rel @p2 .LBB2_12-.Ltmp9, $4  }
0x227: {  	s31 =	smul.u32 $0x6C0, s24  }
0x228: {  	s26 =	spop (v2sf)  }
0x229: {  	s0 =	sshrl.u32 s31, $0x2;
	s29 =	spop (v2sf)  }
0x22a: {  	s22 =	sadd.s32 $0x3D98, s0;
	s21 =	spop (v2sf)  }
0x22b: {  	s0 =	smin.u32 s25, $0x10  }
0x22c: {  	v1 =	vmov s0  }
0x22d: {  	p3 =	sgt.s32 s25, $0x10;
	vm1 =	vgt.u32 v1, v0  }
.Ltmp10:
0x22e: {  	_ = 	snop;
	(pc) =	sbr.rel @!p3 .LBB2_11-.Ltmp10, $2  }
0x22f: {  	_ =	sdelay $0x2  }
0x230: {  	s23 =	simm.s32 $0x10;
	s28 =	sadd.s32 $0xFFFFFFF0, s25;
	s0 =	smov.u32 s22;
	vm0 =	vmmov vm1  }
.LBB2_10:
0x231: {  	s1 =	smin.u32 s28, $0x10;
	s23 =	sadd.s32 $0x10, s23;
	v1 =	vld.msk [tilespmem:s0+$0x0 ss:$0x1], vm1  }
0x232: {  	v2 =	vmov s1;
	p3 =	slt.s32 s23, s25  }
0x233: {  	vm1 =	vgt.u32 v2, v0  }
.Ltmp11:
0x234: {  	(pc) =	sbr.rel @p3 .LBB2_10-.Ltmp11, $3  }
0x235: {  	_ =	sdelay $0x1  }
0x236: {  	v1 =	vshll.u32 v1, $0x4  }
0x237: {  	s28 =	sadd.s32 $0xFFFFFFF0, s28;
	[tilespmem:s0+$0x0] =	vst.msk vm0, v1;
	s0 =	sadd.s32 $0x10, s0;
	vm0 =	vmmov vm1  }
.LBB2_11:
0x238: {  	_ =	sdelay $0x4  }
0x239: {  	v1 =	vld.msk [tilespmem:s0+$0x0 ss:$0x1], vm1;
	_ =	sdelay $0x4  }
0x23a: {  	v1 =	vshll.u32 v1, $0x4  }
0x23b: {  	[tilespmem:s0+$0x0] =	vst.msk vm0, v1  }
.LBB2_12:
0x23c: {  	s0 =	sand.u32 $0x1, s20  }
0x23d: {  	s0 =	smul.u32 $0x1B0, s0  }
0x23e: {  	p3 =	sne.s32 s29, $0xFFFFFFFF  }
0x23f: {  	v1 =	vld.msk @!p3 [tilespmem:s0+$0x3D98], $0x1;
	_ =	sdelay $0x4  }
0x240: {  	(v2sf) =	vpush @!p3 v1, $0x0;
	_ =	sdelay $0xc  }
.Ltmp12:
0x241: {  	_ = 	snop;
	(pc) =	sbr.rel @p2 .LBB2_18-.Ltmp12, $4  }
0x242: {  	_ = 	snop  }
0x243: {  	s28 =	spop @!p3 (v2sf)  }
0x244: {  	s21 =	simm.s32 @!p3 $0x0;
	s23 =	smov.u32 s28  }
0x245: {  	[sflag:s17] =	ssyncpa.u1 $0x0;
	s28 =	smov.u32 @p3 s26;
	s23 =	smov.u32 @p3 s29  }
0x246: {  	v1 =	vld.msk [tilespmem:s22+$0x0], $0x1;
	_ =	sdelay $0x4  }
0x247: {  	(v2sf) =	vpush v1, $0x0;
	_ =	sdelay $0xe  }
0x248: {  	s0 =	simm.s32 @!p4 $0x0;
	s26 =	smul.u32 $0x36000, s24;
	s31 =	spop (v2sf)  }
0x249: {  	s29 =	ssub.s32 $0x0, s25;
	s0 =	simm.s32 @p4 $0x1;
	p2 =	seq.s32 s28, s31  }
0x24a: {  	s1 =	smov.u32 s28;
	[smem:$0x7FD] =	sst s0;
	p3 =	sgt.s32 @!p2 s28, $0x0  }
0x24b: {  	s0 =	sshrl.u32 s26, $0x2;
	s26 =	sadd.s32 $0x1, s29;
	p3 =	por !p3, p2  }
0x24c: {  	s1 =	simm.s32 @p3 $0x0;
	p3 =	seq.s32 s26, $0x0  }
.Ltmp13:
0x24d: {  	_ = 	snop;
	(pc) =	sbr.rel @p3 .LBB2_15-.Ltmp13, $4  }
0x24e: {  	s6 =	smov.u32 s4;
	s25 =	simm.s32 $0x0  }
0x24f: {  	s24 =	sadd.s32 $0x40F8, s0;
	s0 =	simm.s32 @!p2 $0x1;
	s2 =	smin.u32 @!p2 s1, $0x270FE  }
0x250: {  	s30 =	sadd.s32 $0x1, s22;
	s0 =	smov.u32 @p2 s25;
	s5 =	sand.u32 @!p2 $0x3FFF8, s2  }
0x251: {  	s1 =	simm.s32 @!p2 $0x1B38;
	s2 =	sand.u32 @!p2 $0x7, s2;
	s5 =	sadd.s32 @!p2 s3, s5  }
.LBB2_14:
0x252: {  	s4 =	smov.u32 s0  }
0x253: {  	[tilespmem:s1], [sflag:$0x2] =	stream.linear.gather @!p2 [hbm4b:s5+s2], $0x10, $0x38;
	[tilespmem:$0x1F0F8] =	vst v63  }
0x254: {  	s26 =	sadd.s32 $0x1, s26;
	s2 =	smov.u32 s31;
	v1 =	vld.msk [tilespmem:s30+$0x0], $0x1  }
0x255: {  	p3 =	seq.s32 s26, $0x0;
	_ =	sdelay $0x3  }
0x256: {  	(v2sf) =	vpush v1, $0x0;
	_ =	sdelay $0xe  }
0x257: {  	s31 =	spop (v2sf)  }
0x258: {  	p2 =	seq.s32 s2, s31  }
0x259: {  	p4 =	sgt.s32 @!p2 s2, $0x0;
	s1 =	sshll.u32 @!p2 s0, $0x6;
	s0 =	sadd.s32 @!p2 $0x1, s0  }
.Ltmp14:
0x25a: {  	p4 =	por !p4, p2;
	s1 =	sshra.s32 @!p2 s1, $0x2;
	(pc) =	sbr.rel @!p3 .LBB2_14-.Ltmp14, $4  }
0x25b: {  	s0 =	smov.u32 @p2 s4;
	s2 =	simm.s32 @p4 $0x0;
	s1 =	sadd.s32 @!p2 $0x1B38, s1  }
0x25c: {  	s2 =	smin.u32 @!p2 s2, $0x270FE  }
0x25d: {  	s4 =	sand.u32 @!p2 $0x3FFF8, s2;
	s2 =	sand.u32 @!p2 $0x7, s2  }
0x25e: {  	s30 =	sadd.s32 $0x1, s30;
	s5 =	sadd.s32 @!p2 s3, s4  }
.LBB2_15:
0x25f: {  	[tilespmem:s1], [sflag:$0x2] =	stream.linear.gather @!p2 [hbm4b:s5+s2], $0x10, $0x38;
	[tilespmem:$0x1F0F8] =	vst v63  }
0x260: {  	s0 =	sshll.u32 s0, $0x4  }
0x261: {  	s31 =	simm.s32 $0x2;
	s0 =	sand.u32 $0x3FFFFFF0, s0  }
0x262: {  	_ =	swait.ge [sflag:s31], s0  }
0x263: {  	s0 =	ssub.s32 $0x0, s0;
	[sflag:s31] =	ssyncset.done $0x0  }
0x264: {  	[sflag:s31] =	ssyncadd.s32 s0  }
0x265: {  	v1 =	vld.msk [tilespmem:s22+$0x0], $0x1;
	_ =	sdelay $0x4  }
0x266: {  	(v2sf) =	vpush v1, $0x0;
	_ =	sdelay $0xe  }
0x267: {  	s26 =	spop (v2sf)  }
0x268: {  	p2 =	sne.s32 s28, s26  }
0x269: {  	p4 =	sne.s32 @p2 s28, s23  }
0x26a: {  	p3 =	por !p4, !p2  }
0x26b: {  	s0 =	simm.s32 @!p3 $0x0  }
0x26c: {  	v1 =	vld @!p3 [tilespmem:s0+$0x1B38]  }
0x26d: {  	p5 =	sgt.u32 @!p3 s28, $0x270FE  }
0x26e: {  	s1 =	sshll.u32 @!p3 s21, $0x6;
	p6 =	por @p2 p5, !p4  }
0x26f: {  	s1 =	sshra.s32 @!p3 s1, $0x2;
	p1 =	por p6, !p2;
	p6 =	por p4, !p2  }
0x270: {  	s2 =	sadd.s32 @!p3 $0x28, s1;
	s4 =	sand.u32 @!p1 $0x3FFF8, s28;
	s5 =	sshll.u32 @!p6 s21, $0x6  }
0x271: {  	s28 =	sand.u32 @!p1 $0x7, s28;
	[tilespmem:s1+$0x28] =	vst.add.f32.msk @!p3 $0xffff, v1;
	s1 =	sadd.s32 @!p1 s3, s4;
	s4 =	sshra.s32 @!p6 s5, $0x2  }
0x272: {  	[hbm4b:s1+s28] =	stream.linear.scatter @!p1 [tilespmem:s2], [sflag:$0xC], $0x10, $0x38;
	[tilespmem:$0x1F0F8] =	vst v63  }
0x273: {  	s0 =	rddreg [dreg:$0x4];
	s1 =	sadd.s32 @!p6 $0x28, s4;
	s2 =	simm.s32 @!p6 $0x1  }
0x274: {  	[spmem:s0] =	stream.linear.scatter @!p6 [tilespmem:s1], [sflag:$0x1], $0x10, $0x38;
	[tilespmem:$0x1F0F8] =	vst v63  }
0x275: {  	s0 =	sadd.s32 @p2 $0x1, s21;
	_ =	swait.ge @!p6 [sflag:s2], $0x10  }
0x276: {  	s1 =	sshrl.u32 @p2 s0, $0x4;
	[sflag:s2] =	ssyncset.done @!p6 $0x0  }
0x277: {  	s1 =	smulhi.u32 @p2 $0x97B425F, s1;
	[sflag:s2] =	ssyncadd.s32 @!p6 $0xFFFFFFF0  }
0x278: {  	s28 =	sadd.s32 $0x1, s29;
	v1 =	vld @p2 [tilespmem:s24+$0x0]  }
0x279: {  	p1 =	por @p2 !p5, !p4;
	p4 =	seq.s32 s28, $0x0;
	s1 =	smul.u32 @p2 $0x1B0, s1  }
.Ltmp15:
0x27a: {  	p1 =	por !p1, !p2;
	s2 =	simm.s32 @!p3 $0x0;
	(pc) =	sbr.rel @p4 .LBB2_17-.Ltmp15, $4  }
0x27b: {  	s4 =	sshll.u32 @!p2 s21, $0x6;
	s2 =	simm.s32 @!p1 $0x40;
	s0 =	ssub.s32 @p2 s0, s1  }
0x27c: {  	s29 =	simm.s32 $0x0;
	s2 =	sadd.s32 @!p3 $0x0, s2;
	s5 =	sshll.u32 @p2 s0, $0x4  }
0x27d: {  	s30 =	sshra.s32 @!p2 s4, $0x2;
	s1 =	simm.s32 @p2 $0x1;
	s2 =	smov.u32 @p3 s25;
	[tilespmem:s5+$0x28] =	vst @p2 v1  }
0x27e: {  	s21 =	smov.u32 @p2 s0;
	s29 =	smov.u32 @p2 s2;
	s25 =	smov.u32 @p2 s1;
	v1 =	vld @!p2 [tilespmem:s24+$0x0]  }
.LBB2_16:
0x27f: {  	_ =	sdelay $0x3  }
0x280: {  	s22 =	sadd.s32 $0x1, s22;
	[tilespmem:s30+$0x28] =	vst.add.f32.msk @!p2 $0xffff, v1  }
0x281: {  	v1 =	vld.msk [tilespmem:s22+$0x0], $0x1;
	_ =	sdelay $0x4  }
0x282: {  	(v2sf) =	vpush v1, $0x0;
	_ =	sdelay $0xe  }
0x283: {  	s0 =	smov.u32 s26;
	s26 =	spop (v2sf)  }
0x284: {  	p2 =	sne.s32 s0, s26  }
0x285: {  	p5 =	sne.s32 @p2 s0, s23  }
0x286: {  	s4 =	sshll.u32 @!p2 s21, $0x6;
	p4 =	por !p5, !p2  }
0x287: {  	s30 =	sshra.s32 @!p2 s4, $0x2;
	s4 =	sshll.u32 @!p4 s25, $0x6  }
0x288: {  	s4 =	sshra.s32 @!p4 s4, $0x2  }
0x289: {  	p1 =	sgt.u32 @!p4 s0, $0x270FE;
	v1 =	vld @!p4 [tilespmem:s4+$0x1B38]  }
0x28a: {  	s31 =	sshll.u32 @!p4 s21, $0x6;
	p6 =	por @p2 p1, !p5;
	p1 =	por @p2 !p1, !p5  }
0x28b: {  	s8 =	simm.s32 @!p4 $0x0;
	s31 =	sshra.s32 @!p4 s31, $0x2;
	p1 =	por !p1, !p2  }
0x28c: {  	p5 =	por p5, !p2;
	s8 =	simm.s32 @!p1 $0x40;
	p1 =	por p6, !p2  }
0x28d: {  	s4 =	sadd.s32 @!p4 $0x28, s31;
	s13 =	sshll.u32 @!p5 s21, $0x6;
	s10 =	sand.u32 @!p1 $0x3FFF8, s0  }
0x28e: {  	s13 =	sshra.s32 @!p5 s13, $0x2;
	s0 =	sand.u32 @!p1 $0x7, s0;
	s10 =	sadd.s32 @!p1 s3, s10;
	[tilespmem:s31+$0x28] =	vst.add.f32.msk @!p4 $0xffff, v1  }
0x28f: {  	[hbm4b:s10+s0] =	stream.linear.scatter @!p1 [tilespmem:s4], [sflag:$0xC], $0x10, $0x38;
	[tilespmem:$0x1F0F8] =	vst v63  }
0x290: {  	s1 =	rddreg [dreg:$0x4];
	s0 =	sadd.s32 @!p5 $0x28, s13;
	s4 =	simm.s32 @!p5 $0x1  }
0x291: {  	[spmem:s1] =	stream.linear.scatter @!p5 [tilespmem:s0], [sflag:$0x1], $0x10, $0x38;
	[tilespmem:$0x1F0F8] =	vst v63  }
0x292: {  	s2 =	sadd.s32 @p2 $0x1, s21;
	_ =	swait.ge @!p5 [sflag:s4], $0x10  }
0x293: {  	s5 =	sshrl.u32 @p2 s2, $0x4;
	[sflag:s4] =	ssyncset.done @!p5 $0x0  }
0x294: {  	s24 =	sadd.s32 $0x80, s24;
	s5 =	smulhi.u32 @p2 $0x97B425F, s5;
	[sflag:s4] =	ssyncadd.s32 @!p5 $0xFFFFFFF0  }
0x295: {  	s28 =	sadd.s32 $0x1, s28;
	v1 =	vld @p2 [tilespmem:s24+$0x0]  }
0x296: {  	p3 =	seq.s32 s28, $0x0;
	s5 =	smul.u32 @p2 $0x1B0, s5  }
.Ltmp16:
0x297: {  	_ = 	snop;
	(pc) =	sbr.rel @!p3 .LBB2_16-.Ltmp16, $4  }
0x298: {  	s2 =	ssub.s32 @p2 s2, s5  }
0x299: {  	s8 =	sadd.s32 @!p4 s8, s29;
	s5 =	sshll.u32 @p2 s2, $0x4  }
0x29a: {  	s9 =	sadd.s32 @p2 $0x1, s25;
	s8 =	smov.u32 @p4 s29;
	[tilespmem:s5+$0x28] =	vst @p2 v1  }
0x29b: {  	s25 =	smov.u32 @p2 s9;
	s21 =	smov.u32 @p2 s2;
	s29 =	smov.u32 @p2 s8;
	v1 =	vld @!p2 [tilespmem:s24+$0x0]  }
.LBB2_17:
.Ltmp17:
0x29c: {  	_ = 	snop;
	(pc) =	sbr.rel .LBB2_19-.Ltmp17, $3  }
0x29d: {  	s1 =	sld [smem:$0x7FD];
	_ =	sdelay $0x1  }
0x29e: {  	s0 =	sshrl.u32 s29, $0x2;
	s28 =	smov.u32 s26  }
0x29f: {  	s4 =	smov.u32 s6;
	s6 =	rddreg [dreg:$0x6];
	p4 =	seq.s32 s1, $0x1;
	[tilespmem:s30+$0x28] =	vst.add.f32.msk @!p2 $0xffff, v1  }
.LBB2_21:
0x2a0: {  	_ =	sfence.sel $0x180000  }
0x2a1: {  	s0 =	simm.s32 $0x9;
	[bflag:$0x0] =	sbarrier.arrive $0xFFFF  }
0x2a2: {  	s24 =	simm.s32 $0xA;
	[sflag:s0] =	ssyncpa.u1 $0x1  }
0x2a3: {  	s25 =	simm.s32 $0xB;
	[sflag:s24] =	ssyncpa.u1 $0x1  }
0x2a4: {  	s26 =	simm.s32 $0x2;
	[sflag:s25] =	ssyncpa.u1 $0x1  }
0x2a5: {  	[sflag:s26] =	ssyncpa.u1 $0x1  }
0x2a6: {  	v0 =	vld [tilespmem:$0x3648];
	_ =	sdelay $0x4  }
0x2a7: {  	(v2sf) =	vpush v0, $0x0  }
0x2a8: {  	(v2sf) =	vpush v0, $0x1;
	_ =	sdelay $0x1  }
0x2a9: {  	(v2sf) =	vpush v0, $0x2;
	_ =	sdelay $0xb  }
0x2aa: {  	s0 =	spop (v2sf)  }
0x2ab: {  	s1 =	spop (v2sf)  }
0x2ac: {  	s2 =	smov.u32 s0;
	p0 =	sne.s32 s0, s1  }
0x2ad: {  	s4 =	spop (v2sf);
	s2 =	simm.s32 @!p0 $0xFFFFFFFF  }
0x2ae: {  	v2 =	vimm.s32 $0x1;
	v3 =	vlaneseq.u32;
	p0 =	seq.s32 s4, $0xFFFFFFFF;
	v1 =	vmov s2  }
0x2af: {  	s16 =	stileid.u32;
	v0 =	vperm.xlane v0, v2;
	p1 =	sne.s32 @!p0 s0, s1;
	v1 =	vperm.xlane v1, v3  }
0x2b0: {  	vm0 =	vcmask $0x3F04;
	s6 =	simm.s32 $0x3648;
	s0 =	simm.s32 @!p0 $0x1;
	p1 =	por !p1, p0  }
0x2b1: {  	s2 =	sshll.u32 s16, $0x1;
	s1 =	sshll.u32 @!p0 s4, $0x6;
	s0 =	simm.s32 @p1 $0x0;
	v0 =	vsel vm0, v1, v0  }
0x2b2: {  	s5 =	sor.u32 $0x200, s2;
	s1 =	sshra.s32 @!p0 s1, $0x2;
	s0 =	sor.u32 @!p0 s0, s2;
	[tilespmem:$0x3648] =	vst v0  }
0x2b3: {  	[spmem:s5] =	stream.linear.scatter [tilespmem:s6], [sflag:$0x1], $0x2, $0x38;
	[tilespmem:$0x1F0F8] =	vst v63  }
0x2b4: {  	s1 =	sadd.s32 @!p0 $0x28, s1;
	s0 =	sshll.u32 @!p0 s0, $0x4  }
0x2b5: {  	[spmem:s0] =	stream.linear.scatter @!p0 [tilespmem:s1], [sflag:$0x1], $0x10, $0x38;
	[tilespmem:$0x1F0F8] =	vst v63  }
0x2b6: {  	s0 =	simm.s32 @!p0 $0x12  }
0x2b7: {  	s28 =	simm.s32 $0x1;
	s0 =	simm.s32 @p0 $0x2  }
0x2b8: {  	_ =	swait.ge [sflag:s28], s0  }
0x2b9: {  	s0 =	ssub.s32 $0x0, s0;
	[sflag:s28] =	ssyncset.done $0x0  }
0x2ba: {  	p0 =	sne.s32 s16, $0x0;
	[sflag:s28] =	ssyncadd.s32 s0  }
.Ltmp18:
0x2bb: {  	_ =	sfence.stream.spmem;
	(pc) =	sbr.rel @p0 .LBB2_38-.Ltmp18, $4  }
0x2bc: {  	s29 =	simm.s32 $0x3;
	[bflag:$0x0] =	sbarrier.arrive $0xFFFF  }
0x2bd: {  	s30 =	simm.s32 $0x4;
	[sflag:s29] =	ssyncpa.u1 $0x1  }
0x2be: {  	s31 =	simm.s32 $0x3C;
	[sflag:s30] =	ssyncpa.u1 $0x1  }
0x2bf: {  	s17 =	rddreg [dreg:$0x5];
	[sflag:s31] =	ssyncpa.u1 $0x1  }
0x2c0: {  	_ =	sfence.stream.spmem;
	s0 =	simm.s32 $0x5  }
0x2c1: {  	s1 =	simm.s32 $0x200;
	s2 =	simm.s32 $0x3658;
	[sflag:s0] =	ssyncpa.u1 $0x0  }
0x2c2: {  	[tilespmem:s2], [sflag:$0x5] =	stream.linear.gather [spmem:s1], $0x20, $0x38;
	[tilespmem:$0x1F0F8] =	vst v63  }
0x2c3: {  	s26 =	simm.s32 $0x0;
	s28 =	simm.s32 $0x3678  }
0x2c4: {  	[tilespmem:s28], [sflag:$0x5] =	stream.linear.gather [spmem:s26], $0x200, $0x38;
	[tilespmem:$0x1F0F8] =	vst v63  }
0x2c5: {  	_ =	swait.ge [sflag:s0], $0x220  }
0x2c6: {  	[sflag:s0] =	ssyncset.done $0x0  }
0x2c7: {  	s29 =	simm.s32 $0x0;
	[sflag:s0] =	ssyncadd.s32 $0xFFFFFDE0  }
0x2c8: {  	v0 =	vld.msk [tilespmem:s29+$0x3658], $0x1;
	_ =	sdelay $0x1  }
0x2c9: {  	s30 =	simm.s32 $0x1  }
0x2ca: {  	v1 =	vld.msk [tilespmem:s30+$0x3658], $0x1;
	_ =	sdelay $0x1  }
0x2cb: {  	(v2sf) =	vpush v0, $0x0;
	_ =	sdelay $0x2  }
0x2cc: {  	(v2sf) =	vpush v1, $0x0;
	_ =	sdelay $0x2  }
0x2cd: {  	s31 =	simm.s32 $0x2  }
0x2ce: {  	v0 =	vld.msk [tilespmem:s31+$0x3658], $0x1;
	_ =	sdelay $0x2  }
0x2cf: {  	s6 =	simm.s32 $0xFFFFFFFF;
	s1 =	simm.s32 $0xFFFFFFFF;
	s0 =	simm.s32 $0xC  }
.LBB2_23:
0x2d0: {  	s2 =	smov.u32 s6;
	s4 =	smov.u32 s1  }
0x2d1: {  	s1 =	sshra.s32 s0, $0x2;
	p1 =	sne.s32 s0, $0x7C;
	s0 =	sadd.s32 $0x4, s0;
	(v2sf) =	vpush v0, $0x0  }
0x2d2: {  	v0 =	vld.msk [tilespmem:s1+$0x3658], $0x1  }
.Ltmp19:
0x2d3: {  	(pc) =	sbr.rel @p1 .LBB2_23-.Ltmp19, $4  }
0x2d4: {  	s6 =	spop (v2sf)  }
0x2d5: {  	p2 =	sne.s32 s4, $0xFFFFFFFF;
	s1 =	smov.u32 s6  }
0x2d6: {  	p3 =	seq.s32 s6, $0xFFFFFFFF;
	s1 =	smov.u32 @p2 s4  }
0x2d7: {  	s6 =	smov.u32 @p3 s2;
	s1 =	smov.u32 @p3 s4  }
0x2d8: {  	(v2sf) =	vpush v0, $0x0;
	_ =	sdelay $0x8  }
0x2d9: {  	s0 =	spop (v2sf)  }
0x2da: {  	p1 =	sne.s32 s1, $0xFFFFFFFF;
	s2 =	smov.u32 s0  }
0x2db: {  	s9 =	simm.s32 $0x6;
	p2 =	seq.s32 s0, $0xFFFFFFFF;
	s2 =	smov.u32 @p1 s1  }
0x2dc: {  	s10 =	simm.s32 $0x3638;
	s2 =	smov.u32 @p2 s1;
	s1 =	spop (v2sf)  }
0x2dd: {  	s0 =	smov.u32 @p2 s6;
	p1 =	sne.s32 s2, $0xFFFFFFFF;
	s4 =	smov.u32 s1  }
.Ltmp20:
0x2de: {  	p2 =	seq.s32 s1, $0xFFFFFFFF;
	s4 =	smov.u32 @p1 s2;
	(pc) =	sbr.rel .LBB2_25-.Ltmp20, $4  }
0x2df: {  	s11 =	simm.s32 $0x0;
	s4 =	smov.u32 @p2 s2;
	s7 =	spop (v2sf)  }
0x2e0: {  	[sflag:s9] =	ssyncpa.u1 $0x0;
	p1 =	sne.s32 s4, $0xFFFFFFFF;
	s8 =	smov.u32 s7  }
0x2e1: {  	s1 =	smov.u32 @p2 s0;
	p2 =	seq.s32 s7, $0xFFFFFFFF;
	s8 =	smov.u32 @p1 s4  }
0x2e2: {  	s6 =	simm.s32 $0x0;
	s7 =	smov.u32 @p2 s1;
	s8 =	smov.u32 @p2 s4  }
.LBB2_30:
0x2e3: {  	p1 =	sgt.u32 s12, $0x270FE  }
0x2e4: {  	p2 =	seq.s32 @!p1 s12, s8  }
0x2e5: {  	p1 =	por p1, p2  }
0x2e6: {  	p2 =	sne.s32 @!p1 s12, s7  }
0x2e7: {  	p1 =	por p1, !p2  }
0x2e8: {  	s0 =	sshll.u32 @p1 s11, $0x6  }
0x2e9: {  	s0 =	sand.u32 @!p1 $0x3FFF8, s12  }
0x2ea: {  	s1 =	sand.u32 @!p1 $0x7, s12;
	s0 =	sadd.s32 @!p1 s3, s0  }
0x2eb: {  	[tilespmem:s10], [sflag:$0x6] =	stream.linear.gather @!p1 [hbm4b:s0+s1], $0x10, $0x38;
	[tilespmem:$0x1F0F8] =	vst v63  }
0x2ec: {  	_ =	swait.ge @!p1 [sflag:s9], $0x10  }
0x2ed: {  	[sflag:s9] =	ssyncset.done @!p1 $0x0  }
0x2ee: {  	[sflag:s9] =	ssyncadd.s32 @!p1 $0xFFFFFFF0  }
0x2ef: {  	v1 =	vld @!p1 [tilespmem:$0x3638];
	_ =	sdelay $0x2  }
0x2f0: {  	s0 =	sshll.u32 @!p1 s11, $0x6  }
0x2f1: {  	s1 =	sshrl.u32 @!p1 s0, $0x2  }
0x2f2: {  	[tilespmem:s1+$0x3678] =	vst.add.f32.msk @!p1 $0xffff, v1  }
0x2f3: {  	s0 =	sshrl.u32 s0, $0x2;
	[tilespmem:s6+$0x3658] =	vst.msk $0x1, v0  }
0x2f4: {  	v0 =	vld [tilespmem:s0+$0x3678];
	_ =	sdelay $0x2  }
0x2f5: {  	s31 =	sshll.u32 s6, $0x6  }
0x2f6: {  	s0 =	sshra.s32 s31, $0x2  }
0x2f7: {  	s6 =	sadd.s32 $0x1, s6;
	[tilespmem:s0+$0x3678] =	vst v0  }
.LBB2_32:
0x2f8: {  	s11 =	sadd.s32 $0x1, s11  }
0x2f9: {  	p1 =	sne.s32 s11, $0x20  }
.Ltmp21:
0x2fa: {  	_ = 	snop;
	(pc) =	sbr.rel @!p1 .LBB2_33-.Ltmp21, $1  }
0x2fb: {  	_ =	sdelay $0x3  }
.LBB2_25:
0x2fc: {  	v0 =	vld.msk [tilespmem:s11+$0x3658], $0x1;
	_ =	sdelay $0x4  }
0x2fd: {  	(v2sf) =	vpush v0, $0x0;
	_ =	sdelay $0xe  }
0x2fe: {  	s12 =	spop (v2sf)  }
0x2ff: {  	p1 =	seq.s32 s12, $0xFFFFFFFF  }
.Ltmp22:
0x300: {  	_ = 	snop;
	(pc) =	sbr.rel @p1 .LBB2_32-.Ltmp22, $1  }
0x301: {  	_ =	sdelay $0x3  }
0x302: {  	p1 =	slt.s32 s6, $0x1  }
.Ltmp23:
0x303: {  	_ = 	snop;
	(pc) =	sbr.rel @p1 .LBB2_30-.Ltmp23, $1  }
0x304: {  	_ =	sdelay $0x3  }
0x305: {  	s13 =	simm.s32 $0x3658;
	p1 =	por $0x0, $0x0  }
0x306: {  	v1 =	vld.msk @!p1 [tilespmem:s13+$0x0], $0x1;
	_ =	sdelay $0x4  }
0x307: {  	(v2sf) =	vpush @!p1 v1, $0x0;
	_ =	sdelay $0xd  }
0x308: {  	p3 =	sne.s32 s6, $0x1  }
.Ltmp24:
0x309: {  	s0 =	spop @!p1 (v2sf);
	(pc) =	sbr.rel @!p3 .LBB2_29-.Ltmp24, $4  }
0x30a: {  	p2 =	seq.s32 @!p1 s12, s0  }
0x30b: {  	s14 =	simm.s32 $0x0;
	p2 =	por !p2, p1  }
0x30c: {  	s0 =	simm.s32 $0xFFFFFFFF;
	s14 =	simm.s32 @p2 $0xFFFFFFFF  }
0x30d: {  	s15 =	simm.s32 $0x1;
	s14 =	smov.u32 @p1 s0  }
.LBB2_28:
0x30e: {  	s0 =	smov.u32 s14;
	p1 =	sne.s32 s14, $0xFFFFFFFF  }
0x30f: {  	s13 =	sadd.s32 $0x1, s13;
	s14 =	smov.u32 s15;
	s15 =	sadd.s32 $0x1, s15  }
0x310: {  	p2 =	sne.s32 s6, s15;
	v1 =	vld.msk @!p1 [tilespmem:s13+$0x0], $0x1;
	_ =	sdelay $0x4  }
0x311: {  	(v2sf) =	vpush @!p1 v1, $0x0;
	_ =	sdelay $0xe  }
.Ltmp25:
0x312: {  	s1 =	spop @!p1 (v2sf);
	(pc) =	sbr.rel @p2 .LBB2_28-.Ltmp25, $4  }
0x313: {  	p3 =	seq.s32 @!p1 s12, s1  }
0x314: {  	p3 =	por !p3, p1  }
0x315: {  	s14 =	simm.s32 @p3 $0xFFFFFFFF  }
0x316: {  	s14 =	smov.u32 @p1 s0  }
.LBB2_29:
0x317: {  	p1 =	sne.s32 s14, $0xFFFFFFFF  }
.Ltmp26:
0x318: {  	_ = 	snop;
	(pc) =	sbr.rel @!p1 .LBB2_30-.Ltmp26, $1  }
0x319: {  	_ =	sdelay $0x3  }
0x31a: {  	s0 =	sshll.u32 s11, $0x4  }
0x31b: {  	s0 =	sand.u32 $0x3FFFFFF0, s0  }
0x31c: {  	v0 =	vld [tilespmem:s0+$0x3678]  }
.Ltmp27:
0x31d: {  	_ = 	snop;
	(pc) =	sbr.rel .LBB2_32-.Ltmp27, $4  }
0x31e: {  	_ = 	snop  }
0x31f: {  	s31 =	sshll.u32 s14, $0x6  }
0x320: {  	s0 =	sshra.s32 s31, $0x2  }
0x321: {  	[tilespmem:s0+$0x3678] =	vst.add.f32.msk $0xffff, v0  }
.LBB2_33:
0x322: {  	s0 =	simm.s32 $0x6;
	p1 =	seq.s32 s6, $0x0  }
0x323: {  	[sflag:s0] =	ssyncpa.u1 $0x1;
	v0 =	vimm.s32 @p1 $0xFFFFFFFF  }
0x324: {  	s9 =	sadd.s32 $0xFFFFFFFF, s6;
	[tilespmem:$0x3878] =	vst @p1 v0  }
0x325: {  	v0 =	vld.msk @!p1 [tilespmem:s9+$0x3658], $0x1;
	_ =	sdelay $0x1  }
0x326: {  	v1 =	vld.msk @!p1 [tilespmem:$0x3658], $0x1;
	_ =	sdelay $0x2  }
0x327: {  	p2 =	seq.s32 @!p1 s9, $0x0;
	v0 =	vbroadcast @!p1 v0, $0x0  }
0x328: {  	vm0 =	vmmov @!p1 $0x1;
	p2 =	por !p2, p1  }
0x329: {  	v1 =	vnsel @!p1 vm0, $0xFFFFFFFF, v1;
	vm0 =	vcmask @!p1 $0x308;
	v0 =	vpsel !p2, $0xFFFFFFFF, v0  }
0x32a: {  	p2 =	sne.s32 @!p1 s8, s7;
	v0 =	vsel @!p1 vm0, v1, v0  }
0x32b: {  	s0 =	simm.s32 @!p1 $0x3678;
	s1 =	simm.s32 @!p1 $0x0;
	p3 =	por !p2, p1;
	[tilespmem:$0x3878] =	vst @!p1 v0  }
0x32c: {  	[spmem:s1] =	stream.linear.scatter @!p1 [tilespmem:s0], [sflag:$0x1], $0x10, $0x38;
	[tilespmem:$0x1F0F8] =	vst v63  }
0x32d: {  	s0 =	sshll.u32 @!p3 s9, $0x6  }
0x32e: {  	s0 =	sshra.s32 @!p3 s0, $0x2  }
0x32f: {  	s1 =	simm.s32 @!p3 $0x10;
	s0 =	sadd.s32 @!p3 $0x3678, s0  }
0x330: {  	[spmem:s1] =	stream.linear.scatter @!p3 [tilespmem:s0], [sflag:$0x1], $0x10, $0x38;
	[tilespmem:$0x1F0F8] =	vst v63  }
0x331: {  	s0 =	simm.s32 @!p3 $0x1  }
0x332: {  	_ =	swait.ge @!p3 [sflag:s0], $0x20  }
0x333: {  	p1 =	por p2, p1;
	[sflag:s0] =	ssyncset.done @!p3 $0x0  }
0x334: {  	[sflag:s0] =	ssyncadd.s32 @!p3 $0xFFFFFFE0;
	s0 =	simm.s32 @!p1 $0x1  }
0x335: {  	_ =	swait.ge @!p1 [sflag:s0], $0x10  }
0x336: {  	s29 =	simm.s32 $0x3878;
	[sflag:s0] =	ssyncset.done @!p1 $0x0  }
0x337: {  	s30 =	simm.s32 $0x200;
	s31 =	simm.s32 $0x1;
	[sflag:s0] =	ssyncadd.s32 @!p1 $0xFFFFFFF0  }
0x338: {  	[spmem:s30] =	stream.linear.scatter [tilespmem:s29], [sflag:$0x1], $0x10, $0x38;
	[tilespmem:$0x1F0F8] =	vst v63  }
0x339: {  	_ =	swait.ge [sflag:s31], $0x10  }
0x33a: {  	[sflag:s31] =	ssyncset.done $0x0  }
0x33b: {  	p1 =	seq.s32 s17, $0x0;
	s8 =	rddreg [dreg:$0x1];
	[sflag:s31] =	ssyncadd.s32 $0xFFFFFFF0  }
0x33c: {  	s1 =	sshll.u32 @p1 s8, $0xE;
	s7 =	rddreg [dreg:$0x2]  }
0x33d: {  	s0 =	sadd.s32 @p1 $0x15C3C, s1;
	s1 =	sshll.u32 @p1 s7, $0x11  }
0x33e: {  	_ =	sfence.stream.spmem;
	s0 =	sor.u32 @p1 s1, s0  }
0x33f: {  	[sflag:s0] =	ssyncadd.remote.s32 @p1 $0x1;
	s0 =	simm.s32 @p1 $0x4  }
0x340: {  	s2 =	simm.s32 @!p1 $0x3C;
	s1 =	sand.u32 $0xFFFFFFFE, s8;
	_ =	swait.ge @p1 [sflag:s0], $0x6  }
0x341: {  	s4 =	simm.s32 @!p1 $0x0;
	s1 =	sadd.s32 @!p1 $0x4, s1;
	[sflag:s0] =	ssyncset.done @p1 $0x0  }
0x342: {  	s5 =	simm.s32 @!p1 $0x20;
	[sflag:s0] =	ssyncadd.s32 @p1 $0xFFFFFFFA;
	s0 =	sshll.u32 @!p1 s1, $0x1A  }
0x343: {  	s1 =	sshll.u32 @!p1 s1, $0xD;
	s0 =	sor.u32 @!p1 s0, s7;
	_ =	swait.eq @!p1 [sflag:s2], $0x1  }
0x344: {  	s1 =	sor.u32 @!p1 $0x1C04, s1;
	s2 =	simm.s32 @!p1 $0x1C03;
	s0 =	sor.u32 @!p1 $0x80004000, s0  }
0x345: {  	[spmem:s5], [sflag:s1] =	dma.general @!p1 [spmem:s4], [sflag:s2], length:$0x4, [dreg:$0x0], stride_count:$0x0, ici_dest:s0, dma_misc:DstOpCode:WRITE  }
0x346: {  	p2 =	slt.s32 s9, $0x2;
	s4 =	simm.s32 @!p1 $0x40;
	s5 =	simm.s32 @!p1 $0x42  }
0x347: {  	[spmem:s5], [sflag:s1] =	dma.general @!p1 [spmem:s4], [sflag:s2], length:$0x2, [dreg:$0x0], stride_count:$0x0, ici_dest:s0, dma_misc:DstOpCode:WRITE  }
.Ltmp28:
0x348: {  	s0 =	simm.s32 @!p1 $0x3;
	(pc) =	sbr.rel @p2 .LBB2_37-.Ltmp28, $4  }
0x349: {  	s1 =	sshll.u32 @!p1 s8, $0xE;
	_ =	swait.ge @!p1 [sflag:s0], $0x6  }
0x34a: {  	s2 =	sshll.u32 @!p1 s7, $0x11;
	s1 =	sadd.s32 @!p1 $0x11C3C, s1;
	[sflag:s0] =	ssyncset.done @!p1 $0x0  }
0x34b: {  	[sflag:s0] =	ssyncadd.s32 @!p1 $0xFFFFFFFA;
	s0 =	sor.u32 @!p1 s2, s1  }
0x34c: {  	[sflag:s0] =	ssyncadd.remote.s32 @!p1 $0xFFFFFFFF;
	s0 =	simm.s32 $0x0  }
0x34d: {  	s0 =	simm.s32 $0x3659  }
0x34e: {  	v0 =	vld.msk [tilespmem:s0+$0x0], $0x1;
	_ =	sdelay $0x4  }
0x34f: {  	(v2sf) =	vpush v0, $0x0;
	_ =	sdelay $0xd  }
0x350: {  	s2 =	sadd.s32 $0xFFFFFFFE, s6  }
0x351: {  	s2 =	sadd.s32 $0xFFFFFFFF, s2;
	s0 =	spop (v2sf)  }
0x352: {  	p2 =	sne.s32 s2, $0x0;
	p1 =	sgt.u32 s0, $0x270FE  }
.Ltmp29:
0x353: {  	s4 =	sand.u32 @!p1 $0x3FFF8, s0;
	(pc) =	sbr.rel @!p2 .LBB2_36-.Ltmp29, $4  }
0x354: {  	s1 =	simm.s32 $0x3688;
	s0 =	sand.u32 @!p1 $0x7, s0;
	s4 =	sadd.s32 @!p1 s3, s4  }
0x355: {  	[hbm4b:s4+s0] =	stream.linear.scatter @!p1 [tilespmem:s1], [sflag:$0x5], $0x10, $0x38;
	[tilespmem:$0x1F0F8] =	vst v63  }
0x356: {  	s0 =	simm.s32 $0x0  }
0x357: {  	s6 =	simm.s32 $0x0;
	s7 =	simm.s32 $0x365A;
	s0 =	simm.s32 @!p1 $0x40  }
.LBB2_35:
0x358: {  	v0 =	vld.msk [tilespmem:s7+$0x0], $0x1;
	s2 =	sadd.s32 $0xFFFFFFFF, s2;
	s6 =	sadd.s32 s6, s0  }
0x359: {  	p1 =	sne.s32 s2, $0x0;
	_ =	sdelay $0x3  }
0x35a: {  	(v2sf) =	vpush v0, $0x0;
	_ =	sdelay $0xe  }
.Ltmp30:
0x35b: {  	s4 =	spop (v2sf);
	(pc) =	sbr.rel @p1 .LBB2_35-.Ltmp30, $4  }
0x35c: {  	s0 =	simm.s32 $0x0;
	p2 =	sgt.u32 s4, $0x270FE  }
0x35d: {  	s1 =	sadd.s32 $0x10, s1;
	s0 =	simm.s32 @!p2 $0x40;
	s5 =	sand.u32 @!p2 $0x3FFF8, s4  }
0x35e: {  	s7 =	sadd.s32 $0x1, s7;
	s4 =	sand.u32 @!p2 $0x7, s4;
	s5 =	sadd.s32 @!p2 s3, s5  }
0x35f: {  	[hbm4b:s5+s4] =	stream.linear.scatter @!p2 [tilespmem:s1], [sflag:$0x5], $0x10, $0x38;
	[tilespmem:$0x1F0F8] =	vst v63  }
.LBB2_36:
0x360: {  	s0 =	sadd.s32 s6, s0  }
0x361: {  	s0 =	sshrl.u32 s0, $0x2  }
.LBB2_37:
0x362: {  	s1 =	simm.s32 $0x5  }
0x363: {  	_ =	swait.ge [sflag:s1], s0  }
0x364: {  	s31 =	ssub.s32 $0x0, s0;
	[sflag:s1] =	ssyncset.done $0x0  }
0x365: {  	[sflag:s1] =	ssyncadd.s32 s31  }
0x366: {  	[sflag:s1] =	ssyncpa.u1 $0x1  }
.LBB2_38:
0x367: {  	s0 =	sor.u32 s17, s16  }
0x368: {  	p1 =	sne.s32 s0, $0x0  }
.Ltmp31:
0x369: {  	_ = 	snop;
	(pc) =	sbr.rel @p1 .LBB2_53-.Ltmp31, $3  }
0x36a: {  	_ =	sdelay $0x1  }
0x36b: {  	[bflag:$0x0] =	sbarrier.arrive $0xFFFF  }
0x36c: {  	_ =	sfence  }
0x36d: {  	s0 =	simm.s32 $0x7  }
0x36e: {  	s1 =	simm.s32 $0x200;
	s2 =	simm.s32 $0x3658;
	[sflag:s0] =	ssyncpa.u1 $0x0  }
0x36f: {  	[tilespmem:s2], [sflag:$0x7] =	stream.linear.gather [spmem:s1], $0x20, $0x38;
	[tilespmem:$0x1F0F8] =	vst v63  }
0x370: {  	s30 =	simm.s32 $0x3678;
	s1 =	simm.s32 $0x0  }
0x371: {  	[tilespmem:s30], [sflag:$0x7] =	stream.linear.gather [spmem:s1], $0x200, $0x38;
	[tilespmem:$0x1F0F8] =	vst v63  }
.Ltmp32:
0x372: {  	_ = 	snop;
	(pc) =	sbr.rel .LBB2_40-.Ltmp32, $4  }
0x373: {  	_ =	swait.ge [sflag:s0], $0x220  }
0x374: {  	[sflag:s0] =	ssyncset.done $0x0  }
0x375: {  	s31 =	simm.s32 $0x8;
	[sflag:s0] =	ssyncadd.s32 $0xFFFFFDE0  }
0x376: {  	s2 =	simm.s32 $0x0;
	[sflag:s31] =	ssyncpa.u1 $0x0  }
.LBB2_45:
0x377: {  	p1 =	slt.u32 s4, $0x270FF  }
0x378: {  	s0 =	sand.u32 @p1 $0x3FFF8, s4  }
0x379: {  	s4 =	sand.u32 @p1 $0x7, s4;
	s5 =	simm.s32 @p1 $0x3638;
	s0 =	sadd.s32 @p1 s3, s0  }
0x37a: {  	[tilespmem:s5], [sflag:$0x8] =	stream.linear.gather @p1 [hbm4b:s0+s4], $0x10, $0x38;
	[tilespmem:$0x1F0F8] =	vst v63  }
0x37b: {  	s0 =	simm.s32 @p1 $0x8  }
0x37c: {  	_ =	swait.ge @p1 [sflag:s0], $0x10  }
0x37d: {  	[sflag:s0] =	ssyncset.done @p1 $0x0  }
0x37e: {  	[sflag:s0] =	ssyncadd.s32 @p1 $0xFFFFFFF0  }
0x37f: {  	v1 =	vld @p1 [tilespmem:$0x3638];
	_ =	sdelay $0x2  }
0x380: {  	s0 =	sshll.u32 @p1 s2, $0x6  }
0x381: {  	s5 =	sshll.u32 @!p1 s2, $0x6;
	s4 =	sshrl.u32 @p1 s0, $0x2  }
0x382: {  	s5 =	smov.u32 @p1 s0;
	[tilespmem:s4+$0x3678] =	vst.add.f32.msk @p1 $0xffff, v1  }
0x383: {  	s0 =	sshrl.u32 s5, $0x2;
	[tilespmem:s1+$0x3658] =	vst.msk $0x1, v0  }
0x384: {  	v0 =	vld [tilespmem:s0+$0x3678];
	_ =	sdelay $0x2  }
0x385: {  	s31 =	sshll.u32 s1, $0x6  }
0x386: {  	s0 =	sshra.s32 s31, $0x2  }
0x387: {  	s1 =	sadd.s32 $0x1, s1;
	[tilespmem:s0+$0x3678] =	vst v0  }
.LBB2_47:
0x388: {  	s2 =	sadd.s32 $0x1, s2  }
0x389: {  	p1 =	sne.s32 s2, $0x20  }
.Ltmp33:
0x38a: {  	_ = 	snop;
	(pc) =	sbr.rel @!p1 .LBB2_48-.Ltmp33, $1  }
0x38b: {  	_ =	sdelay $0x3  }
.LBB2_40:
0x38c: {  	v0 =	vld.msk [tilespmem:s2+$0x3658], $0x1;
	_ =	sdelay $0x4  }
0x38d: {  	(v2sf) =	vpush v0, $0x0;
	_ =	sdelay $0xe  }
0x38e: {  	s4 =	spop (v2sf)  }
0x38f: {  	p1 =	seq.s32 s4, $0xFFFFFFFF  }
.Ltmp34:
0x390: {  	_ = 	snop;
	(pc) =	sbr.rel @p1 .LBB2_47-.Ltmp34, $1  }
0x391: {  	_ =	sdelay $0x3  }
0x392: {  	p1 =	slt.s32 s1, $0x1  }
.Ltmp35:
0x393: {  	_ = 	snop;
	(pc) =	sbr.rel @p1 .LBB2_45-.Ltmp35, $1  }
0x394: {  	_ =	sdelay $0x3  }
0x395: {  	s5 =	simm.s32 $0x3658;
	p1 =	por $0x0, $0x0  }
0x396: {  	v1 =	vld.msk @!p1 [tilespmem:s5+$0x0], $0x1;
	_ =	sdelay $0x4  }
0x397: {  	(v2sf) =	vpush @!p1 v1, $0x0;
	_ =	sdelay $0xd  }
0x398: {  	p3 =	sne.s32 s1, $0x1  }
.Ltmp36:
0x399: {  	s0 =	spop @!p1 (v2sf);
	(pc) =	sbr.rel @!p3 .LBB2_44-.Ltmp36, $4  }
0x39a: {  	p2 =	seq.s32 @!p1 s4, s0  }
0x39b: {  	s6 =	simm.s32 $0x0;
	p2 =	por !p2, p1  }
0x39c: {  	s0 =	simm.s32 $0xFFFFFFFF;
	s6 =	simm.s32 @p2 $0xFFFFFFFF  }
0x39d: {  	s7 =	simm.s32 $0x1;
	s6 =	smov.u32 @p1 s0  }
.LBB2_43:
0x39e: {  	s0 =	smov.u32 s6;
	p1 =	sne.s32 s6, $0xFFFFFFFF  }
0x39f: {  	s5 =	sadd.s32 $0x1, s5;
	s6 =	smov.u32 s7;
	s7 =	sadd.s32 $0x1, s7  }
0x3a0: {  	p2 =	sne.s32 s1, s7;
	v1 =	vld.msk @!p1 [tilespmem:s5+$0x0], $0x1;
	_ =	sdelay $0x4  }
0x3a1: {  	(v2sf) =	vpush @!p1 v1, $0x0;
	_ =	sdelay $0xe  }
.Ltmp37:
0x3a2: {  	s8 =	spop @!p1 (v2sf);
	(pc) =	sbr.rel @p2 .LBB2_43-.Ltmp37, $4  }
0x3a3: {  	p3 =	seq.s32 @!p1 s4, s8  }
0x3a4: {  	p3 =	por !p3, p1  }
0x3a5: {  	s6 =	simm.s32 @p3 $0xFFFFFFFF  }
0x3a6: {  	s6 =	smov.u32 @p1 s0  }
.LBB2_44:
0x3a7: {  	p1 =	sne.s32 s6, $0xFFFFFFFF  }
.Ltmp38:
0x3a8: {  	_ = 	snop;
	(pc) =	sbr.rel @!p1 .LBB2_45-.Ltmp38, $1  }
0x3a9: {  	_ =	sdelay $0x3  }
0x3aa: {  	s0 =	sshll.u32 s2, $0x4  }
0x3ab: {  	s0 =	sand.u32 $0x3FFFFFF0, s0  }
0x3ac: {  	v0 =	vld [tilespmem:s0+$0x3678]  }
.Ltmp39:
0x3ad: {  	_ = 	snop;
	(pc) =	sbr.rel .LBB2_47-.Ltmp39, $4  }
0x3ae: {  	_ = 	snop  }
0x3af: {  	s31 =	sshll.u32 s6, $0x6  }
0x3b0: {  	s0 =	sshra.s32 s31, $0x2  }
0x3b1: {  	[tilespmem:s0+$0x3678] =	vst.add.f32.msk $0xffff, v0  }
.LBB2_48:
0x3b2: {  	p1 =	slt.s32 s1, $0x1  }
.Ltmp40:
0x3b3: {  	_ = 	snop;
	(pc) =	sbr.rel @p1 .LBB2_52-.Ltmp40, $3  }
0x3b4: {  	_ =	sdelay $0x1  }
0x3b5: {  	s0 =	simm.s32 $0x8  }
0x3b6: {  	s2 =	simm.s32 $0x0;
	[sflag:s0] =	ssyncpa.u1 $0x1  }
0x3b7: {  	s0 =	simm.s32 $0x3658  }
0x3b8: {  	v0 =	vld.msk [tilespmem:s0+$0x0], $0x1;
	_ =	sdelay $0x4  }
0x3b9: {  	(v2sf) =	vpush v0, $0x0;
	_ =	sdelay $0xe  }
0x3ba: {  	s1 =	sadd.s32 $0xFFFFFFFF, s1;
	s0 =	spop (v2sf)  }
0x3bb: {  	p2 =	sne.s32 s1, $0x0;
	p1 =	sgt.u32 s0, $0x270FE  }
.Ltmp41:
0x3bc: {  	s5 =	sand.u32 @!p1 $0x3FFF8, s0;
	(pc) =	sbr.rel @!p2 .LBB2_51-.Ltmp41, $4  }
0x3bd: {  	s4 =	simm.s32 $0x3678;
	s0 =	sand.u32 @!p1 $0x7, s0;
	s5 =	sadd.s32 @!p1 s3, s5  }
0x3be: {  	[hbm4b:s5+s0] =	stream.linear.scatter @!p1 [tilespmem:s4], [sflag:$0x7], $0x10, $0x38;
	[tilespmem:$0x1F0F8] =	vst v63  }
0x3bf: {  	s0 =	simm.s32 $0x0  }
0x3c0: {  	s5 =	simm.s32 $0x3659;
	s0 =	simm.s32 @!p1 $0x40  }
.LBB2_50:
0x3c1: {  	v0 =	vld.msk [tilespmem:s5+$0x0], $0x1;
	s1 =	sadd.s32 $0xFFFFFFFF, s1;
	s2 =	sadd.s32 s2, s0  }
0x3c2: {  	p1 =	sne.s32 s1, $0x0;
	_ =	sdelay $0x3  }
0x3c3: {  	(v2sf) =	vpush v0, $0x0;
	_ =	sdelay $0xe  }
.Ltmp42:
0x3c4: {  	s6 =	spop (v2sf);
	(pc) =	sbr.rel @p1 .LBB2_50-.Ltmp42, $4  }
0x3c5: {  	s0 =	simm.s32 $0x0;
	p2 =	sgt.u32 s6, $0x270FE  }
0x3c6: {  	s4 =	sadd.s32 $0x10, s4;
	s0 =	simm.s32 @!p2 $0x40;
	s7 =	sand.u32 @!p2 $0x3FFF8, s6  }
0x3c7: {  	s5 =	sadd.s32 $0x1, s5;
	s6 =	sand.u32 @!p2 $0x7, s6;
	s7 =	sadd.s32 @!p2 s3, s7  }
0x3c8: {  	[hbm4b:s7+s6] =	stream.linear.scatter @!p2 [tilespmem:s4], [sflag:$0x7], $0x10, $0x38;
	[tilespmem:$0x1F0F8] =	vst v63  }
.LBB2_51:
0x3c9: {  	s0 =	sadd.s32 s2, s0  }
0x3ca: {  	s2 =	sshrl.u32 s0, $0x2  }
.LBB2_52:
0x3cb: {  	s0 =	simm.s32 $0x7  }
0x3cc: {  	_ =	swait.ge [sflag:s0], s2  }
0x3cd: {  	s1 =	ssub.s32 $0x0, s2;
	[sflag:s0] =	ssyncset.done $0x0  }
0x3ce: {  	[sflag:s0] =	ssyncadd.s32 s1  }
0x3cf: {  	[sflag:s0] =	ssyncpa.u1 $0x1  }
.LBB2_53:
0x3d0: {  	_ =	sfence;
	s0 =	simm.s32 $0x1  }
0x3d1: {  	[sflag:s0] =	ssyncpa.u1 $0x1  }
0x3d2: {  	_ =	strace $0x9000004A  }
0x3d3: {  	[bflag:$0x2] =	sbarrier.arrive $0xFFFF  }
0x3d4: {  	s0 =	rddreg [dreg:$0x3]  }
0x3d5: {  	s0 =	sadd.s32 @!p0 $0x100000, s0  }
0x3d6: {  	[sflag:s0] =	ssyncadd.tile.s32 @!p0 $0x1;
	_ =	shalt  }
.Lfunc_end2:
_tile_overlayer_lowered:
.L_overlay_start_2:
0x3d7: {  	(tag) =	ssettag $0x2  }
0x3d8: {  	s0 =	rddreg [dreg:$0x0];
	s2 =	stileid.u32  }
0x3d9: {  	s1 =	rddreg [dreg:$0x1];
	p0 =	sne.s32 s2, $0x0  }
0x3da: {  	s3 =	rddreg [dreg:$0x2];
	[bflag:$0x3] =	sbarrier.arrive $0xFFFF;
	s2 =	simm.s32 @!p0 $0x1C01  }
0x3db: {  	[timem:s3], [sflag:s2] =	dma.local @!p0 [hbm:s0], s1  }
0x3dc: {  	s0 =	simm.s32 @!p0 $0x1  }
0x3dd: {  	_ =	swait.ge @!p0 [sflag:s0], s1  }
0x3de: {  	s1 =	ssub.s32 @!p0 $0x0, s1;
	[sflag:s0] =	ssyncset.done @!p0 $0x0  }
0x3df: {  	[sflag:s0] =	ssyncadd.s32 @!p0 s1  }
0x3e0: {  	[bflag:$0x3] =	sbarrier.arrive $0xFFFF  }
0x3e1: {  	_ =	shalt  }

// kernel: scatter_offload_async_start
scs
__scs_entry_jumppad:
0x0: {  	(pc) =	sbr.rel $0x88, $3  }
0x1: {  	(tag) =	ssettag $0x0;
	lr =	simm.s32 $0x1  }
0x2: {  	[smem:$0x3F91] =	sst lr;
	_ =	strace $0xD0000000  }
0x3: {  	_ = 	snop  }
0x4: {  	_ = 	snop  }
0x5: {  	_ = 	snop  }
0x6: {  	_ = 	snop  }
0x7: {  	_ = 	snop  }
__scs_overlays_trampoline_lowered:
0x8: {  	[smem:$0x3FA0] =	sst s0  }
0x9: {  	[smem:$0x3FA1] =	sst s1  }
0xa: {  	[smem:$0x3FA2] =	sst s2  }
0xb: {  	[smem:$0x3FA3] =	sst s3  }
0xc: {  	[smem:$0x3FA4] =	sst s4  }
0xd: {  	[smem:$0x3FA5] =	sst s5  }
0xe: {  	[smem:$0x3FA6] =	sst s6  }
0xf: {  	[smem:$0x3FA7] =	sst s7  }
0x10: {  	[smem:$0x3FA8] =	sst s8  }
0x11: {  	[smem:$0x3FA9] =	sst s9;
	s0 =	simm.s32 @!p0 $0x0  }
0x12: {  	s1 =	sld [smem:$0x3F8F];
	s0 =	simm.s32 @p0 $0x1  }
0x13: {  	[smem:$0x3FAA] =	sst s0;
	s0 =	simm.s32 @!p1 $0x0  }
0x14: {  	s2 =	sld [smem:$0x3F8E];
	s0 =	simm.s32 @p1 $0x1  }
0x15: {  	[smem:$0x3FAB] =	sst s0;
	s0 =	simm.s32 @!p2 $0x0  }
0x16: {  	s3 =	sld [smem:$0x3FDB];
	s0 =	simm.s32 @p2 $0x1  }
0x17: {  	s4 =	simm.s32 $0x1BF5;
	[smem:$0x3FAD] =	sst s0  }
0x18: {  	s0 =	sld [smem:$0x3F90];
	_ =	swait.ge [sflag:s4], $0x0  }
0x19: {  	s7 =	sld [smem:$0x3F91]  }
0x1a: {  	s8 =	sadd.s32 $0xFFFFE003, lr  }
0x1b: {  	s9 =	sadd.s32 $0xFFFFFEF7, lr;
	s5 =	simm.s32 $0xFFFFFFFF;
	p2 =	slt.u32 s8, $0xFFFFF086  }
0x1c: {  	p1 =	slt.u32 s9, $0xF7A;
	s5 =	simm.s32 @!p2 $0x0  }
0x1d: {  	s5 =	simm.s32 @p1 $0x1;
	p0 =	seq.s32 s7, s2  }
0x1e: {  	s7 =	smul.u32 @!p0 $0xF7A, s2;
	p2 =	seq.s32 @!p0 s5, $0x0  }
0x1f: {  	s9 =	smul.u32 $0xF7A, s1;
	s8 =	simm.s32 @!p0 $0x1BF5;
	p2 =	por !p2, p0  }
0x20: {  	[sflag:s8] =	ssyncset.s32 @!p0 $0xFFFFF086;
	s6 =	sadd.s32 @!p0 s3, s7;
	s7 =	simm.s32 @!p0 $0x108  }
0x21: {  	s3 =	sadd.s32 s3, s9;
	s6 =	sadd.s32 @!p0 $0x88, s6;
	s7 =	simm.s32 @p2 $0x1082  }
0x22: {  	[simem:s7], [sflag:s8] =	dma.local @!p0 [hbm:s6], $0xF7A  }
0x23: {  	s9 =	sor.u32 $0xD0000000, s2;
	s6 =	simm.s32 $0x108;
	_ =	swait.ge @!p0 [sflag:s8], $0x0  }
0x24: {  	s3 =	sadd.s32 $0x88, s3;
	s6 =	simm.s32 @!p1 $0x1082;
	[sflag:s4] =	ssyncset.s32 $0xFFFFF086  }
0x25: {  	[simem:s6], [sflag:s4] =	dma.local [hbm:s3], $0xF7A  }
0x26: {  	[smem:$0x3F91] =	sst s1;
	(tag) =	ssettag s2;
	_ =	strace s9  }
0x27: {  	s1 =	sld [smem:$0x3FA1]  }
0x28: {  	s2 =	sld [smem:$0x3FA2]  }
0x29: {  	s4 =	sld [smem:$0x3FA4]  }
0x2a: {  	p0 =	seq.s32 s5, $0x0;
	s5 =	sld [smem:$0x3FA5]  }
0x2b: {  	s6 =	sld [smem:$0x3FA6]  }
0x2c: {  	s7 =	sld [smem:$0x3FA7]  }
0x2d: {  	s3 =	simm.s32 $0x108;
	s8 =	sld [smem:$0x3FA8]  }
0x2e: {  	s3 =	simm.s32 @!p0 $0x1082;
	s9 =	sld [smem:$0x3FA9]  }
0x2f: {  	lr =	sadd.s32 s0, s3;
	s0 =	sld [smem:$0x3FA0]  }
0x30: {  	s3 =	sld [smem:$0x3FA3]  }
0x31: {  	[smem:$0x3FAC] =	sst s10  }
0x32: {  	s10 =	sld [smem:$0x3FAA];
	_ =	sdelay $0x3  }
0x33: {  	p0 =	seq.s32 s10, $0x1;
	s10 =	sld [smem:$0x3FAC];
	_ =	sdelay $0x3  }
0x34: {  	[smem:$0x3FAC] =	sst s10  }
0x35: {  	s10 =	sld [smem:$0x3FAB];
	_ =	sdelay $0x3  }
0x36: {  	p1 =	seq.s32 s10, $0x1;
	s10 =	sld [smem:$0x3FAC];
	_ =	sdelay $0x3  }
0x37: {  	[smem:$0x3FAC] =	sst s10  }
0x38: {  	s10 =	sld [smem:$0x3FAD]  }
0x39: {  	_ = 	snop;
	(pc) =	sbr.ind lr, $3  }
0x3a: {  	_ = 	snop  }
0x3b: {  	_ = 	snop  }
0x3c: {  	p2 =	seq.s32 s10, $0x1;
	s10 =	sld [smem:$0x3FAC]  }
0x3d: {  	_ =	shalt  }
0x3e: {  	_ =	shalt  }
0x3f: {  	_ =	shalt  }
0x40: {  	_ =	shalt  }
0x41: {  	_ =	shalt  }
0x42: {  	_ =	shalt  }
0x43: {  	_ =	shalt  }
0x44: {  	_ =	shalt  }
0x45: {  	_ =	shalt  }
0x46: {  	_ =	shalt  }
0x47: {  	_ =	shalt  }
0x48: {  	_ =	shalt  }
0x49: {  	_ =	shalt  }
0x4a: {  	_ =	shalt  }
0x4b: {  	_ =	shalt  }
0x4c: {  	_ =	shalt  }
0x4d: {  	_ =	shalt  }
0x4e: {  	_ =	shalt  }
0x4f: {  	_ =	shalt  }
0x50: {  	_ =	shalt  }
0x51: {  	_ =	shalt  }
0x52: {  	_ =	shalt  }
0x53: {  	_ =	shalt  }
0x54: {  	_ =	shalt  }
0x55: {  	_ =	shalt  }
0x56: {  	_ =	shalt  }
0x57: {  	_ =	shalt  }
0x58: {  	_ =	shalt  }
0x59: {  	_ =	shalt  }
0x5a: {  	_ =	shalt  }
0x5b: {  	_ =	shalt  }
0x5c: {  	_ =	shalt  }
0x5d: {  	_ =	shalt  }
0x5e: {  	_ =	shalt  }
0x5f: {  	_ =	shalt  }
0x60: {  	_ =	shalt  }
0x61: {  	_ =	shalt  }
0x62: {  	_ =	shalt  }
0x63: {  	_ =	shalt  }
0x64: {  	_ =	shalt  }
0x65: {  	_ =	shalt  }
0x66: {  	_ =	shalt  }
0x67: {  	_ =	shalt  }
0x68: {  	_ =	shalt  }
0x69: {  	_ =	shalt  }
0x6a: {  	_ =	shalt  }
0x6b: {  	_ =	shalt  }
0x6c: {  	_ =	shalt  }
0x6d: {  	_ =	shalt  }
0x6e: {  	_ =	shalt  }
0x6f: {  	_ =	shalt  }
0x70: {  	_ =	shalt  }
0x71: {  	_ =	shalt  }
0x72: {  	_ =	shalt  }
0x73: {  	_ =	shalt  }
0x74: {  	_ =	shalt  }
0x75: {  	_ =	shalt  }
0x76: {  	_ =	shalt  }
0x77: {  	_ =	shalt  }
0x78: {  	_ =	shalt  }
0x79: {  	_ =	shalt  }
0x7a: {  	_ =	shalt  }
0x7b: {  	_ =	shalt  }
0x7c: {  	_ =	shalt  }
0x7d: {  	_ =	shalt  }
0x7e: {  	_ =	shalt  }
0x7f: {  	_ =	shalt  }
0x80: {  	_ =	shalt  }
0x81: {  	_ =	shalt  }
0x82: {  	_ =	shalt  }
0x83: {  	_ =	shalt  }
0x84: {  	_ =	shalt  }
0x85: {  	_ =	shalt  }
0x86: {  	_ =	shalt  }
0x87: {  	_ =	shalt  }
.Lfunc_end0:
.L_simem_size_0:
called_computation_lowered:
.L_overlay_start_0:
0x88: {  	s2 =	sld [smem:$0x3FD9]  }
0x89: {  	s3 =	sld [smem:$0x3FFE];
	_ =	sdelay $0x1  }
0x8a: {  	s1 =	srdreg.scid  }
0x8b: {  	s0 =	sand.u32 $0x1, s1  }
0x8c: {  	s17 =	sshll.u32 s0, $0xA;
	s2 =	sadd.s32 s3, s2  }
0x8d: {  	s2 =	sadd.s32 s2, s17  }
0x8e: {  	[smem:$0x3FB8] =	sst s2  }
0x8f: {  	_ = 	snop  }
0x90: {  	(tm) =	ssettm $0x1  }
0x91: {  	s18 =	sld [smem:$0x3FFB];
	_ =	sdelay $0x3  }
0x92: {  	_ =	strace s18  }
0x93: {  	s2 =	sld [smem:$0x3FFC];
	_ =	sdelay $0x3  }
0x94: {  	_ =	strace s2  }
0x95: {  	s2 =	sld [smem:$0x3FFD];
	_ =	sdelay $0x3  }
0x96: {  	_ =	strace s2  }
0x97: {  	_ =	strace $0x8FFFFFFF  }
0x98: {  	s19 =	sld [smem:$0x3FDB];
	_ =	sdelay $0x1  }
0x99: {  	s20 =	simm.s32 $_scs_section_size  }
0x9a: {  	s4 =	simm.s32 $_size__tile_overlayer_lowered;
	s5 =	simm.s32 $_tile_overlayer_lowered  }
0x9b: {  	s6 =	simm.s32 $0x1BFF;
	s21 =	sshll.u32 s5, $0x1;
	s3 =	sadd.s32 s20, s19  }
0x9c: {  	s22 =	simm.s32 $0x0;
	s4 =	sshll.u32 s4, $0x1;
	s5 =	sadd.s32 s21, s3  }
0x9d: {  	[timem:s22], [sflag:s6] =	dma.local [hbm:s5], s4  }
0x9e: {  	_ =	swait.ge [sflag:s6], s4  }
0x9f: {  	s4 =	ssub.s32 $0x0, s4;
	[sflag:s6] =	ssyncset.done $0x0  }
0xa0: {  	[sflag:s6] =	ssyncadd.s32 s4;
	_ =	sdelay $0x1  }
0xa1: {  	s23 =	simm.s32 $0x1B8B  }
0xa2: {  	_ =	swait.ge [sflag:s23], $0x1  }
0xa3: {  	[sflag:s23] =	ssyncset.done $0x0  }
0xa4: {  	[sflag:s23] =	ssyncadd.s32 $0xFFFFFFFF  }
0xa5: {  	s4 =	sld [smem:$0x0]  }
0xa6: {  	s5 =	sand.u32 $0xFFFFFFFE, s1  }
0xa7: {  	p0 =	sne.s32 s1, s5  }
0xa8: {  	s5 =	sshll.u32 @p0 s5, $0xE  }
0xa9: {  	s5 =	sadd.s32 @p0 $0x11B8D, s5;
	s6 =	sshll.u32 @p0 s4, $0x11  }
0xaa: {  	s5 =	sor.u32 @p0 s6, s5  }
0xab: {  	[sflag:s5] =	ssyncadd.remote.s32 @p0 $0x1;
	_ =	sdelay $0x1  }
0xac: {  	s5 =	simm.s32 @p0 $0x1B8D  }
0xad: {  	_ =	swait.eq @p0 [sflag:s5], $0x1  }
0xae: {  	[sflag:s5] =	ssyncadd.s32 @p0 $0xFFFFFFFF  }
0xaf: {  	s6 =	sshll.u32 @!p0 s1, $0xE  }
0xb0: {  	s6 =	sor.u32 @!p0 $0x4000, s6;
	s5 =	simm.s32 @!p0 $0x1B8D  }
0xb1: {  	s7 =	sshll.u32 @!p0 s4, $0x11;
	s6 =	sadd.s32 @!p0 $0x11B8D, s6;
	_ =	swait.eq @!p0 [sflag:s5], $0x1  }
0xb2: {  	[sflag:s5] =	ssyncadd.s32 @!p0 $0xFFFFFFFF;
	s5 =	sor.u32 @!p0 s7, s6  }
0xb3: {  	s25 =	simm.s32 $0x1B8E;
	s24 =	sld [smem:$0x3FFE];
	[sflag:s5] =	ssyncadd.remote.s32 @!p0 $0x1  }
0xb4: {  	s26 =	simm.s32 $execute0_lowered;
	[smem:$0x3FD2] =	sst s25  }
0xb5: {  	s6 =	sshll.u32 s26, $0x1;
	_ =	strace $0x8000004C;
	[dreg:$0x1] =	wrdreg $0xFFFFFFFF  }
0xb6: {  	s28 =	simm.s32 $_size_execute0_lowered;
	s3 =	sadd.s32 s3, s6;
	[dreg:$0x0] =	wrdreg $0x0  }
0xb7: {  	s6 =	sshll.u32 s28, $0x1;
	[dreg:$0x2] =	wrdreg s3  }
0xb8: {  	[dreg:$0x3] =	wrdreg s6  }
0xb9: {  	[dreg:$0x4] =	wrdreg $0xC0  }
0xba: {  	_ =	task [dreg:s22], $0x5FFFF  }
0xbb: {  	[dreg:$0x1] =	wrdreg $0xFFFFFFFF  }
0xbc: {  	[dreg:$0x0] =	wrdreg $0x60  }
0xbd: {  	[dreg:$0x2] =	wrdreg s24  }
0xbe: {  	[dreg:$0x3] =	wrdreg s1  }
0xbf: {  	[dreg:$0x4] =	wrdreg s4  }
0xc0: {  	[dreg:$0x5] =	wrdreg $0x9  }
0xc1: {  	_ =	task.clear_ibuf [dreg:s22], $0x6FFFF;
	_ =	strace $0x9000004C  }
0xc2: {  	s29 =	simm.s32 $0x9;
	_ =	strace $0x8000004E  }
0xc3: {  	_ =	swait.ge [sflag:s29], $0x1  }
0xc4: {  	[sflag:s29] =	ssyncadd.s32 $0xFFFFFFFF  }
0xc5: {  	_ =	strace $0x9000004E  }
0xc6: {  	_ =	sfence  }
0xc7: {  	s30 =	sld [smem:$0x0];
	_ =	sdelay $0x2  }
0xc8: {  	s31 =	sshll.u32 s1, $0xD;
	s1 =	sshrl.u32 s1, $0x2  }
0xc9: {  	s4 =	sand.u32 $0x4000, s31;
	s1 =	sadd.s32 s1, s30  }
0xca: {  	s0 =	sor.u32 s4, s0;
	s1 =	sshll.u32 s1, $0x11  }
0xcb: {  	s0 =	sor.u32 s1, s0  }
0xcc: {  	s0 =	sadd.s32 $0x8F2B, s0  }
0xcd: {  	[sflag:s0] =	ssyncadd.remote.s32 $0x1  }
0xce: {  	_ =	sfence.sel $0xFFFF  }
0xcf: {  	[dreg:$0x0] =	wrdreg $0xFFFFFFFF;
	(pc) =	sbr.abs _section_cstart, $3  }
0xd0: {  	[dreg:$0x1] =	wrdreg $0xFFFFFFFF  }
0xd1: {  	_ =	task.clear_ibuf [dreg:s22], $0x2FFFF;
	_ =	strace $0x9FFFFFFF  }
0xd2: {  	(tm) =	ssettm $0x7FFFFFFF  }
0xd3: {  	_ =	shalt  }
tec
execute0_lowered:
.L_overlay_start_1:
0x0: {  	(tag) =	ssettag $0x1  }
0x1: {  	s2 =	rddreg [dreg:$0x0]  }
0x2: {  	s3 =	rddreg [dreg:$0x1];
	_ =	strace $0x8000004D;
	s0 =	simm.s32 $0x1  }
0x3: {  	v0 =	vimm.s32 $0x0;
	[sflag:s0] =	ssyncpa.u1 $0x0;
	s0 =	simm.s32 $0x108  }
0x4: {  	[tilespmem:s0+$0x70] =	vst v0  }
0x5: {  	[tilespmem:s0+$0x60] =	vst v0  }
0x6: {  	[tilespmem:s0+$0x50] =	vst v0  }
0x7: {  	[tilespmem:s0+$0x40] =	vst v0  }
0x8: {  	[tilespmem:s0+$0x30] =	vst v0  }
0x9: {  	s1 =	sadd.s32 $0x84000, s2;
	s15 =	sadd.s32 $0x2A00, s2;
	s6 =	sadd.s32 $0xEF1200, s2;
	[tilespmem:s0+$0x20] =	vst v0  }
0xa: {  	s14 =	sadd.s32 $0x53000, s2;
	s5 =	sand.u32 $0x1, s3;
	s3 =	simm.s32 $0x40;
	[tilespmem:s0+$0x10] =	vst v0  }
.LBB2_1:
0xb: {  	s3 =	sadd.s32 $0x40, s3;
	[tilespmem:s0+$0x0] =	vst v0;
	s0 =	sadd.s32 $0x80, s0  }
0xc: {  	p0 =	slt.u32 s3, $0x3C40;
	[tilespmem:s0+$0x70] =	vst v0  }
0xd: {  	[tilespmem:s0+$0x60] =	vst v0  }
.Ltmp0:
0xe: {  	[tilespmem:s0+$0x50] =	vst v0;
	(pc) =	sbr.rel @p0 .LBB2_1-.Ltmp0, $4  }
0xf: {  	[tilespmem:s0+$0x40] =	vst v0  }
0x10: {  	[tilespmem:s0+$0x30] =	vst v0  }
0x11: {  	[tilespmem:s0+$0x20] =	vst v0  }
0x12: {  	[tilespmem:s0+$0x10] =	vst v0  }
0x13: {  	s9 =	stileid.u32  }
0x14: {  	s2 =	smul.u32 $0x29, s9  }
0x15: {  	s3 =	smin.u32 s9, $0xB  }
0x16: {  	s2 =	sadd.s32 s3, s2  }
0x17: {  	p0 =	slt.u32 s9, $0xB;
	s7 =	smul.u32 $0xF0, s2;
	s2 =	simm.s32 $0x2760  }
0x18: {  	s2 =	simm.s32 @!p0 $0x2670  }
0x19: {  	s2 =	sadd.s32 s2, s7  }
0x1a: {  	s8 =	smin.u32 s2, $0x27100  }
0x1b: {  	s2 =	ssub.s32 s8, s7  }
0x1c: {  	p0 =	sgt.s32 s2, $0x0  }
0x1d: {  	s29 =	simm.s32 $0x2;
	s10 =	simm.s32 $0x9;
	s2 =	simm.s32 @!p0 $0x0  }
0x1e: {  	s4 =	simm.s32 $0xA;
	s11 =	simm.s32 $0xB;
	s28 =	smulhi.u32 $0x88888889, s2  }
0x1f: {  	[dreg:$0x4] =	wrdreg s5;
	s31 =	smul.u32 $0x4E20, s5;
	s12 =	simm.s32 $0x1  }
0x20: {  	s22 =	simm.s32 $0x0;
	s18 =	simm.s32 $0xC;
	s30 =	sshrl.u32 s28, $0x7  }
0x21: {  	s20 =	simm.s32 $0x0;
	s21 =	simm.s32 $0x0;
	s3 =	smul.u32 $0xF0, s30  }
.Ltmp1:
0x22: {  	[tilespmem:s0+$0x0] =	vst v0;
	v0 =	vimm.s32 $0xFFFFFFFF;
	[sflag:s29] =	ssyncpa.u1 $0x0;
	s16 =	sshll.u32 s9, $0x8;
	(pc) =	sbr.rel .LBB2_3-.Ltmp1, $4  }
0x23: {  	[tilespmem:$0xF208] =	vst v0;
	[sflag:s10] =	ssyncpa.u1 $0x0;
	p0 =	sne.s32 s2, s3;
	s2 =	simm.s32 $0x1  }
0x24: {  	s14 =	sadd.s32 s31, s14;
	[sflag:s4] =	ssyncpa.u1 $0x0;
	s2 =	simm.s32 @!p0 $0x0  }
0x25: {  	s15 =	sadd.s32 s31, s15;
	[sflag:s11] =	ssyncpa.u1 $0x0;
	s13 =	sadd.s32 s2, s30  }
0x26: {  	v0 =	vlaneseq.u32;
	s19 =	smov.u32 s7;
	p0 =	por $0x0, $0x0;
	s17 =	sadd.s32 $0x1, s13  }
.LBB2_18:
0x27: {  	s0 =	sshrl.u32 s31, $0x2  }
.LBB2_20:
0x28: {  	_ =	swait.ge [sflag:s18], s0  }
0x29: {  	s31 =	ssub.s32 $0x0, s0;
	v1 =	vmov s24;
	vm0 =	veq.s32 v0, $0x0;
	[sflag:s18] =	ssyncset.done $0x0  }
0x2a: {  	vm15 =	veq.s32 v0, $0x2;
	v1 =	vsel vm0, s30, v1;
	[sflag:s18] =	ssyncadd.s32 s31  }
0x2b: {  	v1 =	vsel vm15, s22, v1;
	[sflag:s18] =	ssyncpa.u1 $0x1  }
0x2c: {  	[tilespmem:$0xF208] =	vst v1  }
.LBB2_21:
0x2d: {  	s0 =	sadd.s32 $0xF0, s19  }
0x2e: {  	s2 =	smov.u32 s7;
	p1 =	slt.s32 s0, s8  }
0x2f: {  	s2 =	smov.u32 @p1 s0;
	p1 =	sne.s32 s21, s17  }
.Ltmp2:
0x30: {  	_ = 	snop;
	(pc) =	sbr.rel @!p1 .LBB2_22-.Ltmp2, $3  }
0x31: {  	_ =	sdelay $0x1  }
0x32: {  	s22 =	smov.u32 s20;
	s31 =	sadd.s32 $0x1, s21;
	s20 =	smov.u32 s19  }
0x33: {  	p0 =	por !p0, !p0;
	s21 =	smov.u32 s31;
	s19 =	smov.u32 s2  }
.LBB2_3:
0x34: {  	p1 =	sge.u32 s21, s13  }
0x35: {  	s0 =	smulhi.u32 @!p1 $0xAAAAAAAB, s21  }
0x36: {  	s2 =	smov.u32 s19;
	p2 =	sgt.s32 @!p1 s19, $0x27010  }
0x37: {  	s3 =	sshra.s32 @!p1 s19, $0x1F;
	p2 =	por !p2, p1;
	s0 =	sshrl.u32 @!p1 s0, $0x1  }
0x38: {  	s3 =	sand.u32 @!p1 s3, s19;
	s2 =	simm.s32 @p2 $0x27010;
	s0 =	smul.u32 @!p1 $0x3, s0  }
0x39: {  	s2 =	ssub.s32 @!p1 s2, s3  }
0x3a: {  	s2 =	sadd.s32 @!p1 $0xFFFD8FF0, s2;
	s0 =	ssub.s32 @!p1 s21, s0  }
0x3b: {  	s3 =	sshll.u32 @!p1 s2, $0x2;
	p2 =	sgt.s32 @!p1 s2, $0xEF;
	s0 =	smul.u32 @!p1 $0x3C0, s0  }
0x3c: {  	s4 =	sand.u32 @!p1 $0x7, s19;
	s2 =	ssub.s32 @!p1 $0x3C0, s3;
	p2 =	por !p2, p1  }
0x3d: {  	s3 =	sshrl.u32 @!p1 s19, $0x3;
	s2 =	sshrl.u32 @!p1 s2, $0x2;
	s0 =	sshrl.u32 @!p1 s0, $0x2  }
0x3e: {  	s3 =	sadd.s32 @!p1 s3, s14;
	s2 =	simm.s32 @!p2 $0x0;
	s0 =	sadd.s32 @!p1 $0x10248, s0  }
0x3f: {  	[tilespmem:s0], [sflag:$0xA] =	stream.linear.gather @!p1 [hbm4b:s3+s4], s2, $0x38;
	[tilespmem:$0x1F6F8] =	vst v63  }
0x40: {  	s0 =	sadd.s32 $0xFFFFFFFF, s21  }
0x41: {  	p1 =	sge.u32 s0, s13  }
0x42: {  	p2 =	sgt.s32 @!p1 s20, $0x27010  }
0x43: {  	s2 =	smov.u32 s20;
	s3 =	sshra.s32 @!p1 s20, $0x1F;
	p2 =	por !p2, p1  }
0x44: {  	s3 =	sand.u32 @!p1 s3, s20;
	s2 =	simm.s32 @p2 $0x27010  }
0x45: {  	s2 =	ssub.s32 @!p1 s2, s3  }
0x46: {  	s2 =	sadd.s32 @!p1 $0xFFFD8FF0, s2  }
0x47: {  	s4 =	sand.u32 @!p1 $0x1, s0;
	s3 =	sshll.u32 @!p1 s2, $0x2  }
0x48: {  	p2 =	sgt.s32 @!p1 s2, $0xEF;
	s2 =	ssub.s32 @!p1 $0x3C0, s3;
	s3 =	smulhi.u32 @!p1 $0xAAAAAAAB, s0  }
0x49: {  	s23 =	smul.u32 @!p1 $0x3C0, s4;
	p2 =	por !p2, p1;
	s2 =	sshrl.u32 @!p1 s2, $0x2  }
0x4a: {  	s5 =	simm.s32 @!p1 $0xA;
	s2 =	simm.s32 @!p2 $0x0;
	s3 =	sshrl.u32 @!p1 s3, $0x1  }
0x4b: {  	s23 =	sshrl.u32 @!p1 s23, $0x2;
	_ =	swait.ge @!p1 [sflag:s5], s2;
	s3 =	smul.u32 @!p1 $0x3, s3  }
0x4c: {  	s23 =	sadd.s32 @!p1 $0x10518, s23;
	s24 =	ssub.s32 @!p1 $0x0, s2;
	[sflag:s5] =	ssyncset.done @!p1 $0x0  }
0x4d: {  	[sflag:s5] =	ssyncadd.s32 @!p1 s24;
	s5 =	sshrl.u32 @!p1 s20, $0x3;
	s0 =	ssub.s32 @!p1 s0, s3  }
0x4e: {  	s24 =	sand.u32 @!p1 $0x7, s20;
	s5 =	sadd.s32 @!p1 s5, s15;
	s0 =	smul.u32 @!p1 $0x3C0, s0  }
0x4f: {  	[tilespmem:s23], [sflag:$0xB] =	stream.linear.gather @!p1 [hbm4b:s5+s24], s2, $0x38;
	[tilespmem:$0x1F6F8] =	vst v63  }
0x50: {  	s3 =	ssub.s32 @!p1 $0x27100, s20;
	s2 =	smul.u32 @!p1 $0x1E000, s4  }
0x51: {  	p2 =	slt.s32 @!p1 s3, $0xF0  }
0x52: {  	p2 =	por !p2, p1;
	s0 =	sshrl.u32 @!p1 s0, $0x2;
	s2 =	sshrl.u32 @!p1 s2, $0x2  }
0x53: {  	s3 =	simm.s32 @p2 $0xF0;
	s0 =	sadd.s32 @!p1 $0x10248, s0;
	s2 =	sor.u32 @!p1 $0x106F8, s2  }
0x54: {  	[tilespmem:s2], [sflag:$0x9] =	stream.indirect.gather @!p1 [hbm4b:s6+s3], $0x80, s0, s3, $0xb8;
	[tilespmem:$0x1F6F8] =	vst v63  }
0x55: {  	p1 =	slt.u32 s21, $0x2  }
.Ltmp3:
0x56: {  	_ = 	snop;
	(pc) =	sbr.rel @p1 .LBB2_21-.Ltmp3, $1  }
0x57: {  	_ =	sdelay $0x3  }
0x58: {  	p1 =	sgt.s32 s22, $0x27010  }
0x59: {  	s0 =	smov.u32 s22;
	s2 =	sshra.s32 s22, $0x1F;
	s3 =	ssub.s32 $0x27100, s22  }
0x5a: {  	s0 =	simm.s32 @!p1 $0x27010;
	s2 =	sand.u32 s2, s22;
	p1 =	slt.s32 s3, $0xF0  }
0x5b: {  	s0 =	ssub.s32 s0, s2;
	s3 =	simm.s32 @!p1 $0xF0  }
0x5c: {  	s0 =	sadd.s32 $0xFFFD8FF0, s0;
	s25 =	sshll.u32 s3, $0x7  }
0x5d: {  	s26 =	sshll.u32 s0, $0x2;
	s2 =	sand.u32 $0x3FFFFF80, s25  }
0x5e: {  	p1 =	sgt.s32 s0, $0xEF;
	s29 =	ssub.s32 $0x3C0, s26;
	_ =	swait.ge [sflag:s10], s2  }
0x5f: {  	s2 =	ssub.s32 $0x0, s2;
	[sflag:s10] =	ssyncset.done $0x0;
	s0 =	sshrl.u32 s29, $0x2  }
0x60: {  	[sflag:s10] =	ssyncadd.s32 s2;
	s0 =	simm.s32 @p1 $0x0  }
0x61: {  	_ =	swait.ge [sflag:s11], s0  }
0x62: {  	s0 =	ssub.s32 $0x0, s0;
	[sflag:s11] =	ssyncset.done $0x0  }
0x63: {  	[sflag:s11] =	ssyncadd.s32 s0  }
0x64: {  	v1 =	vld [tilespmem:$0xF208];
	_ =	sdelay $0x4  }
0x65: {  	(v2sf) =	vpush v1, $0x0  }
0x66: {  	(v2sf) =	vpush v1, $0x1  }
0x67: {  	(v2sf) =	vpush v1, $0x2;
	_ =	sdelay $0x3  }
0x68: {  	s0 =	sadd.s32 $0xF0, s22  }
0x69: {  	s2 =	ssub.s32 $0x4E200, s22;
	p1 =	slt.s32 s8, s0  }
0x6a: {  	s0 =	smov.u32 @p1 s8;
	p1 =	sgt.s32 s2, $0x0  }
0x6b: {  	s26 =	ssub.s32 s0, s22;
	s2 =	simm.s32 @!p1 $0x0  }
0x6c: {  	p1 =	slt.s32 s2, s26  }
0x6d: {  	s26 =	smov.u32 @p1 s2  }
0x6e: {  	s25 =	simm.s32 $0x1;
	p1 =	slt.s32 s26, $0x1  }
.Ltmp4:
0x6f: {  	s25 =	simm.s32 @!p0 $0x0;
	(pc) =	sbr.rel @p1 .LBB2_8-.Ltmp4, $4  }
0x70: {  	s31 =	smul.u32 $0x3C0, s25  }
0x71: {  	s28 =	spop (v2sf)  }
0x72: {  	s0 =	sshrl.u32 s31, $0x2;
	s30 =	spop (v2sf)  }
0x73: {  	s23 =	sadd.s32 $0x10518, s0;
	s22 =	spop (v2sf)  }
0x74: {  	s0 =	smin.u32 s26, $0x10  }
0x75: {  	v1 =	vmov s0  }
0x76: {  	p2 =	sgt.s32 s26, $0x10;
	vm1 =	vgt.u32 v1, v0  }
.Ltmp5:
0x77: {  	_ = 	snop;
	(pc) =	sbr.rel @!p2 .LBB2_7-.Ltmp5, $2  }
0x78: {  	_ =	sdelay $0x2  }
0x79: {  	s4 =	simm.s32 $0x10;
	s24 =	sadd.s32 $0xFFFFFFF0, s26;
	s0 =	smov.u32 s23;
	vm0 =	vmmov vm1  }
.LBB2_6:
0x7a: {  	s2 =	smin.u32 s24, $0x10;
	s4 =	sadd.s32 $0x10, s4;
	v1 =	vld.msk [tilespmem:s0+$0x0 ss:$0x1], vm1  }
0x7b: {  	v2 =	vmov s2;
	p2 =	slt.s32 s4, s26  }
0x7c: {  	vm1 =	vgt.u32 v2, v0  }
.Ltmp6:
0x7d: {  	(pc) =	sbr.rel @p2 .LBB2_6-.Ltmp6, $3  }
0x7e: {  	_ =	sdelay $0x1  }
0x7f: {  	v1 =	vshll.u32 v1, $0x4  }
0x80: {  	s24 =	sadd.s32 $0xFFFFFFF0, s24;
	[tilespmem:s0+$0x0] =	vst.msk vm0, v1;
	s0 =	sadd.s32 $0x10, s0;
	vm0 =	vmmov vm1  }
.LBB2_7:
0x81: {  	_ =	sdelay $0x4  }
0x82: {  	v1 =	vld.msk [tilespmem:s0+$0x0 ss:$0x1], vm1;
	_ =	sdelay $0x4  }
0x83: {  	v1 =	vshll.u32 v1, $0x4  }
0x84: {  	[tilespmem:s0+$0x0] =	vst.msk vm0, v1  }
.LBB2_8:
0x85: {  	s0 =	sand.u32 $0x1, s21  }
0x86: {  	s0 =	smul.u32 $0xF0, s0  }
0x87: {  	p2 =	sne.s32 s30, $0xFFFFFFFF  }
0x88: {  	v1 =	vld.msk @!p2 [tilespmem:s0+$0x10518], $0x1;
	_ =	sdelay $0x4  }
0x89: {  	(v2sf) =	vpush @!p2 v1, $0x0;
	_ =	sdelay $0xc  }
.Ltmp7:
0x8a: {  	_ = 	snop;
	(pc) =	sbr.rel @p1 .LBB2_19-.Ltmp7, $4  }
0x8b: {  	_ = 	snop  }
0x8c: {  	s29 =	spop @!p2 (v2sf)  }
0x8d: {  	s22 =	simm.s32 @!p2 $0x0;
	s24 =	smov.u32 s29  }
0x8e: {  	[sflag:s18] =	ssyncpa.u1 $0x0;
	s29 =	smov.u32 @p2 s28;
	s24 =	smov.u32 @p2 s30  }
0x8f: {  	v1 =	vld.msk [tilespmem:s23+$0x0], $0x1;
	_ =	sdelay $0x4  }
0x90: {  	(v2sf) =	vpush v1, $0x0;
	_ =	sdelay $0xe  }
0x91: {  	s2 =	smul.u32 $0x1E000, s25;
	s0 =	spop (v2sf)  }
0x92: {  	s26 =	ssub.s32 $0x0, s26;
	p1 =	seq.s32 s29, s0  }
0x93: {  	s30 =	sadd.s32 $0x1, s26;
	s2 =	sshrl.u32 s2, $0x2;
	p2 =	sgt.s32 @!p1 s29, $0x0  }
0x94: {  	s25 =	sor.u32 $0x10738, s2;
	s2 =	smov.u32 s29;
	p2 =	por !p2, p1  }
0x95: {  	s2 =	simm.s32 @p2 $0x0;
	p2 =	seq.s32 s30, $0x0  }
.Ltmp8:
0x96: {  	_ = 	snop;
	(pc) =	sbr.rel @p2 .LBB2_11-.Ltmp8, $4  }
0x97: {  	_ = 	snop  }
0x98: {  	s28 =	simm.s32 $0x0;
	s31 =	sadd.s32 $0x1, s23;
	s2 =	smin.u32 @!p1 s2, $0x270F0  }
0x99: {  	s4 =	simm.s32 @!p1 $0x1;
	s5 =	simm.s32 @!p1 $0x7988;
	s3 =	sand.u32 @!p1 $0x3FFF8, s2  }
0x9a: {  	s4 =	smov.u32 @p1 s28;
	s2 =	sand.u32 @!p1 $0x7, s2;
	s3 =	sadd.s32 @!p1 s1, s3  }
.LBB2_10:
0x9b: {  	s9 =	smov.u32 s4  }
0x9c: {  	[tilespmem:s5], [sflag:$0x2] =	stream.linear.gather @!p1 [hbm4b:s3+s2], $0x80, $0x38;
	[tilespmem:$0x1F6F8] =	vst v63  }
0x9d: {  	s30 =	sadd.s32 $0x1, s30;
	s2 =	smov.u32 s0;
	v1 =	vld.msk [tilespmem:s31+$0x0], $0x1  }
0x9e: {  	p2 =	seq.s32 s30, $0x0;
	_ =	sdelay $0x3  }
0x9f: {  	(v2sf) =	vpush v1, $0x0;
	_ =	sdelay $0xe  }
0xa0: {  	s0 =	spop (v2sf)  }
0xa1: {  	p1 =	seq.s32 s2, s0  }
0xa2: {  	p3 =	sgt.s32 @!p1 s2, $0x0;
	s3 =	sshll.u32 @!p1 s4, $0x9;
	s4 =	sadd.s32 @!p1 $0x1, s4  }
.Ltmp9:
0xa3: {  	p3 =	por !p3, p1;
	s3 =	sshra.s32 @!p1 s3, $0x2;
	(pc) =	sbr.rel @!p2 .LBB2_10-.Ltmp9, $4  }
0xa4: {  	s4 =	smov.u32 @p1 s9;
	s2 =	simm.s32 @p3 $0x0;
	s5 =	sadd.s32 @!p1 $0x7988, s3  }
0xa5: {  	s2 =	smin.u32 @!p1 s2, $0x270F0  }
0xa6: {  	s3 =	sand.u32 @!p1 $0x3FFF8, s2;
	s2 =	sand.u32 @!p1 $0x7, s2  }
0xa7: {  	s31 =	sadd.s32 $0x1, s31;
	s3 =	sadd.s32 @!p1 s1, s3  }
.LBB2_11:
0xa8: {  	[tilespmem:s5], [sflag:$0x2] =	stream.linear.gather @!p1 [hbm4b:s3+s2], $0x80, $0x38;
	[tilespmem:$0x1F6F8] =	vst v63  }
.Ltmp10:
0xa9: {  	s0 =	sshll.u32 s4, $0x7;
	(pc) =	sbr.rel .LBB2_12-.Ltmp10, $4  }
0xaa: {  	s30 =	simm.s32 $0x2;
	s0 =	sand.u32 $0x3FFFFF80, s0  }
0xab: {  	_ =	swait.ge [sflag:s30], s0  }
0xac: {  	s0 =	ssub.s32 $0x0, s0;
	[sflag:s30] =	ssyncset.done $0x0  }
0xad: {  	s31 =	simm.s32 $0x0;
	[sflag:s30] =	ssyncadd.s32 s0  }
.LBB2_13:
0xae: {  	v1 =	vld [tilespmem:s25+$0xFFFFFFC0];
	_ =	sdelay $0x3  }
0xaf: {  	s0 =	sshra.s32 s0, $0x2  }
0xb0: {  	[tilespmem:s0+$0x108] =	vst.add.f32.msk $0xffff, v1  }
0xb1: {  	v1 =	vld [tilespmem:s25+$0xFFFFFFD0];
	_ =	sdelay $0x4  }
0xb2: {  	[tilespmem:s0+$0x118] =	vst.add.f32.msk $0xffff, v1  }
0xb3: {  	v1 =	vld [tilespmem:s25+$0xFFFFFFE0];
	_ =	sdelay $0x4  }
0xb4: {  	[tilespmem:s0+$0x128] =	vst.add.f32.msk $0xffff, v1  }
0xb5: {  	v1 =	vld [tilespmem:s25+$0xFFFFFFF0];
	_ =	sdelay $0x4  }
0xb6: {  	[tilespmem:s0+$0x138] =	vst.add.f32.msk $0xffff, v1  }
0xb7: {  	v1 =	vld [tilespmem:s25+$0x0];
	_ =	sdelay $0x4  }
0xb8: {  	[tilespmem:s0+$0x148] =	vst.add.f32.msk $0xffff, v1  }
0xb9: {  	v1 =	vld [tilespmem:s25+$0x10];
	_ =	sdelay $0x4  }
0xba: {  	[tilespmem:s0+$0x158] =	vst.add.f32.msk $0xffff, v1  }
0xbb: {  	v1 =	vld [tilespmem:s25+$0x20];
	_ =	sdelay $0x4  }
0xbc: {  	[tilespmem:s0+$0x168] =	vst.add.f32.msk $0xffff, v1  }
0xbd: {  	v1 =	vld [tilespmem:s25+$0x30];
	_ =	sdelay $0x4  }
0xbe: {  	[tilespmem:s0+$0x178] =	vst.add.f32.msk $0xffff, v1  }
.LBB2_17:
0xbf: {  	s26 =	sadd.s32 $0x1, s26  }
0xc0: {  	p1 =	seq.s32 s26, $0x0  }
.Ltmp11:
0xc1: {  	_ = 	snop;
	(pc) =	sbr.rel @p1 .LBB2_18-.Ltmp11, $2  }
0xc2: {  	_ =	sdelay $0x2  }
0xc3: {  	s23 =	sadd.s32 $0x1, s23;
	s25 =	sadd.s32 $0x80, s25;
	s29 =	smov.u32 s30  }
.LBB2_12:
0xc4: {  	v1 =	vld.msk [tilespmem:s23+$0x0], $0x1;
	_ =	sdelay $0x4  }
0xc5: {  	(v2sf) =	vpush v1, $0x0;
	_ =	sdelay $0xe  }
0xc6: {  	s30 =	spop (v2sf)  }
0xc7: {  	p1 =	sne.s32 s29, s30  }
.Ltmp12:
0xc8: {  	_ = 	snop;
	(pc) =	sbr.rel @!p1 .LBB2_13-.Ltmp12, $2  }
0xc9: {  	_ =	sdelay $0x2  }
0xca: {  	s0 =	sshll.u32 s22, $0x9  }
0xcb: {  	p1 =	seq.s32 s29, s24  }
.Ltmp13:
0xcc: {  	_ = 	snop;
	(pc) =	sbr.rel @!p1 .LBB2_15-.Ltmp13, $1  }
0xcd: {  	_ =	sdelay $0x3  }
0xce: {  	s0 =	sshra.s32 s0, $0x2  }
.Ltmp14:
0xcf: {  	s0 =	sadd.s32 $0x108, s0;
	(pc) =	sbr.rel .LBB2_16-.Ltmp14, $4  }
0xd0: {  	[spmem:s16] =	stream.linear.scatter [tilespmem:s0], [sflag:$0x1], $0x80, $0x38;
	[tilespmem:$0x1F6F8] =	vst v63  }
0xd1: {  	_ =	swait.ge [sflag:s12], $0x80  }
0xd2: {  	[sflag:s12] =	ssyncset.done $0x0  }
0xd3: {  	[sflag:s12] =	ssyncadd.s32 $0xFFFFFF80  }
.LBB2_15:
0xd4: {  	s2 =	sshll.u32 s28, $0x9  }
0xd5: {  	s2 =	sshra.s32 s2, $0x2  }
0xd6: {  	v1 =	vld [tilespmem:s2+$0x7988];
	_ =	sdelay $0x3  }
0xd7: {  	s0 =	sshra.s32 s0, $0x2  }
0xd8: {  	[tilespmem:s0+$0x108] =	vst.add.f32.msk $0xffff, v1  }
0xd9: {  	v1 =	vld [tilespmem:s2+$0x7998];
	_ =	sdelay $0x4  }
0xda: {  	[tilespmem:s0+$0x118] =	vst.add.f32.msk $0xffff, v1  }
0xdb: {  	v1 =	vld [tilespmem:s2+$0x79A8];
	_ =	sdelay $0x4  }
0xdc: {  	[tilespmem:s0+$0x128] =	vst.add.f32.msk $0xffff, v1  }
0xdd: {  	v1 =	vld [tilespmem:s2+$0x79B8];
	_ =	sdelay $0x4  }
0xde: {  	[tilespmem:s0+$0x138] =	vst.add.f32.msk $0xffff, v1  }
0xdf: {  	v1 =	vld [tilespmem:s2+$0x79C8];
	_ =	sdelay $0x4  }
0xe0: {  	[tilespmem:s0+$0x148] =	vst.add.f32.msk $0xffff, v1  }
0xe1: {  	v1 =	vld [tilespmem:s2+$0x79D8];
	_ =	sdelay $0x4  }
0xe2: {  	[tilespmem:s0+$0x158] =	vst.add.f32.msk $0xffff, v1  }
0xe3: {  	v1 =	vld [tilespmem:s2+$0x79E8];
	_ =	sdelay $0x4  }
0xe4: {  	[tilespmem:s0+$0x168] =	vst.add.f32.msk $0xffff, v1  }
0xe5: {  	v1 =	vld [tilespmem:s2+$0x79F8];
	_ =	sdelay $0x2  }
0xe6: {  	p1 =	sgt.u32 s29, $0x270F0  }
0xe7: {  	s2 =	sand.u32 @!p1 $0x3FFF8, s29  }
0xe8: {  	s3 =	sadd.s32 $0x108, s0;
	[tilespmem:s0+$0x178] =	vst.add.f32.msk $0xffff, v1;
	s0 =	sadd.s32 @!p1 s1, s2;
	s2 =	sand.u32 @!p1 $0x7, s29  }
0xe9: {  	[hbm4b:s0+s2] =	stream.linear.scatter @!p1 [tilespmem:s3], [sflag:$0xC], $0x80, $0x38;
	[tilespmem:$0x1F6F8] =	vst v63  }
0xea: {  	s0 =	simm.s32 $0x0  }
0xeb: {  	s0 =	simm.s32 @!p1 $0x200  }
0xec: {  	s31 =	sadd.s32 s0, s31  }
.LBB2_16:
0xed: {  	s0 =	sadd.s32 $0x1, s22  }
0xee: {  	s2 =	smulhi.u32 $0x88888889, s0;
	_ =	sdelay $0x1  }
0xef: {  	v1 =	vld [tilespmem:s25+$0xFFFFFFC0];
	s2 =	sshrl.u32 s2, $0x7  }
0xf0: {  	s2 =	smul.u32 $0xF0, s2;
	_ =	sdelay $0x1  }
0xf1: {  	s22 =	ssub.s32 s0, s2  }
0xf2: {  	s0 =	sshll.u32 s22, $0x7  }
0xf3: {  	[tilespmem:s0+$0x108] =	vst v1  }
0xf4: {  	v1 =	vld [tilespmem:s25+$0xFFFFFFD0];
	_ =	sdelay $0x4  }
0xf5: {  	[tilespmem:s0+$0x118] =	vst v1  }
0xf6: {  	v1 =	vld [tilespmem:s25+$0xFFFFFFE0];
	_ =	sdelay $0x4  }
0xf7: {  	[tilespmem:s0+$0x128] =	vst v1  }
0xf8: {  	v1 =	vld [tilespmem:s25+$0xFFFFFFF0];
	_ =	sdelay $0x4  }
0xf9: {  	[tilespmem:s0+$0x138] =	vst v1  }
0xfa: {  	v1 =	vld [tilespmem:s25+$0x0];
	_ =	sdelay $0x4  }
0xfb: {  	[tilespmem:s0+$0x148] =	vst v1  }
0xfc: {  	v1 =	vld [tilespmem:s25+$0x10];
	_ =	sdelay $0x4  }
0xfd: {  	[tilespmem:s0+$0x158] =	vst v1  }
0xfe: {  	v1 =	vld [tilespmem:s25+$0x20];
	_ =	sdelay $0x4  }
0xff: {  	[tilespmem:s0+$0x168] =	vst v1  }
0x100: {  	v1 =	vld [tilespmem:s25+$0x30]  }
.Ltmp15:
0x101: {  	_ = 	snop;
	(pc) =	sbr.rel .LBB2_17-.Ltmp15, $2  }
0x102: {  	_ =	sdelay $0x2  }
0x103: {  	s28 =	sadd.s32 $0x1, s28;
	[tilespmem:s0+$0x178] =	vst v1  }
.LBB2_19:
.Ltmp16:
0x104: {  	(pc) =	sbr.rel .LBB2_20-.Ltmp16, $4  }
0x105: {  	_ = 	snop  }
0x106: {  	s0 =	simm.s32 $0x2  }
0x107: {  	_ =	swait.ge [sflag:s0], $0x0  }
0x108: {  	s30 =	smov.u32 s29;
	[sflag:s0] =	ssyncset.done $0x0;
	s0 =	simm.s32 $0x0  }
.LBB2_22:
0x109: {  	_ =	sfence.sel $0x180000  }
0x10a: {  	s0 =	simm.s32 $0x9;
	[bflag:$0x0] =	sbarrier.arrive $0xFFFF  }
0x10b: {  	s24 =	simm.s32 $0xA;
	[sflag:s0] =	ssyncpa.u1 $0x1  }
0x10c: {  	s25 =	simm.s32 $0xB;
	[sflag:s24] =	ssyncpa.u1 $0x1  }
0x10d: {  	s26 =	simm.s32 $0x2;
	[sflag:s25] =	ssyncpa.u1 $0x1  }
0x10e: {  	[sflag:s26] =	ssyncpa.u1 $0x1  }
0x10f: {  	v0 =	vld [tilespmem:$0xF208];
	_ =	sdelay $0x4  }
0x110: {  	(v2sf) =	vpush v0, $0x0  }
0x111: {  	(v2sf) =	vpush v0, $0x1;
	_ =	sdelay $0x1  }
0x112: {  	(v2sf) =	vpush v0, $0x2;
	_ =	sdelay $0xb  }
0x113: {  	s0 =	spop (v2sf)  }
0x114: {  	s2 =	spop (v2sf)  }
0x115: {  	s3 =	smov.u32 s0;
	p0 =	sne.s32 s0, s2  }
0x116: {  	s4 =	spop (v2sf);
	s3 =	simm.s32 @!p0 $0xFFFFFFFF  }
0x117: {  	v2 =	vimm.s32 $0x1;
	v3 =	vlaneseq.u32;
	p0 =	seq.s32 s4, $0xFFFFFFFF;
	v1 =	vmov s3  }
0x118: {  	s16 =	stileid.u32;
	v0 =	vperm.xlane v0, v2;
	p1 =	sne.s32 @!p0 s0, s2;
	v1 =	vperm.xlane v1, v3  }
0x119: {  	vm0 =	vcmask $0x3F04;
	s6 =	simm.s32 $0xF208;
	s0 =	simm.s32 @!p0 $0x1;
	p1 =	por !p1, p0  }
0x11a: {  	s3 =	sshll.u32 s16, $0x1;
	s2 =	sshll.u32 @!p0 s4, $0x9;
	s0 =	simm.s32 @p1 $0x0;
	v0 =	vsel vm0, v1, v0  }
0x11b: {  	s5 =	sor.u32 $0x1000, s3;
	s2 =	sshra.s32 @!p0 s2, $0x2;
	s0 =	sor.u32 @!p0 s0, s3;
	[tilespmem:$0xF208] =	vst v0  }
0x11c: {  	[spmem:s5] =	stream.linear.scatter [tilespmem:s6], [sflag:$0x1], $0x2, $0x38;
	[tilespmem:$0x1F6F8] =	vst v63  }
0x11d: {  	s2 =	sadd.s32 @!p0 $0x108, s2;
	s0 =	sshll.u32 @!p0 s0, $0x7  }
0x11e: {  	[spmem:s0] =	stream.linear.scatter @!p0 [tilespmem:s2], [sflag:$0x1], $0x80, $0x38;
	[tilespmem:$0x1F6F8] =	vst v63  }
0x11f: {  	s0 =	simm.s32 @!p0 $0x82  }
0x120: {  	s28 =	simm.s32 $0x1;
	s0 =	simm.s32 @p0 $0x2  }
0x121: {  	_ =	swait.ge [sflag:s28], s0  }
0x122: {  	s0 =	ssub.s32 $0x0, s0;
	[sflag:s28] =	ssyncset.done $0x0  }
0x123: {  	p0 =	sne.s32 s16, $0x0;
	[sflag:s28] =	ssyncadd.s32 s0  }
.Ltmp17:
0x124: {  	_ =	sfence.stream.spmem;
	(pc) =	sbr.rel @p0 .LBB2_39-.Ltmp17, $4  }
0x125: {  	s29 =	simm.s32 $0x3;
	[bflag:$0x0] =	sbarrier.arrive $0xFFFF  }
0x126: {  	s30 =	simm.s32 $0x4;
	[sflag:s29] =	ssyncpa.u1 $0x1  }
0x127: {  	s31 =	simm.s32 $0x3C;
	[sflag:s30] =	ssyncpa.u1 $0x1  }
0x128: {  	s15 =	rddreg [dreg:$0x4];
	[sflag:s31] =	ssyncpa.u1 $0x1  }
0x129: {  	_ =	sfence.stream.spmem;
	s0 =	simm.s32 $0x5  }
0x12a: {  	s2 =	simm.s32 $0x1000;
	s3 =	simm.s32 $0xF218;
	[sflag:s0] =	ssyncpa.u1 $0x0  }
0x12b: {  	[tilespmem:s3], [sflag:$0x5] =	stream.linear.gather [spmem:s2], $0x20, $0x38;
	[tilespmem:$0x1F6F8] =	vst v63  }
0x12c: {  	s26 =	simm.s32 $0x0;
	s28 =	simm.s32 $0xF238  }
0x12d: {  	[tilespmem:s28], [sflag:$0x5] =	stream.linear.gather [spmem:s26], $0x1000, $0x38;
	[tilespmem:$0x1F6F8] =	vst v63  }
0x12e: {  	_ =	swait.ge [sflag:s0], $0x1020  }
0x12f: {  	[sflag:s0] =	ssyncset.done $0x0  }
0x130: {  	s29 =	simm.s32 $0x0;
	[sflag:s0] =	ssyncadd.s32 $0xFFFFEFE0  }
0x131: {  	v0 =	vld.msk [tilespmem:s29+$0xF218], $0x1;
	_ =	sdelay $0x1  }
0x132: {  	s30 =	simm.s32 $0x1  }
0x133: {  	v1 =	vld.msk [tilespmem:s30+$0xF218], $0x1;
	_ =	sdelay $0x1  }
0x134: {  	(v2sf) =	vpush v0, $0x0;
	_ =	sdelay $0x2  }
0x135: {  	(v2sf) =	vpush v1, $0x0;
	_ =	sdelay $0x2  }
0x136: {  	s31 =	simm.s32 $0x2  }
0x137: {  	v0 =	vld.msk [tilespmem:s31+$0xF218], $0x1;
	_ =	sdelay $0x2  }
0x138: {  	s4 =	simm.s32 $0xFFFFFFFF;
	s5 =	simm.s32 $0xFFFFFFFF;
	s0 =	simm.s32 $0xC  }
.LBB2_24:
0x139: {  	s2 =	smov.u32 s5;
	s3 =	smov.u32 s4  }
0x13a: {  	s4 =	sshra.s32 s0, $0x2;
	p1 =	sne.s32 s0, $0x7C;
	s0 =	sadd.s32 $0x4, s0;
	(v2sf) =	vpush v0, $0x0  }
0x13b: {  	v0 =	vld.msk [tilespmem:s4+$0xF218], $0x1  }
.Ltmp18:
0x13c: {  	(pc) =	sbr.rel @p1 .LBB2_24-.Ltmp18, $4  }
0x13d: {  	s5 =	spop (v2sf)  }
0x13e: {  	p2 =	sne.s32 s3, $0xFFFFFFFF;
	s4 =	smov.u32 s5  }
0x13f: {  	p3 =	seq.s32 s5, $0xFFFFFFFF;
	s4 =	smov.u32 @p2 s3  }
0x140: {  	s5 =	smov.u32 @p3 s2;
	s4 =	smov.u32 @p3 s3  }
0x141: {  	(v2sf) =	vpush v0, $0x0;
	_ =	sdelay $0x8  }
0x142: {  	s0 =	spop (v2sf)  }
0x143: {  	p1 =	sne.s32 s4, $0xFFFFFFFF;
	s2 =	smov.u32 s0  }
0x144: {  	s9 =	simm.s32 $0x6;
	p2 =	seq.s32 s0, $0xFFFFFFFF;
	s2 =	smov.u32 @p1 s4  }
0x145: {  	s6 =	simm.s32 $0x0;
	s2 =	smov.u32 @p2 s4;
	s3 =	spop (v2sf)  }
0x146: {  	s0 =	smov.u32 @p2 s5;
	p1 =	sne.s32 s2, $0xFFFFFFFF;
	s4 =	smov.u32 s3  }
.Ltmp19:
0x147: {  	p2 =	seq.s32 s3, $0xFFFFFFFF;
	s4 =	smov.u32 @p1 s2;
	(pc) =	sbr.rel .LBB2_26-.Ltmp19, $4  }
0x148: {  	s10 =	simm.s32 $0xF188;
	s4 =	smov.u32 @p2 s2;
	s7 =	spop (v2sf)  }
0x149: {  	s11 =	simm.s32 $0x0;
	p1 =	sne.s32 s4, $0xFFFFFFFF;
	s8 =	smov.u32 s7  }
0x14a: {  	s3 =	smov.u32 @p2 s0;
	p2 =	seq.s32 s7, $0xFFFFFFFF;
	s8 =	smov.u32 @p1 s4  }
0x14b: {  	[sflag:s9] =	ssyncpa.u1 $0x0;
	s7 =	smov.u32 @p2 s3;
	s8 =	smov.u32 @p2 s4  }
.LBB2_32:
0x14c: {  	p1 =	sgt.u32 s12, $0x270F0  }
0x14d: {  	p2 =	seq.s32 @!p1 s12, s8  }
0x14e: {  	p1 =	por p1, p2  }
0x14f: {  	p2 =	sne.s32 @!p1 s12, s7  }
0x150: {  	p1 =	por p1, !p2  }
0x151: {  	s0 =	sshll.u32 @p1 s11, $0x9  }
0x152: {  	s0 =	sand.u32 @!p1 $0x3FFF8, s12  }
0x153: {  	s2 =	sand.u32 @!p1 $0x7, s12;
	s0 =	sadd.s32 @!p1 s1, s0  }
0x154: {  	[tilespmem:s10], [sflag:$0x6] =	stream.linear.gather @!p1 [hbm4b:s0+s2], $0x80, $0x38;
	[tilespmem:$0x1F6F8] =	vst v63  }
0x155: {  	_ =	swait.ge @!p1 [sflag:s9], $0x80  }
0x156: {  	[sflag:s9] =	ssyncset.done @!p1 $0x0  }
0x157: {  	[sflag:s9] =	ssyncadd.s32 @!p1 $0xFFFFFF80  }
0x158: {  	v1 =	vld @!p1 [tilespmem:$0xF188];
	_ =	sdelay $0x2  }
0x159: {  	s0 =	sshll.u32 @!p1 s11, $0x9  }
0x15a: {  	s2 =	sshrl.u32 @!p1 s0, $0x2  }
0x15b: {  	[tilespmem:s2+$0xF238] =	vst.add.f32.msk @!p1 $0xffff, v1  }
0x15c: {  	v1 =	vld @!p1 [tilespmem:$0xF198];
	_ =	sdelay $0x4  }
0x15d: {  	[tilespmem:s2+$0xF248] =	vst.add.f32.msk @!p1 $0xffff, v1  }
0x15e: {  	v1 =	vld @!p1 [tilespmem:$0xF1A8];
	_ =	sdelay $0x4  }
0x15f: {  	[tilespmem:s2+$0xF258] =	vst.add.f32.msk @!p1 $0xffff, v1  }
0x160: {  	v1 =	vld @!p1 [tilespmem:$0xF1B8];
	_ =	sdelay $0x4  }
0x161: {  	[tilespmem:s2+$0xF268] =	vst.add.f32.msk @!p1 $0xffff, v1  }
0x162: {  	v1 =	vld @!p1 [tilespmem:$0xF1C8];
	_ =	sdelay $0x4  }
0x163: {  	[tilespmem:s2+$0xF278] =	vst.add.f32.msk @!p1 $0xffff, v1  }
0x164: {  	v1 =	vld @!p1 [tilespmem:$0xF1D8];
	_ =	sdelay $0x4  }
0x165: {  	[tilespmem:s2+$0xF288] =	vst.add.f32.msk @!p1 $0xffff, v1  }
0x166: {  	v1 =	vld @!p1 [tilespmem:$0xF1E8];
	_ =	sdelay $0x4  }
0x167: {  	[tilespmem:s2+$0xF298] =	vst.add.f32.msk @!p1 $0xffff, v1  }
0x168: {  	v1 =	vld @!p1 [tilespmem:$0xF1F8];
	_ =	sdelay $0x4  }
0x169: {  	[tilespmem:s2+$0xF2A8] =	vst.add.f32.msk @!p1 $0xffff, v1  }
0x16a: {  	s0 =	sshrl.u32 s0, $0x2;
	[tilespmem:s6+$0xF218] =	vst.msk $0x1, v0  }
0x16b: {  	v0 =	vld [tilespmem:s0+$0xF238];
	_ =	sdelay $0x2  }
0x16c: {  	s31 =	sshll.u32 s6, $0x9  }
0x16d: {  	s2 =	sshra.s32 s31, $0x2  }
0x16e: {  	[tilespmem:s2+$0xF238] =	vst v0  }
0x16f: {  	v0 =	vld [tilespmem:s0+$0xF248];
	_ =	sdelay $0x4  }
0x170: {  	[tilespmem:s2+$0xF248] =	vst v0  }
0x171: {  	v0 =	vld [tilespmem:s0+$0xF258];
	_ =	sdelay $0x4  }
0x172: {  	[tilespmem:s2+$0xF258] =	vst v0  }
0x173: {  	v0 =	vld [tilespmem:s0+$0xF268];
	_ =	sdelay $0x4  }
0x174: {  	[tilespmem:s2+$0xF268] =	vst v0  }
0x175: {  	v0 =	vld [tilespmem:s0+$0xF278];
	_ =	sdelay $0x4  }
0x176: {  	[tilespmem:s2+$0xF278] =	vst v0  }
0x177: {  	v0 =	vld [tilespmem:s0+$0xF288];
	_ =	sdelay $0x4  }
0x178: {  	[tilespmem:s2+$0xF288] =	vst v0  }
0x179: {  	v0 =	vld [tilespmem:s0+$0xF298];
	_ =	sdelay $0x4  }
0x17a: {  	[tilespmem:s2+$0xF298] =	vst v0  }
0x17b: {  	v0 =	vld [tilespmem:s0+$0xF2A8];
	_ =	sdelay $0x4  }
0x17c: {  	s6 =	sadd.s32 $0x1, s6;
	[tilespmem:s2+$0xF2A8] =	vst v0  }
.LBB2_33:
0x17d: {  	s11 =	sadd.s32 $0x1, s11  }
0x17e: {  	p1 =	sne.s32 s11, $0x20  }
.Ltmp20:
0x17f: {  	_ = 	snop;
	(pc) =	sbr.rel @!p1 .LBB2_34-.Ltmp20, $1  }
0x180: {  	_ =	sdelay $0x3  }
.LBB2_26:
0x181: {  	v0 =	vld.msk [tilespmem:s11+$0xF218], $0x1;
	_ =	sdelay $0x4  }
0x182: {  	(v2sf) =	vpush v0, $0x0;
	_ =	sdelay $0xe  }
0x183: {  	s12 =	spop (v2sf)  }
0x184: {  	p1 =	seq.s32 s12, $0xFFFFFFFF  }
.Ltmp21:
0x185: {  	_ = 	snop;
	(pc) =	sbr.rel @p1 .LBB2_33-.Ltmp21, $1  }
0x186: {  	_ =	sdelay $0x3  }
0x187: {  	p1 =	slt.s32 s6, $0x1  }
.Ltmp22:
0x188: {  	_ = 	snop;
	(pc) =	sbr.rel @p1 .LBB2_32-.Ltmp22, $1  }
0x189: {  	_ =	sdelay $0x3  }
0x18a: {  	s13 =	simm.s32 $0xF218;
	p1 =	por $0x0, $0x0  }
0x18b: {  	v1 =	vld.msk @!p1 [tilespmem:s13+$0x0], $0x1;
	_ =	sdelay $0x4  }
0x18c: {  	(v2sf) =	vpush @!p1 v1, $0x0;
	_ =	sdelay $0xd  }
0x18d: {  	p3 =	sne.s32 s6, $0x1  }
.Ltmp23:
0x18e: {  	s0 =	spop @!p1 (v2sf);
	(pc) =	sbr.rel @!p3 .LBB2_30-.Ltmp23, $4  }
0x18f: {  	p2 =	seq.s32 @!p1 s12, s0  }
0x190: {  	s14 =	simm.s32 $0x0;
	p2 =	por !p2, p1  }
0x191: {  	s2 =	simm.s32 $0xFFFFFFFF;
	s14 =	simm.s32 @p2 $0xFFFFFFFF  }
0x192: {  	s0 =	simm.s32 $0x1;
	s14 =	smov.u32 @p1 s2  }
.LBB2_29:
0x193: {  	s2 =	smov.u32 s14;
	p1 =	sne.s32 s14, $0xFFFFFFFF  }
0x194: {  	s13 =	sadd.s32 $0x1, s13;
	s14 =	smov.u32 s0;
	s0 =	sadd.s32 $0x1, s0  }
0x195: {  	p2 =	sne.s32 s6, s0;
	v1 =	vld.msk @!p1 [tilespmem:s13+$0x0], $0x1;
	_ =	sdelay $0x4  }
0x196: {  	(v2sf) =	vpush @!p1 v1, $0x0;
	_ =	sdelay $0xe  }
.Ltmp24:
0x197: {  	s3 =	spop @!p1 (v2sf);
	(pc) =	sbr.rel @p2 .LBB2_29-.Ltmp24, $4  }
0x198: {  	p3 =	seq.s32 @!p1 s12, s3  }
0x199: {  	p3 =	por !p3, p1  }
0x19a: {  	s14 =	simm.s32 @p3 $0xFFFFFFFF  }
0x19b: {  	s14 =	smov.u32 @p1 s2  }
.LBB2_30:
0x19c: {  	p1 =	seq.s32 s14, $0xFFFFFFFF  }
.Ltmp25:
0x19d: {  	_ = 	snop;
	(pc) =	sbr.rel @p1 .LBB2_32-.Ltmp25, $1  }
0x19e: {  	_ =	sdelay $0x3  }
0x19f: {  	s0 =	sshll.u32 s11, $0x7  }
0x1a0: {  	s0 =	sand.u32 $0x3FFFFF80, s0  }
0x1a1: {  	v0 =	vld [tilespmem:s0+$0xF238];
	_ =	sdelay $0x2  }
0x1a2: {  	s2 =	sshll.u32 s14, $0x9  }
0x1a3: {  	s2 =	sshra.s32 s2, $0x2  }
0x1a4: {  	[tilespmem:s2+$0xF238] =	vst.add.f32.msk $0xffff, v0  }
0x1a5: {  	v0 =	vld [tilespmem:s0+$0xF248];
	_ =	sdelay $0x4  }
0x1a6: {  	[tilespmem:s2+$0xF248] =	vst.add.f32.msk $0xffff, v0  }
0x1a7: {  	v0 =	vld [tilespmem:s0+$0xF258];
	_ =	sdelay $0x4  }
0x1a8: {  	[tilespmem:s2+$0xF258] =	vst.add.f32.msk $0xffff, v0  }
0x1a9: {  	v0 =	vld [tilespmem:s0+$0xF268];
	_ =	sdelay $0x4  }
0x1aa: {  	[tilespmem:s2+$0xF268] =	vst.add.f32.msk $0xffff, v0  }
0x1ab: {  	v0 =	vld [tilespmem:s0+$0xF278];
	_ =	sdelay $0x4  }
0x1ac: {  	[tilespmem:s2+$0xF278] =	vst.add.f32.msk $0xffff, v0  }
0x1ad: {  	v0 =	vld [tilespmem:s0+$0xF288];
	_ =	sdelay $0x4  }
0x1ae: {  	[tilespmem:s2+$0xF288] =	vst.add.f32.msk $0xffff, v0  }
0x1af: {  	v0 =	vld [tilespmem:s0+$0xF298];
	_ =	sdelay $0x4  }
0x1b0: {  	[tilespmem:s2+$0xF298] =	vst.add.f32.msk $0xffff, v0  }
0x1b1: {  	v0 =	vld [tilespmem:s0+$0xF2A8]  }
.Ltmp26:
0x1b2: {  	_ = 	snop;
	(pc) =	sbr.rel .LBB2_33-.Ltmp26, $2  }
0x1b3: {  	_ =	sdelay $0x2  }
0x1b4: {  	[tilespmem:s2+$0xF2A8] =	vst.add.f32.msk $0xffff, v0  }
.LBB2_34:
0x1b5: {  	s0 =	simm.s32 $0x6;
	p1 =	seq.s32 s6, $0x0  }
0x1b6: {  	[sflag:s0] =	ssyncpa.u1 $0x1;
	v0 =	vimm.s32 @p1 $0xFFFFFFFF  }
0x1b7: {  	s9 =	sadd.s32 $0xFFFFFFFF, s6;
	[tilespmem:$0x10238] =	vst @p1 v0  }
0x1b8: {  	v0 =	vld.msk @!p1 [tilespmem:s9+$0xF218], $0x1;
	_ =	sdelay $0x1  }
0x1b9: {  	v1 =	vld.msk @!p1 [tilespmem:$0xF218], $0x1;
	_ =	sdelay $0x2  }
0x1ba: {  	p2 =	seq.s32 @!p1 s9, $0x0;
	v0 =	vbroadcast @!p1 v0, $0x0  }
0x1bb: {  	vm0 =	vmmov @!p1 $0x1;
	p2 =	por !p2, p1  }
0x1bc: {  	v1 =	vnsel @!p1 vm0, $0xFFFFFFFF, v1;
	vm0 =	vcmask @!p1 $0x308;
	v0 =	vpsel !p2, $0xFFFFFFFF, v0  }
0x1bd: {  	p2 =	sne.s32 @!p1 s8, s7;
	v0 =	vsel @!p1 vm0, v1, v0  }
0x1be: {  	s0 =	simm.s32 @!p1 $0xF238;
	s2 =	simm.s32 @!p1 $0x0;
	p3 =	por !p2, p1;
	[tilespmem:$0x10238] =	vst @!p1 v0  }
0x1bf: {  	[spmem:s2] =	stream.linear.scatter @!p1 [tilespmem:s0], [sflag:$0x1], $0x80, $0x38;
	[tilespmem:$0x1F6F8] =	vst v63  }
0x1c0: {  	s0 =	sshll.u32 @!p3 s9, $0x9  }
0x1c1: {  	s0 =	sshra.s32 @!p3 s0, $0x2  }
0x1c2: {  	s2 =	simm.s32 @!p3 $0x80;
	s0 =	sadd.s32 @!p3 $0xF238, s0  }
0x1c3: {  	[spmem:s2] =	stream.linear.scatter @!p3 [tilespmem:s0], [sflag:$0x1], $0x80, $0x38;
	[tilespmem:$0x1F6F8] =	vst v63  }
0x1c4: {  	s0 =	simm.s32 @!p3 $0x1  }
0x1c5: {  	_ =	swait.ge @!p3 [sflag:s0], $0x100  }
0x1c6: {  	p1 =	por p2, p1;
	[sflag:s0] =	ssyncset.done @!p3 $0x0  }
0x1c7: {  	[sflag:s0] =	ssyncadd.s32 @!p3 $0xFFFFFF00;
	s0 =	simm.s32 @!p1 $0x1  }
0x1c8: {  	_ =	swait.ge @!p1 [sflag:s0], $0x80  }
0x1c9: {  	s29 =	simm.s32 $0x10238;
	[sflag:s0] =	ssyncset.done @!p1 $0x0  }
0x1ca: {  	s30 =	simm.s32 $0x1000;
	s31 =	simm.s32 $0x1;
	[sflag:s0] =	ssyncadd.s32 @!p1 $0xFFFFFF80  }
0x1cb: {  	[spmem:s30] =	stream.linear.scatter [tilespmem:s29], [sflag:$0x1], $0x10, $0x38;
	[tilespmem:$0x1F6F8] =	vst v63  }
0x1cc: {  	_ =	swait.ge [sflag:s31], $0x10  }
0x1cd: {  	[sflag:s31] =	ssyncset.done $0x0  }
0x1ce: {  	p1 =	seq.s32 s15, $0x0;
	s8 =	rddreg [dreg:$0x1];
	[sflag:s31] =	ssyncadd.s32 $0xFFFFFFF0  }
0x1cf: {  	s2 =	sshll.u32 @p1 s8, $0xE;
	s7 =	rddreg [dreg:$0x2]  }
0x1d0: {  	s0 =	sadd.s32 @p1 $0x15C3C, s2;
	s2 =	sshll.u32 @p1 s7, $0x11  }
0x1d1: {  	_ =	sfence.stream.spmem;
	s0 =	sor.u32 @p1 s2, s0  }
0x1d2: {  	[sflag:s0] =	ssyncadd.remote.s32 @p1 $0x1;
	s0 =	simm.s32 @p1 $0x4  }
0x1d3: {  	s3 =	simm.s32 @!p1 $0x3C;
	s2 =	sand.u32 $0xFFFFFFFE, s8;
	_ =	swait.ge @p1 [sflag:s0], $0x22  }
0x1d4: {  	s4 =	simm.s32 @!p1 $0x0;
	s2 =	sadd.s32 @!p1 $0x4, s2;
	[sflag:s0] =	ssyncset.done @p1 $0x0  }
0x1d5: {  	s5 =	simm.s32 @!p1 $0x100;
	[sflag:s0] =	ssyncadd.s32 @p1 $0xFFFFFFDE;
	s0 =	sshll.u32 @!p1 s2, $0x1A  }
0x1d6: {  	s2 =	sshll.u32 @!p1 s2, $0xD;
	s0 =	sor.u32 @!p1 s0, s7;
	_ =	swait.eq @!p1 [sflag:s3], $0x1  }
0x1d7: {  	s2 =	sor.u32 @!p1 $0x1C04, s2;
	s3 =	simm.s32 @!p1 $0x1C03;
	s0 =	sor.u32 @!p1 $0x80004000, s0  }
0x1d8: {  	[spmem:s5], [sflag:s2] =	dma.general @!p1 [spmem:s4], [sflag:s3], length:$0x20, [dreg:$0x0], stride_count:$0x0, ici_dest:s0, dma_misc:DstOpCode:WRITE  }
0x1d9: {  	p2 =	slt.s32 s9, $0x2;
	s4 =	simm.s32 @!p1 $0x200;
	s5 =	simm.s32 @!p1 $0x202  }
0x1da: {  	[spmem:s5], [sflag:s2] =	dma.general @!p1 [spmem:s4], [sflag:s3], length:$0x2, [dreg:$0x0], stride_count:$0x0, ici_dest:s0, dma_misc:DstOpCode:WRITE  }
.Ltmp27:
0x1db: {  	s0 =	simm.s32 @!p1 $0x3;
	(pc) =	sbr.rel @p2 .LBB2_38-.Ltmp27, $4  }
0x1dc: {  	s2 =	sshll.u32 @!p1 s8, $0xE;
	_ =	swait.ge @!p1 [sflag:s0], $0x22  }
0x1dd: {  	s3 =	sshll.u32 @!p1 s7, $0x11;
	s2 =	sadd.s32 @!p1 $0x11C3C, s2;
	[sflag:s0] =	ssyncset.done @!p1 $0x0  }
0x1de: {  	[sflag:s0] =	ssyncadd.s32 @!p1 $0xFFFFFFDE;
	s0 =	sor.u32 @!p1 s3, s2  }
0x1df: {  	[sflag:s0] =	ssyncadd.remote.s32 @!p1 $0xFFFFFFFF;
	s0 =	simm.s32 $0x0  }
0x1e0: {  	s0 =	simm.s32 $0xF219  }
0x1e1: {  	v0 =	vld.msk [tilespmem:s0+$0x0], $0x1;
	_ =	sdelay $0x4  }
0x1e2: {  	(v2sf) =	vpush v0, $0x0;
	_ =	sdelay $0xb  }
0x1e3: {  	s31 =	sadd.s32 $0xFFFFFFFE, s6  }
0x1e4: {  	s0 =	sadd.s32 $0xFFFFFFFF, s31  }
0x1e5: {  	p2 =	sne.s32 s0, $0x0  }
.Ltmp28:
0x1e6: {  	s2 =	spop (v2sf);
	(pc) =	sbr.rel @!p2 .LBB2_37-.Ltmp28, $4  }
0x1e7: {  	s4 =	simm.s32 $0xF2B8;
	s7 =	simm.s32 $0x0;
	p1 =	sgt.u32 s2, $0x270F0  }
0x1e8: {  	s5 =	simm.s32 $0x0;
	s6 =	simm.s32 $0xF21A;
	s3 =	sand.u32 @!p1 $0x3FFF8, s2  }
0x1e9: {  	s2 =	sand.u32 @!p1 $0x7, s2;
	s7 =	simm.s32 @!p1 $0x200;
	s3 =	sadd.s32 @!p1 s1, s3  }
0x1ea: {  	[hbm4b:s3+s2] =	stream.linear.scatter @!p1 [tilespmem:s4], [sflag:$0x5], $0x80, $0x38;
	[tilespmem:$0x1F6F8] =	vst v63  }
.LBB2_36:
0x1eb: {  	v0 =	vld.msk [tilespmem:s6+$0x0], $0x1;
	s0 =	sadd.s32 $0xFFFFFFFF, s0;
	s5 =	sadd.s32 s5, s7  }
0x1ec: {  	p1 =	sne.s32 s0, $0x0;
	_ =	sdelay $0x3  }
0x1ed: {  	(v2sf) =	vpush v0, $0x0;
	_ =	sdelay $0xe  }
.Ltmp29:
0x1ee: {  	s2 =	spop (v2sf);
	(pc) =	sbr.rel @p1 .LBB2_36-.Ltmp29, $4  }
0x1ef: {  	s7 =	simm.s32 $0x0;
	p2 =	sgt.u32 s2, $0x270F0  }
0x1f0: {  	s4 =	sadd.s32 $0x80, s4;
	s7 =	simm.s32 @!p2 $0x200;
	s3 =	sand.u32 @!p2 $0x3FFF8, s2  }
0x1f1: {  	s6 =	sadd.s32 $0x1, s6;
	s2 =	sand.u32 @!p2 $0x7, s2;
	s3 =	sadd.s32 @!p2 s1, s3  }
0x1f2: {  	[hbm4b:s3+s2] =	stream.linear.scatter @!p2 [tilespmem:s4], [sflag:$0x5], $0x80, $0x38;
	[tilespmem:$0x1F6F8] =	vst v63  }
.LBB2_37:
0x1f3: {  	s0 =	sadd.s32 s5, s7  }
0x1f4: {  	s0 =	sshrl.u32 s0, $0x2  }
.LBB2_38:
0x1f5: {  	s2 =	simm.s32 $0x5  }
0x1f6: {  	_ =	swait.ge [sflag:s2], s0  }
0x1f7: {  	s31 =	ssub.s32 $0x0, s0;
	[sflag:s2] =	ssyncset.done $0x0  }
0x1f8: {  	[sflag:s2] =	ssyncadd.s32 s31  }
0x1f9: {  	[sflag:s2] =	ssyncpa.u1 $0x1  }
.LBB2_39:
0x1fa: {  	s0 =	sor.u32 s15, s16  }
0x1fb: {  	p1 =	sne.s32 s0, $0x0  }
.Ltmp30:
0x1fc: {  	_ = 	snop;
	(pc) =	sbr.rel @p1 .LBB2_54-.Ltmp30, $3  }
0x1fd: {  	_ =	sdelay $0x1  }
0x1fe: {  	[bflag:$0x0] =	sbarrier.arrive $0xFFFF  }
0x1ff: {  	_ =	sfence  }
0x200: {  	s0 =	simm.s32 $0x7  }
0x201: {  	s2 =	simm.s32 $0x1000;
	s3 =	simm.s32 $0xF218;
	[sflag:s0] =	ssyncpa.u1 $0x0  }
0x202: {  	[tilespmem:s3], [sflag:$0x7] =	stream.linear.gather [spmem:s2], $0x20, $0x38;
	[tilespmem:$0x1F6F8] =	vst v63  }
0x203: {  	s30 =	simm.s32 $0xF238;
	s2 =	simm.s32 $0x0  }
0x204: {  	[tilespmem:s30], [sflag:$0x7] =	stream.linear.gather [spmem:s2], $0x1000, $0x38;
	[tilespmem:$0x1F6F8] =	vst v63  }
.Ltmp31:
0x205: {  	_ = 	snop;
	(pc) =	sbr.rel .LBB2_41-.Ltmp31, $4  }
0x206: {  	_ =	swait.ge [sflag:s0], $0x1020  }
0x207: {  	[sflag:s0] =	ssyncset.done $0x0  }
0x208: {  	s31 =	simm.s32 $0x8;
	[sflag:s0] =	ssyncadd.s32 $0xFFFFEFE0  }
0x209: {  	s3 =	simm.s32 $0x0;
	[sflag:s31] =	ssyncpa.u1 $0x0  }
.LBB2_47:
0x20a: {  	p1 =	slt.u32 s4, $0x270F1  }
0x20b: {  	s0 =	sand.u32 @p1 $0x3FFF8, s4  }
0x20c: {  	s4 =	sand.u32 @p1 $0x7, s4;
	s5 =	simm.s32 @p1 $0xF188;
	s0 =	sadd.s32 @p1 s1, s0  }
0x20d: {  	[tilespmem:s5], [sflag:$0x8] =	stream.linear.gather @p1 [hbm4b:s0+s4], $0x80, $0x38;
	[tilespmem:$0x1F6F8] =	vst v63  }
0x20e: {  	s0 =	simm.s32 @p1 $0x8  }
0x20f: {  	_ =	swait.ge @p1 [sflag:s0], $0x80  }
0x210: {  	[sflag:s0] =	ssyncset.done @p1 $0x0  }
0x211: {  	[sflag:s0] =	ssyncadd.s32 @p1 $0xFFFFFF80  }
0x212: {  	v1 =	vld @p1 [tilespmem:$0xF188];
	_ =	sdelay $0x2  }
0x213: {  	s0 =	sshll.u32 @p1 s3, $0x9  }
0x214: {  	s4 =	sshrl.u32 @p1 s0, $0x2  }
0x215: {  	[tilespmem:s4+$0xF238] =	vst.add.f32.msk @p1 $0xffff, v1  }
0x216: {  	v1 =	vld @p1 [tilespmem:$0xF198];
	_ =	sdelay $0x4  }
0x217: {  	[tilespmem:s4+$0xF248] =	vst.add.f32.msk @p1 $0xffff, v1  }
0x218: {  	v1 =	vld @p1 [tilespmem:$0xF1A8];
	_ =	sdelay $0x4  }
0x219: {  	[tilespmem:s4+$0xF258] =	vst.add.f32.msk @p1 $0xffff, v1  }
0x21a: {  	v1 =	vld @p1 [tilespmem:$0xF1B8];
	_ =	sdelay $0x4  }
0x21b: {  	[tilespmem:s4+$0xF268] =	vst.add.f32.msk @p1 $0xffff, v1  }
0x21c: {  	v1 =	vld @p1 [tilespmem:$0xF1C8];
	_ =	sdelay $0x4  }
0x21d: {  	[tilespmem:s4+$0xF278] =	vst.add.f32.msk @p1 $0xffff, v1  }
0x21e: {  	v1 =	vld @p1 [tilespmem:$0xF1D8];
	_ =	sdelay $0x4  }
0x21f: {  	[tilespmem:s4+$0xF288] =	vst.add.f32.msk @p1 $0xffff, v1  }
0x220: {  	v1 =	vld @p1 [tilespmem:$0xF1E8];
	_ =	sdelay $0x4  }
0x221: {  	[tilespmem:s4+$0xF298] =	vst.add.f32.msk @p1 $0xffff, v1  }
0x222: {  	v1 =	vld @p1 [tilespmem:$0xF1F8];
	_ =	sdelay $0x3  }
0x223: {  	s5 =	sshll.u32 @!p1 s3, $0x9  }
0x224: {  	s5 =	smov.u32 @p1 s0;
	[tilespmem:s4+$0xF2A8] =	vst.add.f32.msk @p1 $0xffff, v1  }
0x225: {  	s0 =	sshrl.u32 s5, $0x2;
	[tilespmem:s2+$0xF218] =	vst.msk $0x1, v0  }
0x226: {  	v0 =	vld [tilespmem:s0+$0xF238];
	_ =	sdelay $0x2  }
0x227: {  	s31 =	sshll.u32 s2, $0x9  }
0x228: {  	s4 =	sshra.s32 s31, $0x2  }
0x229: {  	[tilespmem:s4+$0xF238] =	vst v0  }
0x22a: {  	v0 =	vld [tilespmem:s0+$0xF248];
	_ =	sdelay $0x4  }
0x22b: {  	[tilespmem:s4+$0xF248] =	vst v0  }
0x22c: {  	v0 =	vld [tilespmem:s0+$0xF258];
	_ =	sdelay $0x4  }
0x22d: {  	[tilespmem:s4+$0xF258] =	vst v0  }
0x22e: {  	v0 =	vld [tilespmem:s0+$0xF268];
	_ =	sdelay $0x4  }
0x22f: {  	[tilespmem:s4+$0xF268] =	vst v0  }
0x230: {  	v0 =	vld [tilespmem:s0+$0xF278];
	_ =	sdelay $0x4  }
0x231: {  	[tilespmem:s4+$0xF278] =	vst v0  }
0x232: {  	v0 =	vld [tilespmem:s0+$0xF288];
	_ =	sdelay $0x4  }
0x233: {  	[tilespmem:s4+$0xF288] =	vst v0  }
0x234: {  	v0 =	vld [tilespmem:s0+$0xF298];
	_ =	sdelay $0x4  }
0x235: {  	[tilespmem:s4+$0xF298] =	vst v0  }
0x236: {  	v0 =	vld [tilespmem:s0+$0xF2A8];
	_ =	sdelay $0x4  }
0x237: {  	s2 =	sadd.s32 $0x1, s2;
	[tilespmem:s4+$0xF2A8] =	vst v0  }
.LBB2_48:
0x238: {  	s3 =	sadd.s32 $0x1, s3  }
0x239: {  	p1 =	sne.s32 s3, $0x20  }
.Ltmp32:
0x23a: {  	_ = 	snop;
	(pc) =	sbr.rel @!p1 .LBB2_49-.Ltmp32, $1  }
0x23b: {  	_ =	sdelay $0x3  }
.LBB2_41:
0x23c: {  	v0 =	vld.msk [tilespmem:s3+$0xF218], $0x1;
	_ =	sdelay $0x4  }
0x23d: {  	(v2sf) =	vpush v0, $0x0;
	_ =	sdelay $0xe  }
0x23e: {  	s4 =	spop (v2sf)  }
0x23f: {  	p1 =	seq.s32 s4, $0xFFFFFFFF  }
.Ltmp33:
0x240: {  	_ = 	snop;
	(pc) =	sbr.rel @p1 .LBB2_48-.Ltmp33, $1  }
0x241: {  	_ =	sdelay $0x3  }
0x242: {  	p1 =	slt.s32 s2, $0x1  }
.Ltmp34:
0x243: {  	_ = 	snop;
	(pc) =	sbr.rel @p1 .LBB2_47-.Ltmp34, $1  }
0x244: {  	_ =	sdelay $0x3  }
0x245: {  	s5 =	simm.s32 $0xF218;
	p1 =	por $0x0, $0x0  }
0x246: {  	v1 =	vld.msk @!p1 [tilespmem:s5+$0x0], $0x1;
	_ =	sdelay $0x4  }
0x247: {  	(v2sf) =	vpush @!p1 v1, $0x0;
	_ =	sdelay $0xd  }
0x248: {  	p3 =	sne.s32 s2, $0x1  }
.Ltmp35:
0x249: {  	s0 =	spop @!p1 (v2sf);
	(pc) =	sbr.rel @!p3 .LBB2_45-.Ltmp35, $4  }
0x24a: {  	p2 =	seq.s32 @!p1 s4, s0  }
0x24b: {  	s6 =	simm.s32 $0x0;
	p2 =	por !p2, p1  }
0x24c: {  	s7 =	simm.s32 $0xFFFFFFFF;
	s6 =	simm.s32 @p2 $0xFFFFFFFF  }
0x24d: {  	s0 =	simm.s32 $0x1;
	s6 =	smov.u32 @p1 s7  }
.LBB2_44:
0x24e: {  	s7 =	smov.u32 s6;
	p1 =	sne.s32 s6, $0xFFFFFFFF  }
0x24f: {  	s5 =	sadd.s32 $0x1, s5;
	s6 =	smov.u32 s0;
	s0 =	sadd.s32 $0x1, s0  }
0x250: {  	p2 =	sne.s32 s2, s0;
	v1 =	vld.msk @!p1 [tilespmem:s5+$0x0], $0x1;
	_ =	sdelay $0x4  }
0x251: {  	(v2sf) =	vpush @!p1 v1, $0x0;
	_ =	sdelay $0xe  }
.Ltmp36:
0x252: {  	s8 =	spop @!p1 (v2sf);
	(pc) =	sbr.rel @p2 .LBB2_44-.Ltmp36, $4  }
0x253: {  	p3 =	seq.s32 @!p1 s4, s8  }
0x254: {  	p3 =	por !p3, p1  }
0x255: {  	s6 =	simm.s32 @p3 $0xFFFFFFFF  }
0x256: {  	s6 =	smov.u32 @p1 s7  }
.LBB2_45:
0x257: {  	p1 =	seq.s32 s6, $0xFFFFFFFF  }
.Ltmp37:
0x258: {  	_ = 	snop;
	(pc) =	sbr.rel @p1 .LBB2_47-.Ltmp37, $1  }
0x259: {  	_ =	sdelay $0x3  }
0x25a: {  	s0 =	sshll.u32 s3, $0x7  }
0x25b: {  	s0 =	sand.u32 $0x3FFFFF80, s0  }
0x25c: {  	v0 =	vld [tilespmem:s0+$0xF238];
	_ =	sdelay $0x2  }
0x25d: {  	s4 =	sshll.u32 s6, $0x9  }
0x25e: {  	s4 =	sshra.s32 s4, $0x2  }
0x25f: {  	[tilespmem:s4+$0xF238] =	vst.add.f32.msk $0xffff, v0  }
0x260: {  	v0 =	vld [tilespmem:s0+$0xF248];
	_ =	sdelay $0x4  }
0x261: {  	[tilespmem:s4+$0xF248] =	vst.add.f32.msk $0xffff, v0  }
0x262: {  	v0 =	vld [tilespmem:s0+$0xF258];
	_ =	sdelay $0x4  }
0x263: {  	[tilespmem:s4+$0xF258] =	vst.add.f32.msk $0xffff, v0  }
0x264: {  	v0 =	vld [tilespmem:s0+$0xF268];
	_ =	sdelay $0x4  }
0x265: {  	[tilespmem:s4+$0xF268] =	vst.add.f32.msk $0xffff, v0  }
0x266: {  	v0 =	vld [tilespmem:s0+$0xF278];
	_ =	sdelay $0x4  }
0x267: {  	[tilespmem:s4+$0xF278] =	vst.add.f32.msk $0xffff, v0  }
0x268: {  	v0 =	vld [tilespmem:s0+$0xF288];
	_ =	sdelay $0x4  }
0x269: {  	[tilespmem:s4+$0xF288] =	vst.add.f32.msk $0xffff, v0  }
0x26a: {  	v0 =	vld [tilespmem:s0+$0xF298];
	_ =	sdelay $0x4  }
0x26b: {  	[tilespmem:s4+$0xF298] =	vst.add.f32.msk $0xffff, v0  }
0x26c: {  	v0 =	vld [tilespmem:s0+$0xF2A8]  }
.Ltmp38:
0x26d: {  	_ = 	snop;
	(pc) =	sbr.rel .LBB2_48-.Ltmp38, $2  }
0x26e: {  	_ =	sdelay $0x2  }
0x26f: {  	[tilespmem:s4+$0xF2A8] =	vst.add.f32.msk $0xffff, v0  }
.LBB2_49:
0x270: {  	p1 =	slt.s32 s2, $0x1  }
.Ltmp39:
0x271: {  	_ = 	snop;
	(pc) =	sbr.rel @p1 .LBB2_53-.Ltmp39, $3  }
0x272: {  	_ =	sdelay $0x1  }
0x273: {  	s0 =	simm.s32 $0x8  }
0x274: {  	s3 =	simm.s32 $0x0;
	[sflag:s0] =	ssyncpa.u1 $0x1  }
0x275: {  	s0 =	simm.s32 $0xF218  }
0x276: {  	v0 =	vld.msk [tilespmem:s0+$0x0], $0x1;
	_ =	sdelay $0x4  }
0x277: {  	(v2sf) =	vpush v0, $0x0;
	_ =	sdelay $0xe  }
0x278: {  	s0 =	sadd.s32 $0xFFFFFFFF, s2;
	s5 =	spop (v2sf)  }
0x279: {  	p2 =	sne.s32 s0, $0x0;
	p1 =	sgt.u32 s5, $0x270F0  }
.Ltmp40:
0x27a: {  	s6 =	sand.u32 @!p1 $0x3FFF8, s5;
	(pc) =	sbr.rel @!p2 .LBB2_52-.Ltmp40, $4  }
0x27b: {  	s4 =	simm.s32 $0xF238;
	s5 =	sand.u32 @!p1 $0x7, s5;
	s2 =	sadd.s32 @!p1 s1, s6  }
0x27c: {  	[hbm4b:s2+s5] =	stream.linear.scatter @!p1 [tilespmem:s4], [sflag:$0x7], $0x80, $0x38;
	[tilespmem:$0x1F6F8] =	vst v63  }
0x27d: {  	s5 =	simm.s32 $0x0  }
0x27e: {  	s2 =	simm.s32 $0xF219;
	s5 =	simm.s32 @!p1 $0x200  }
.LBB2_51:
0x27f: {  	v0 =	vld.msk [tilespmem:s2+$0x0], $0x1;
	s0 =	sadd.s32 $0xFFFFFFFF, s0;
	s3 =	sadd.s32 s3, s5  }
0x280: {  	p1 =	sne.s32 s0, $0x0;
	_ =	sdelay $0x3  }
0x281: {  	(v2sf) =	vpush v0, $0x0;
	_ =	sdelay $0xe  }
.Ltmp41:
0x282: {  	s6 =	spop (v2sf);
	(pc) =	sbr.rel @p1 .LBB2_51-.Ltmp41, $4  }
0x283: {  	s5 =	simm.s32 $0x0;
	p2 =	sgt.u32 s6, $0x270F0  }
0x284: {  	s4 =	sadd.s32 $0x80, s4;
	s5 =	simm.s32 @!p2 $0x200;
	s7 =	sand.u32 @!p2 $0x3FFF8, s6  }
0x285: {  	s2 =	sadd.s32 $0x1, s2;
	s6 =	sand.u32 @!p2 $0x7, s6;
	s7 =	sadd.s32 @!p2 s1, s7  }
0x286: {  	[hbm4b:s7+s6] =	stream.linear.scatter @!p2 [tilespmem:s4], [sflag:$0x7], $0x80, $0x38;
	[tilespmem:$0x1F6F8] =	vst v63  }
.LBB2_52:
0x287: {  	s0 =	sadd.s32 s3, s5  }
0x288: {  	s3 =	sshrl.u32 s0, $0x2  }
.LBB2_53:
0x289: {  	s0 =	simm.s32 $0x7  }
0x28a: {  	_ =	swait.ge [sflag:s0], s3  }
0x28b: {  	s1 =	ssub.s32 $0x0, s3;
	[sflag:s0] =	ssyncset.done $0x0  }
0x28c: {  	[sflag:s0] =	ssyncadd.s32 s1  }
0x28d: {  	[sflag:s0] =	ssyncpa.u1 $0x1  }
.LBB2_54:
0x28e: {  	_ =	sfence;
	s0 =	simm.s32 $0x1  }
0x28f: {  	[sflag:s0] =	ssyncpa.u1 $0x1  }
0x290: {  	_ =	strace $0x9000004D  }
0x291: {  	[bflag:$0x2] =	sbarrier.arrive $0xFFFF  }
0x292: {  	s0 =	rddreg [dreg:$0x3]  }
0x293: {  	s0 =	sadd.s32 @!p0 $0x100000, s0  }
0x294: {  	[sflag:s0] =	ssyncadd.tile.s32 @!p0 $0x1;
	_ =	shalt  }
.Lfunc_end2:
_tile_overlayer_lowered:
.L_overlay_start_2:
0x295: {  	(tag) =	ssettag $0x2  }
0x296: {  	s0 =	rddreg [dreg:$0x0];
	s2 =	stileid.u32  }
0x297: {  	s1 =	rddreg [dreg:$0x1];
	p0 =	sne.s32 s2, $0x0  }
0x298: {  	s3 =	rddreg [dreg:$0x2];
	[bflag:$0x3] =	sbarrier.arrive $0xFFFF;
	s2 =	simm.s32 @!p0 $0x1C01  }
0x299: {  	[timem:s3], [sflag:s2] =	dma.local @!p0 [hbm:s0], s1  }
0x29a: {  	s0 =	simm.s32 @!p0 $0x1  }
0x29b: {  	_ =	swait.ge @!p0 [sflag:s0], s1  }
0x29c: {  	s1 =	ssub.s32 @!p0 $0x0, s1;
	[sflag:s0] =	ssyncset.done @!p0 $0x0  }
0x29d: {  	[sflag:s0] =	ssyncadd.s32 @!p0 s1  }
0x29e: {  	[bflag:$0x3] =	sbarrier.arrive $0xFFFF  }
0x29f: {  	_ =	shalt  }

</sc_bundles>
